<compile_context>
chip_gen: v7x
topology: tpu7x:2x2x1
jax: 0.10.2.dev20260603
libtpu: 0.0.44.dev20260713+nightly
codegen_flags: <defaults>
</compile_context>

<pallas_src>
import functools

import jax
import jax.numpy as jnp
from jax import lax
from jax.experimental import pallas as pl
from jax.experimental.pallas import tpu as pltpu
from jax.experimental.pallas import tpu_sc as plsc

N = 10000
E = 320000
D = 128
G = 64
NP_ = 10016
HN = 10240
NS = 16
NC = 2
CH = 128
NCHUNK = (E + NS * CH - 1) // (NS * CH)
EPT = NCHUNK * CH
EP = EPT * NS
RPT = NP_ // NS
HRPT = HN // NS

_mesh = plsc.VectorSubcoreMesh(core_axis_name="c", subcore_axis_name="s")
_sc_params = pltpu.CompilerParams(needs_layout_passes=False,
                                  use_tc_tiling_on_sc=False)


def _deg_body(idx_hbm, deg_hbm, idx_v, hist_v, gath_v, out_v, hist_sh):
    c = lax.axis_index("c")
    s = lax.axis_index("s")

    z16 = jnp.zeros((16,), jnp.float32)

    def zero_hist(i, carry):
        hist_v[pl.ds(i * 16, 16)] = z16
        return carry

    lax.fori_loop(0, HN // 16, zero_hist, 0)

    pltpu.sync_copy(idx_hbm.at[c, pl.ds(s * EPT, EPT)], idx_v)

    ones16 = jnp.ones((16,), jnp.float32)

    def accum(i, carry):
        ii = idx_v[pl.ds(i * 16, 16)]
        plsc.addupdate_scatter(hist_v, [ii], ones16)
        return carry

    lax.fori_loop(0, EPT // 16, accum, 0)

    pltpu.sync_copy(hist_v, hist_sh.at[s])
    plsc.subcore_barrier()

    for i in range(NS):
        pltpu.sync_copy(hist_sh.at[i, pl.ds(s * HRPT, HRPT)], gath_v.at[i])

    def red(j, carry):
        t = gath_v[0, pl.ds(j * 16, 16)]
        for i in range(1, NS):
            t = t + gath_v[i, pl.ds(j * 16, 16)]
        out_v[pl.ds(j * 16, 16)] = t
        return carry

    lax.fori_loop(0, HRPT // 16, red, 0)
    pltpu.sync_copy(out_v, deg_hbm.at[c, pl.ds(s * HRPT, HRPT)])


@functools.partial(
    pl.kernel,
    out_type=jax.ShapeDtypeStruct((NC, HN), jnp.float32),
    mesh=_mesh,
    scratch_types=[
        pltpu.VMEM((EPT,), jnp.int32),
        pltpu.VMEM((HN,), jnp.float32),
        pltpu.VMEM((NS, HRPT), jnp.float32),
        pltpu.VMEM((HRPT,), jnp.float32),
        pltpu.VMEM_SHARED((NS, HN), jnp.float32),
    ],
    compiler_params=_sc_params,
)
def _deg_call(idx_hbm, deg_hbm, idx_v, hist_v, gath_v, out_v, hist_sh):
    _deg_body(idx_hbm, deg_hbm, idx_v, hist_v, gath_v, out_v, hist_sh)


def _prop_body(tab_hbm, eidx_hbm, out_hbm, eb, rows_v, acc_sh,
               isem, gsem, ssem):
    c = lax.axis_index("c")
    s = lax.axis_index("s")

    def idx_copy(m):
        return pltpu.make_async_copy(eidx_hbm.at[c, s, m], eb.at[m % 5],
                                     isem.at[m % 5])

    def gath_copy(j):
        return pltpu.make_async_copy(tab_hbm.at[eb.at[j % 5, 0]],
                                     rows_v.at[j % 3], gsem.at[j % 3])

    def scat_copy(j):
        return pltpu.make_async_copy(rows_v.at[j % 3],
                                     acc_sh.at[eb.at[j % 5, 1]],
                                     ssem.at[j % 3])

    for m in range(4):
        idx_copy(m).start()

    z16 = jnp.zeros((16,), jnp.float32)

    def zrow(i, carry):
        def zcol(k, carry2):
            rows_v[0, i, pl.ds(k * 16, 16)] = z16
            return carry2
        return lax.fori_loop(0, D // 16, zcol, carry)

    lax.fori_loop(0, CH, zrow, 0)

    base = s * RPT
    for k in range(RPT // CH):
        pltpu.sync_copy(rows_v.at[0], acc_sh.at[pl.ds(base + k * CH, CH)])
    rem = RPT % CH
    if rem:
        pltpu.sync_copy(rows_v.at[0, pl.ds(0, rem)],
                        acc_sh.at[pl.ds(base + (RPT // CH) * CH, rem)])
    plsc.subcore_barrier()

    idx_copy(0).wait()
    gath_copy(0).start()
    idx_copy(1).wait()
    gath_copy(1).start()

    def step(j, carry):
        gath_copy(j).wait()
        scat_copy(j).start(add=True)

        @pl.when(j + 2 < NCHUNK)
        def _():
            idx_copy(j + 2).wait()

            @pl.when(j >= 1)
            def _():
                scat_copy(j - 1).wait()

            gath_copy(j + 2).start()

        @pl.when(j + 4 < NCHUNK)
        def _():
            idx_copy(j + 4).start()

        return carry

    lax.fori_loop(0, NCHUNK, step, 0)
    for jj in range(NCHUNK - 3, NCHUNK):
        scat_copy(jj).wait()
    plsc.subcore_barrier()

    pltpu.sync_copy(acc_sh.at[pl.ds(s * RPT, RPT)],
                    out_hbm.at[c, pl.ds(s * RPT, RPT)])


@functools.partial(
    pl.kernel,
    out_type=jax.ShapeDtypeStruct((NC, NP_, D), jnp.float32),
    mesh=_mesh,
    scratch_types=[
        pltpu.VMEM((5, 2, CH), jnp.int32),
        pltpu.VMEM((3, CH, D), jnp.float32),
        pltpu.VMEM_SHARED((NP_, D), jnp.float32),
        pltpu.SemaphoreType.DMA((5,)),
        pltpu.SemaphoreType.DMA((3,)),
        pltpu.SemaphoreType.DMA((3,)),
    ],
    compiler_params=_sc_params,
)
def _prop_call(tab_hbm, eidx_hbm, out_hbm, eb, rows_v, acc_sh,
               isem, gsem, ssem):
    _prop_body(tab_hbm, eidx_hbm, out_hbm, eb, rows_v, acc_sh,
               isem, gsem, ssem)


GP = G + 1
QF = 655360
QPT = QF // NS


def _qbuild_body(epq_hbm, dis_hbm, batch_hbm, q_hbm,
                 ep_v, col_v, dis_v, batch_v, fidx_v, vals_v, zq_v,
                 q_sh, ssem):
    c = lax.axis_index("c")
    s = lax.axis_index("s")

    pltpu.sync_copy(epq_hbm.at[c, s, 0], ep_v)
    pltpu.sync_copy(epq_hbm.at[c, s, 1], col_v)
    pltpu.sync_copy(dis_hbm.at[c], dis_v)
    pltpu.sync_copy(batch_hbm, batch_v)

    z16 = jnp.zeros((16,), jnp.float32)

    def zloop(i, carry):
        zq_v[pl.ds(i * 16, 16)] = z16
        return carry

    lax.fori_loop(0, zq_v.shape[0] // 16, zloop, 0)
    for k in range(QPT // zq_v.shape[0]):
        pltpu.sync_copy(zq_v, q_sh.at[pl.ds(s * QPT + k * zq_v.shape[0],
                                            zq_v.shape[0])])
    plsc.subcore_barrier()

    def scat_q(j):
        return pltpu.make_async_copy(vals_v.at[j % 2],
                                     q_sh.at[fidx_v.at[j % 2]],
                                     ssem.at[j % 2])

    def step(j, carry):
        b = j % 2

        @pl.when(j >= 2)
        def _():
            scat_q(j - 2).wait()

        def grp(k, carry2):
            off = j * CH + k * 16
            ep = ep_v[pl.ds(off, 16)]
            cl = col_v[pl.ds(off, 16)]
            dv = plsc.load_gather(dis_v, [ep])
            bv = plsc.load_gather(batch_v, [ep])
            fidx_v[b, pl.ds(k * 16, 16)] = bv * NP_ + cl
            vals_v[b, pl.ds(k * 16, 16)] = dv
            return carry2

        lax.fori_loop(0, CH // 16, grp, 0)
        scat_q(j).start(add=True)
        return carry

    lax.fori_loop(0, NCHUNK, step, 0)
    for jj in range(NCHUNK - 2, NCHUNK):
        scat_q(jj).wait()
    plsc.subcore_barrier()

    pltpu.sync_copy(q_sh.at[pl.ds(s * QPT, QPT)],
                    q_hbm.at[c, pl.ds(s * QPT, QPT)])


@functools.partial(
    pl.kernel,
    out_type=jax.ShapeDtypeStruct((NC, QF), jnp.float32),
    mesh=_mesh,
    scratch_types=[
        pltpu.VMEM((EPT,), jnp.int32),
        pltpu.VMEM((EPT,), jnp.int32),
        pltpu.VMEM((NP_,), jnp.float32),
        pltpu.VMEM((NP_,), jnp.int32),
        pltpu.VMEM((2, CH), jnp.int32),
        pltpu.VMEM((2, CH), jnp.float32),
        pltpu.VMEM((8192,), jnp.float32),
        pltpu.VMEM_SHARED((QF,), jnp.float32),
        pltpu.SemaphoreType.DMA((2,)),
    ],
    compiler_params=_sc_params,
)
def _qbuild_call(epq_hbm, dis_hbm, batch_hbm, q_hbm,
                 ep_v, col_v, dis_v, batch_v, fidx_v, vals_v, zq_v,
                 q_sh, ssem):
    _qbuild_body(epq_hbm, dis_hbm, batch_hbm, q_hbm,
                 ep_v, col_v, dis_v, batch_v, fidx_v, vals_v, zq_v,
                 q_sh, ssem)


def _k1_body(deg_ref, x_ref, w_ref, hs_ref, dis_ref):
    dis = lax.rsqrt(deg_ref[0, 0] + 1.0)
    h = jnp.dot(x_ref[...], w_ref[0], preferred_element_type=jnp.float32)
    hs_ref[0] = h * dis[:, None]
    dis_ref[0, 0] = dis


def _k1(deg, x_pad, w1s):
    return pl.pallas_call(
        _k1_body,
        grid=(NC,),
        in_specs=[
            pl.BlockSpec((1, 1, NP_), lambda c: (c, 0, 0)),
            pl.BlockSpec((NP_, D), lambda c: (0, 0)),
            pl.BlockSpec((1, D, D), lambda c: (c, 0, 0)),
        ],
        out_specs=[
            pl.BlockSpec((1, NP_, D), lambda c: (c, 0, 0)),
            pl.BlockSpec((1, 1, NP_), lambda c: (c, 0, 0)),
        ],
        out_shape=[
            jax.ShapeDtypeStruct((NC, NP_, D), jnp.float32),
            jax.ShapeDtypeStruct((NC, 1, NP_), jnp.float32),
        ],
    )(deg, x_pad, w1s)


def _k2_body(acc_ref, hs1_ref, dis_ref, b1_ref, w2_ref, hs2_ref):
    dis = dis_ref[0, 0]
    h2 = jnp.maximum(dis[:, None] * (acc_ref[0] + hs1_ref[0]) + b1_ref[0], 0.0)
    hs2_ref[0] = jnp.dot(h2, w2_ref[0], preferred_element_type=jnp.float32) * dis[:, None]


def _k2(acc1, hs1, dis, b1s, w2s):
    return pl.pallas_call(
        _k2_body,
        grid=(NC,),
        in_specs=[
            pl.BlockSpec((1, NP_, D), lambda c: (c, 0, 0)),
            pl.BlockSpec((1, NP_, D), lambda c: (c, 0, 0)),
            pl.BlockSpec((1, 1, NP_), lambda c: (c, 0, 0)),
            pl.BlockSpec((1, 1, D), lambda c: (c, 0, 0)),
            pl.BlockSpec((1, D, D), lambda c: (c, 0, 0)),
        ],
        out_specs=pl.BlockSpec((1, NP_, D), lambda c: (c, 0, 0)),
        out_shape=jax.ShapeDtypeStruct((NC, NP_, D), jnp.float32),
    )(acc1, hs1, dis, b1s.reshape(NC, 1, D), w2s)


def _k3_body(q_ref, hs2_ref, dis_ref, b2_ref, batch_ref, out_ref):
    dis = dis_ref[0, 0]
    b = batch_ref[0]
    gids = lax.broadcasted_iota(jnp.int32, (G, NP_), 0)
    hit = gids == b[None, :]
    p = q_ref[0, :G] + jnp.where(hit, dis[None, :], 0.0)
    cnt = jnp.sum(jnp.where(hit, 1.0, 0.0), axis=1)
    hs = jnp.dot(p, hs2_ref[0], preferred_element_type=jnp.float32)
    out_ref[0] = hs + cnt[:, None] * b2_ref[0]


def _k3(q3, hs2, dis, b2s, batch_pad):
    return pl.pallas_call(
        _k3_body,
        grid=(NC,),
        in_specs=[
            pl.BlockSpec((1, GP, NP_), lambda c: (c, 0, 0)),
            pl.BlockSpec((1, NP_, D), lambda c: (c, 0, 0)),
            pl.BlockSpec((1, 1, NP_), lambda c: (c, 0, 0)),
            pl.BlockSpec((1, 1, D), lambda c: (c, 0, 0)),
            pl.BlockSpec((1, NP_), lambda c: (0, 0)),
        ],
        out_specs=pl.BlockSpec((1, G, D), lambda c: (c, 0, 0)),
        out_shape=jax.ShapeDtypeStruct((NC, G, D), jnp.float32),
    )(q3, hs2, dis, b2s.reshape(NC, 1, D), batch_pad)


def kernel(x, edge_index, batch, W_td1, b_td1, W_td2, b_td2,
           W_bu1, b_bu1, W_bu2, b_bu2):
    src = edge_index[0]
    dst = edge_index[1]
    pad = EP - E
    i32 = jnp.int32

    padN = jnp.full((pad,), N, dtype=i32)
    pad0 = jnp.zeros((pad,), dtype=i32)

    degidx = jnp.stack([jnp.concatenate([dst, padN]),
                        jnp.concatenate([src, padN])])
    gidx = jnp.stack([jnp.concatenate([src, pad0]),
                      jnp.concatenate([dst + NP_, jnp.full((pad,), NP_, i32)])])
    sidx = jnp.stack([jnp.concatenate([dst, padN]),
                      jnp.concatenate([src, padN])])
    eidx = jnp.stack([gidx.reshape(NC, NS, NCHUNK, CH),
                      sidx.reshape(NC, NS, NCHUNK, CH)], axis=3)

    x_pad = jnp.pad(x, ((0, NP_ - N), (0, 0)))
    batch_pad = jnp.pad(batch, (0, NP_ - N), constant_values=G)[None, :]

    w1s = jnp.stack([W_td1, W_bu1])
    b1s = jnp.stack([b_td1, b_bu1])
    w2s = jnp.stack([W_td2, W_bu2])
    b2s = jnp.stack([b_td2, b_bu2])

    epq = jnp.stack([degidx.reshape(NC, NS, EPT),
                     jnp.stack([jnp.concatenate([src, pad0]),
                                jnp.concatenate([dst, pad0])]
                               ).reshape(NC, NS, EPT)], axis=2)

    deg = _deg_call(degidx)[:, :NP_].reshape(NC, 1, NP_)
    hs1, dis = _k1(deg, x_pad, w1s)
    acc1 = _prop_call(hs1.reshape(NC * NP_, D), eidx)
    hs2 = _k2(acc1, hs1, dis, b1s, w2s)
    qflat = _qbuild_call(epq, dis.reshape(NC, NP_), batch_pad[0])
    q3 = qflat[:, :GP * NP_].reshape(NC, GP, NP_)
    out = _k3(q3, hs2, dis, b2s, batch_pad)
    return jnp.concatenate([out[0], out[1]], axis=1)

# --- scband reference (transcript-rebuilt; emitter-appended) ---
"""Pipeline reference for scband-bi-gcn-graphcl-78357383348239 (READ-ONLY COPY).

The authoritative reference and input builder live on the scoring server;
editing this copy changes nothing except your own understanding.
"""

import jax, jax.numpy as jnp
import numpy as np

N = 10000
E = 320000
D = 128
H = 128
OUT = 128
G = 64


def setup_inputs(seed: int = 0) -> dict:
    key = jax.random.key(seed)
    ks = jax.random.split(key, 12)
    x = jax.random.normal(ks[0], (N, D), dtype=jnp.float32)
    edge_index = jax.random.randint(ks[1], (2, E), 0, N, dtype=jnp.int32)
    batch = jnp.sort(jax.random.randint(ks[2], (N,), 0, G, dtype=jnp.int32))
    def glorot(k, shape):
        fan_in, fan_out = shape[0], shape[1]
        lim = jnp.sqrt(6.0 / (fan_in + fan_out))
        return jax.random.uniform(k, shape, dtype=jnp.float32, minval=-lim, maxval=lim)
    return {
        "x": x,
        "edge_index": edge_index,
        "batch": batch,
        "W_td1": glorot(ks[3], (D, H)), "b_td1": jnp.zeros((H,), jnp.float32),
        "W_td2": glorot(ks[4], (H, OUT)), "b_td2": jnp.zeros((OUT,), jnp.float32),
        "W_bu1": glorot(ks[5], (D, H)), "b_bu1": jnp.zeros((H,), jnp.float32),
        "W_bu2": glorot(ks[6], (H, OUT)), "b_bu2": jnp.zeros((OUT,), jnp.float32),
    }


def _gcn_conv(x, W, b, src, dst, n):
    # PyG GCNConv: linear transform, add self-loops, symmetric normalization, scatter-add
    h = x @ W
    loop = jnp.arange(n, dtype=src.dtype)
    s = jnp.concatenate([src, loop])
    d = jnp.concatenate([dst, loop])
    deg = jnp.zeros((n,), x.dtype).at[d].add(1.0)
    dis = jnp.where(deg > 0, 1.0 / jnp.sqrt(deg), 0.0)
    norm = dis[s] * dis[d]
    msg = h[s] * norm[:, None]
    out = jnp.zeros((n, W.shape[1]), x.dtype).at[d].add(msg)
    return out + b


def _branch(x, src, dst, batch, W1, b1, W2, b2):
    n = x.shape[0]
    h = _gcn_conv(x, W1, b1, src, dst, n)
    h = jax.nn.relu(h)
    # dropout is identity in eval mode
    h = _gcn_conv(h, W2, b2, src, dst, n)
    hs = jax.ops.segment_sum(h, batch, num_segments=G)
    return hs


def reference(x, edge_index, batch, W_td1, b_td1, W_td2, b_td2, W_bu1, b_bu1, W_bu2, b_bu2):
    src, dst = edge_index[0], edge_index[1]
    # TD branch uses edge_index as-is
    td_hs = _branch(x, src, dst, batch, W_td1, b_td1, W_td2, b_td2)
    # BU branch flips edge direction: torch.flip(edge_index, dims=[0])
    bu_hs = _branch(x, dst, src, batch, W_bu1, b_bu1, W_bu2, b_bu2)
    return jnp.concatenate([td_hs, bu_hs], axis=1)

if __name__ == "__main__":
    import jax
    _d = setup_inputs()
    print(jax.jit(kernel)(*tuple(_d.values())))

</pallas_src>

<mosaic_0001>
#map = affine_map<(d0, d1) -> (0, 0)>
module attributes {stable_mosaic.version = 14 : i64} {
  func.func @_deg_call(%arg0: i32, %arg1: i32, %arg2: memref<2x321536xi32, #tpu.memory_space<hbm>>, %arg3: memref<2x10240xf32, #tpu.memory_space<hbm>>, %arg4: memref<20096xi32, #tpu.memory_space<vmem>>, %arg5: memref<10240xf32, #tpu.memory_space<vmem>>, %arg6: memref<16x640xf32, #tpu.memory_space<vmem>>, %arg7: memref<640xf32, #tpu.memory_space<vmem>>, %arg8: memref<16x10240xf32, #tpu.memory_space<vmem_shared>>) attributes {dimension_semantics = [#tpu.dimension_semantics<core_parallel>, #tpu.dimension_semantics<subcore_parallel>], iteration_bounds = array<i64: 2, 16>, scalar_prefetch = 0 : i64, scratch_operands = 5 : i64, tpu.core_type = #tpu.core_type<sc_vector_subcore>, window_params = [{transform_indices = #map}, {transform_indices = #map}]} {
    %broadcast_in_dim3A = arith.constant 0.000000e+00 : f32
    %broadcast_in_dim3A_0 = vector.broadcast %broadcast_in_dim3A : f32 to vector<16xf32>
    %scan3A = arith.constant 0 : i32
    %scan3A_1 = arith.constant 0 : i32
    %scan3A_2 = arith.constant 640 : i32
    %scan3A_3 = arith.addi %scan3A_1, %scan3A_2 : i32
    %scan3A_4 = arith.constant 1 : i32
    scf.for %scan3A_86 = %scan3A_1 to %scan3A_3 step %scan3A_4  : i32 {
      %mul3A_87 = arith.constant 16 : i32
      %mul3A_88 = arith.muli %scan3A_86, %mul3A_87 : i32
      %swap3A = arith.index_cast %mul3A_88 : i32 to index
      %swap3A_89 = tpu.vector_load %arg5[%swap3A] {strides = array<i32>} : memref<10240xf32, #tpu.memory_space<vmem>>, vector<16xf32>,
      tpu.vector_store %arg5[%swap3A], %broadcast_in_dim3A_0 {strides = array<i32>} : memref<10240xf32, #tpu.memory_space<vmem>>, vector<16xf32>,
    }
    %scan3A_5 = arith.constant 640 : i32
    %mul3A = arith.constant 20096 : i32
    %mul3A_6 = arith.muli %arg1, %mul3A : i32
    "tpu.region"() ({
      %run_scoped3A_86 = tpu.sem_alloc : memref<!tpu.dma_semaphore, #tpu.memory_space<semaphore_mem>>
      %dma_start3A = tpu.memref_slice %arg2[%arg0, %mul3A_6] : memref<2x321536xi32, #tpu.memory_space<hbm>> -> memref<1x20096xi32, #tpu.memory_space<hbm>>
      %dma_start3A_87 = tpu.memref_squeeze %dma_start3A : memref<1x20096xi32, #tpu.memory_space<hbm>> -> memref<20096xi32, #tpu.memory_space<hbm>>
      %dma_start3A_88 = tpu.memref_slice %arg2[%arg0, %mul3A_6] : memref<2x321536xi32, #tpu.memory_space<hbm>> -> memref<1x20096xi32, #tpu.memory_space<hbm>>
      %dma_start3A_89 = tpu.memref_squeeze %dma_start3A_88 : memref<1x20096xi32, #tpu.memory_space<hbm>> -> memref<20096xi32, #tpu.memory_space<hbm>>
      tpu.enqueue_dma source(%dma_start3A_89 : memref<20096xi32, #tpu.memory_space<hbm>>) target(%arg4 : memref<20096xi32, #tpu.memory_space<vmem>>) target_semaphore(%run_scoped3A_86 : memref<!tpu.dma_semaphore, #tpu.memory_space<semaphore_mem>>)
      %dma_wait3A = tpu.memref_slice %arg2[%arg0, %mul3A_6] : memref<2x321536xi32, #tpu.memory_space<hbm>> -> memref<1x20096xi32, #tpu.memory_space<hbm>>
      %dma_wait3A_90 = tpu.memref_squeeze %dma_wait3A : memref<1x20096xi32, #tpu.memory_space<hbm>> -> memref<20096xi32, #tpu.memory_space<hbm>>
      %dma_wait3A_91 = tpu.memref_slice %arg2[%arg0, %mul3A_6] : memref<2x321536xi32, #tpu.memory_space<hbm>> -> memref<1x20096xi32, #tpu.memory_space<hbm>>
      %dma_wait3A_92 = tpu.memref_squeeze %dma_wait3A_91 : memref<1x20096xi32, #tpu.memory_space<hbm>> -> memref<20096xi32, #tpu.memory_space<hbm>>
      tpu.wait_dma2 semaphore(%run_scoped3A_86 : memref<!tpu.dma_semaphore, #tpu.memory_space<semaphore_mem>>) src(%dma_wait3A_92 : memref<20096xi32, #tpu.memory_space<hbm>>) dst(%arg4 : memref<20096xi32, #tpu.memory_space<vmem>>)
      tpu.yield
    }) : () -> ()
    %broadcast_in_dim3A_7 = arith.constant 1.000000e+00 : f32
    %broadcast_in_dim3A_8 = vector.broadcast %broadcast_in_dim3A_7 : f32 to vector<16xf32>
    %scan3A_9 = arith.constant 0 : i32
    %scan3A_10 = arith.constant 0 : i32
    %scan3A_11 = arith.constant 1256 : i32
    %scan3A_12 = arith.addi %scan3A_10, %scan3A_11 : i32
    %scan3A_13 = arith.constant 1 : i32
    scf.for %scan3A_86 = %scan3A_10 to %scan3A_12 step %scan3A_13  : i32 {
      %mul3A_87 = arith.constant 16 : i32
      %mul3A_88 = arith.muli %scan3A_86, %mul3A_87 : i32
      %get3A = arith.index_cast %mul3A_88 : i32 to index
      %get3A_89 = tpu.vector_load %arg4[%get3A] {strides = array<i32>} : memref<20096xi32, #tpu.memory_space<vmem>>, vector<16xi32>,
      tpu.vector_store_idx %arg5[%get3A_89], %broadcast_in_dim3A_8 {add = true} : memref<10240xf32, #tpu.memory_space<vmem>>[vector<16xi32>], vector<16xf32>,
    }
    %scan3A_14 = arith.constant 1256 : i32
    "tpu.region"() ({
      %run_scoped3A_86 = tpu.sem_alloc : memref<!tpu.dma_semaphore, #tpu.memory_space<semaphore_mem>>
      %dma_start3A = arith.constant 0 : i32
      %dma_start3A_87 = tpu.memref_slice %arg8[%arg1, %dma_start3A] : memref<16x10240xf32, #tpu.memory_space<vmem_shared>> -> memref<1x10240xf32, #tpu.memory_space<vmem_shared>>
      %dma_start3A_88 = tpu.memref_squeeze %dma_start3A_87 : memref<1x10240xf32, #tpu.memory_space<vmem_shared>> -> memref<10240xf32, #tpu.memory_space<vmem_shared>>
      %dma_start3A_89 = arith.constant 0 : i32
      %dma_start3A_90 = tpu.memref_slice %arg8[%arg1, %dma_start3A_89] : memref<16x10240xf32, #tpu.memory_space<vmem_shared>> -> memref<1x10240xf32, #tpu.memory_space<vmem_shared>>
      %dma_start3A_91 = tpu.memref_squeeze %dma_start3A_90 : memref<1x10240xf32, #tpu.memory_space<vmem_shared>> -> memref<10240xf32, #tpu.memory_space<vmem_shared>>
      tpu.enqueue_dma source(%arg5 : memref<10240xf32, #tpu.memory_space<vmem>>) target(%dma_start3A_91 : memref<10240xf32, #tpu.memory_space<vmem_shared>>) target_semaphore(%run_scoped3A_86 : memref<!tpu.dma_semaphore, #tpu.memory_space<semaphore_mem>>)
      %dma_wait3A = arith.constant 0 : i32
      %dma_wait3A_92 = tpu.memref_slice %arg8[%arg1, %dma_wait3A] : memref<16x10240xf32, #tpu.memory_space<vmem_shared>> -> memref<1x10240xf32, #tpu.memory_space<vmem_shared>>
      %dma_wait3A_93 = tpu.memref_squeeze %dma_wait3A_92 : memref<1x10240xf32, #tpu.memory_space<vmem_shared>> -> memref<10240xf32, #tpu.memory_space<vmem_shared>>
      %dma_wait3A_94 = arith.constant 0 : i32
      %dma_wait3A_95 = tpu.memref_slice %arg8[%arg1, %dma_wait3A_94] : memref<16x10240xf32, #tpu.memory_space<vmem_shared>> -> memref<1x10240xf32, #tpu.memory_space<vmem_shared>>
      %dma_wait3A_96 = tpu.memref_squeeze %dma_wait3A_95 : memref<1x10240xf32, #tpu.memory_space<vmem_shared>> -> memref<10240xf32, #tpu.memory_space<vmem_shared>>
      tpu.wait_dma2 semaphore(%run_scoped3A_86 : memref<!tpu.dma_semaphore, #tpu.memory_space<semaphore_mem>>) src(%arg5 : memref<10240xf32, #tpu.memory_space<vmem>>) dst(%dma_wait3A_96 : memref<10240xf32, #tpu.memory_space<vmem_shared>>)
      tpu.yield
    }) : () -> ()
    %barrier3A = arith.constant 0 : index
    tpu.barrier barrier_id(%barrier3A)
    %mul3A_15 = arith.constant 640 : i32
    %mul3A_16 = arith.muli %arg1, %mul3A_15 : i32
    %run_scoped3A = arith.constant 0 : i32
    %run_scoped3A_17 = arith.constant 0 : i32
    "tpu.region"() ({
      %run_scoped3A_86 = tpu.sem_alloc : memref<!tpu.dma_semaphore, #tpu.memory_space<semaphore_mem>>
      %dma_start3A = arith.constant 0 : i32
      %dma_start3A_87 = tpu.memref_slice %arg6[%run_scoped3A_17, %dma_start3A] : memref<16x640xf32, #tpu.memory_space<vmem>> -> memref<1x640xf32, #tpu.memory_space<vmem>>
      %dma_start3A_88 = tpu.memref_squeeze %dma_start3A_87 : memref<1x640xf32, #tpu.memory_space<vmem>> -> memref<640xf32, #tpu.memory_space<vmem>>
      %dma_start3A_89 = tpu.memref_slice %arg8[%run_scoped3A, %mul3A_16] : memref<16x10240xf32, #tpu.memory_space<vmem_shared>> -> memref<1x640xf32, #tpu.memory_space<vmem_shared>>
      %dma_start3A_90 = tpu.memref_squeeze %dma_start3A_89 : memref<1x640xf32, #tpu.memory_space<vmem_shared>> -> memref<640xf32, #tpu.memory_space<vmem_shared>>
      %dma_start3A_91 = arith.constant 0 : i32
      %dma_start3A_92 = tpu.memref_slice %arg6[%run_scoped3A_17, %dma_start3A_91] : memref<16x640xf32, #tpu.memory_space<vmem>> -> memref<1x640xf32, #tpu.memory_space<vmem>>
      %dma_start3A_93 = tpu.memref_squeeze %dma_start3A_92 : memref<1x640xf32, #tpu.memory_space<vmem>> -> memref<640xf32, #tpu.memory_space<vmem>>
      %dma_start3A_94 = tpu.memref_slice %arg8[%run_scoped3A, %mul3A_16] : memref<16x10240xf32, #tpu.memory_space<vmem_shared>> -> memref<1x640xf32, #tpu.memory_space<vmem_shared>>
      %dma_start3A_95 = tpu.memref_squeeze %dma_start3A_94 : memref<1x640xf32, #tpu.memory_space<vmem_shared>> -> memref<640xf32, #tpu.memory_space<vmem_shared>>
      tpu.enqueue_dma source(%dma_start3A_95 : memref<640xf32, #tpu.memory_space<vmem_shared>>) target(%dma_start3A_93 : memref<640xf32, #tpu.memory_space<vmem>>) target_semaphore(%run_scoped3A_86 : memref<!tpu.dma_semaphore, #tpu.memory_space<semaphore_mem>>)
      %dma_wait3A = arith.constant 0 : i32
      %dma_wait3A_96 = tpu.memref_slice %arg6[%run_scoped3A_17, %dma_wait3A] : memref<16x640xf32, #tpu.memory_space<vmem>> -> memref<1x640xf32, #tpu.memory_space<vmem>>
      %dma_wait3A_97 = tpu.memref_squeeze %dma_wait3A_96 : memref<1x640xf32, #tpu.memory_space<vmem>> -> memref<640xf32, #tpu.memory_space<vmem>>
      %dma_wait3A_98 = tpu.memref_slice %arg8[%run_scoped3A, %mul3A_16] : memref<16x10240xf32, #tpu.memory_space<vmem_shared>> -> memref<1x640xf32, #tpu.memory_space<vmem_shared>>
      %dma_wait3A_99 = tpu.memref_squeeze %dma_wait3A_98 : memref<1x640xf32, #tpu.memory_space<vmem_shared>> -> memref<640xf32, #tpu.memory_space<vmem_shared>>
      %dma_wait3A_100 = arith.constant 0 : i32
      %dma_wait3A_101 = tpu.memref_slice %arg6[%run_scoped3A_17, %dma_wait3A_100] : memref<16x640xf32, #tpu.memory_space<vmem>> -> memref<1x640xf32, #tpu.memory_space<vmem>>
      %dma_wait3A_102 = tpu.memref_squeeze %dma_wait3A_101 : memref<1x640xf32, #tpu.memory_space<vmem>> -> memref<640xf32, #tpu.memory_space<vmem>>
      %dma_wait3A_103 = tpu.memref_slice %arg8[%run_scoped3A, %mul3A_16] : memref<16x10240xf32, #tpu.memory_space<vmem_shared>> -> memref<1x640xf32, #tpu.memory_space<vmem_shared>>
      %dma_wait3A_104 = tpu.memref_squeeze %dma_wait3A_103 : memref<1x640xf32, #tpu.memory_space<vmem_shared>> -> memref<640xf32, #tpu.memory_space<vmem_shared>>
      tpu.wait_dma2 semaphore(%run_scoped3A_86 : memref<!tpu.dma_semaphore, #tpu.memory_space<semaphore_mem>>) src(%dma_wait3A_104 : memref<640xf32, #tpu.memory_space<vmem_shared>>) dst(%dma_wait3A_102 : memref<640xf32, #tpu.memory_space<vmem>>)
      tpu.yield
    }) : () -> ()
    %mul3A_18 = arith.constant 640 : i32
    %mul3A_19 = arith.muli %arg1, %mul3A_18 : i32
    %run_scoped3A_20 = arith.constant 1 : i32
    %run_scoped3A_21 = arith.constant 1 : i32
    "tpu.region"() ({
      %run_scoped3A_86 = tpu.sem_alloc : memref<!tpu.dma_semaphore, #tpu.memory_space<semaphore_mem>>
      %dma_start3A = arith.constant 0 : i32
      %dma_start3A_87 = tpu.memref_slice %arg6[%run_scoped3A_21, %dma_start3A] : memref<16x640xf32, #tpu.memory_space<vmem>> -> memref<1x640xf32, #tpu.memory_space<vmem>>
      %dma_start3A_88 = tpu.memref_squeeze %dma_start3A_87 : memref<1x640xf32, #tpu.memory_space<vmem>> -> memref<640xf32, #tpu.memory_space<vmem>>
      %dma_start3A_89 = tpu.memref_slice %arg8[%run_scoped3A_20, %mul3A_19] : memref<16x10240xf32, #tpu.memory_space<vmem_shared>> -> memref<1x640xf32, #tpu.memory_space<vmem_shared>>
      %dma_start3A_90 = tpu.memref_squeeze %dma_start3A_89 : memref<1x640xf32, #tpu.memory_space<vmem_shared>> -> memref<640xf32, #tpu.memory_space<vmem_shared>>
      %dma_start3A_91 = arith.constant 0 : i32
      %dma_start3A_92 = tpu.memref_slice %arg6[%run_scoped3A_21, %dma_start3A_91] : memref<16x640xf32, #tpu.memory_space<vmem>> -> memref<1x640xf32, #tpu.memory_space<vmem>>
      %dma_start3A_93 = tpu.memref_squeeze %dma_start3A_92 : memref<1x640xf32, #tpu.memory_space<vmem>> -> memref<640xf32, #tpu.memory_space<vmem>>
      %dma_start3A_94 = tpu.memref_slice %arg8[%run_scoped3A_20, %mul3A_19] : memref<16x10240xf32, #tpu.memory_space<vmem_shared>> -> memref<1x640xf32, #tpu.memory_space<vmem_shared>>
      %dma_start3A_95 = tpu.memref_squeeze %dma_start3A_94 : memref<1x640xf32, #tpu.memory_space<vmem_shared>> -> memref<640xf32, #tpu.memory_space<vmem_shared>>
      tpu.enqueue_dma source(%dma_start3A_95 : memref<640xf32, #tpu.memory_space<vmem_shared>>) target(%dma_start3A_93 : memref<640xf32, #tpu.memory_space<vmem>>) target_semaphore(%run_scoped3A_86 : memref<!tpu.dma_semaphore, #tpu.memory_space<semaphore_mem>>)
      %dma_wait3A = arith.constant 0 : i32
      %dma_wait3A_96 = tpu.memref_slice %arg6[%run_scoped3A_21, %dma_wait3A] : memref<16x640xf32, #tpu.memory_space<vmem>> -> memref<1x640xf32, #tpu.memory_space<vmem>>
      %dma_wait3A_97 = tpu.memref_squeeze %dma_wait3A_96 : memref<1x640xf32, #tpu.memory_space<vmem>> -> memref<640xf32, #tpu.memory_space<vmem>>
      %dma_wait3A_98 = tpu.memref_slice %arg8[%run_scoped3A_20, %mul3A_19] : memref<16x10240xf32, #tpu.memory_space<vmem_shared>> -> memref<1x640xf32, #tpu.memory_space<vmem_shared>>
      %dma_wait3A_99 = tpu.memref_squeeze %dma_wait3A_98 : memref<1x640xf32, #tpu.memory_space<vmem_shared>> -> memref<640xf32, #tpu.memory_space<vmem_shared>>
      %dma_wait3A_100 = arith.constant 0 : i32
      %dma_wait3A_101 = tpu.memref_slice %arg6[%run_scoped3A_21, %dma_wait3A_100] : memref<16x640xf32, #tpu.memory_space<vmem>> -> memref<1x640xf32, #tpu.memory_space<vmem>>
      %dma_wait3A_102 = tpu.memref_squeeze %dma_wait3A_101 : memref<1x640xf32, #tpu.memory_space<vmem>> -> memref<640xf32, #tpu.memory_space<vmem>>
      %dma_wait3A_103 = tpu.memref_slice %arg8[%run_scoped3A_20, %mul3A_19] : memref<16x10240xf32, #tpu.memory_space<vmem_shared>> -> memref<1x640xf32, #tpu.memory_space<vmem_shared>>
      %dma_wait3A_104 = tpu.memref_squeeze %dma_wait3A_103 : memref<1x640xf32, #tpu.memory_space<vmem_shared>> -> memref<640xf32, #tpu.memory_space<vmem_shared>>
      tpu.wait_dma2 semaphore(%run_scoped3A_86 : memref<!tpu.dma_semaphore, #tpu.memory_space<semaphore_mem>>) src(%dma_wait3A_104 : memref<640xf32, #tpu.memory_space<vmem_shared>>) dst(%dma_wait3A_102 : memref<640xf32, #tpu.memory_space<vmem>>)
      tpu.yield
    }) : () -> ()
    %mul3A_22 = arith.constant 640 : i32
    %mul3A_23 = arith.muli %arg1, %mul3A_22 : i32
    %run_scoped3A_24 = arith.constant 2 : i32
    %run_scoped3A_25 = arith.constant 2 : i32
    "tpu.region"() ({
      %run_scoped3A_86 = tpu.sem_alloc : memref<!tpu.dma_semaphore, #tpu.memory_space<semaphore_mem>>
      %dma_start3A = arith.constant 0 : i32
      %dma_start3A_87 = tpu.memref_slice %arg6[%run_scoped3A_25, %dma_start3A] : memref<16x640xf32, #tpu.memory_space<vmem>> -> memref<1x640xf32, #tpu.memory_space<vmem>>
      %dma_start3A_88 = tpu.memref_squeeze %dma_start3A_87 : memref<1x640xf32, #tpu.memory_space<vmem>> -> memref<640xf32, #tpu.memory_space<vmem>>
      %dma_start3A_89 = tpu.memref_slice %arg8[%run_scoped3A_24, %mul3A_23] : memref<16x10240xf32, #tpu.memory_space<vmem_shared>> -> memref<1x640xf32, #tpu.memory_space<vmem_shared>>
      %dma_start3A_90 = tpu.memref_squeeze %dma_start3A_89 : memref<1x640xf32, #tpu.memory_space<vmem_shared>> -> memref<640xf32, #tpu.memory_space<vmem_shared>>
      %dma_start3A_91 = arith.constant 0 : i32
      %dma_start3A_92 = tpu.memref_slice %arg6[%run_scoped3A_25, %dma_start3A_91] : memref<16x640xf32, #tpu.memory_space<vmem>> -> memref<1x640xf32, #tpu.memory_space<vmem>>
      %dma_start3A_93 = tpu.memref_squeeze %dma_start3A_92 : memref<1x640xf32, #tpu.memory_space<vmem>> -> memref<640xf32, #tpu.memory_space<vmem>>
      %dma_start3A_94 = tpu.memref_slice %arg8[%run_scoped3A_24, %mul3A_23] : memref<16x10240xf32, #tpu.memory_space<vmem_shared>> -> memref<1x640xf32, #tpu.memory_space<vmem_shared>>
      %dma_start3A_95 = tpu.memref_squeeze %dma_start3A_94 : memref<1x640xf32, #tpu.memory_space<vmem_shared>> -> memref<640xf32, #tpu.memory_space<vmem_shared>>
      tpu.enqueue_dma source(%dma_start3A_95 : memref<640xf32, #tpu.memory_space<vmem_shared>>) target(%dma_start3A_93 : memref<640xf32, #tpu.memory_space<vmem>>) target_semaphore(%run_scoped3A_86 : memref<!tpu.dma_semaphore, #tpu.memory_space<semaphore_mem>>)
      %dma_wait3A = arith.constant 0 : i32
      %dma_wait3A_96 = tpu.memref_slice %arg6[%run_scoped3A_25, %dma_wait3A] : memref<16x640xf32, #tpu.memory_space<vmem>> -> memref<1x640xf32, #tpu.memory_space<vmem>>
      %dma_wait3A_97 = tpu.memref_squeeze %dma_wait3A_96 : memref<1x640xf32, #tpu.memory_space<vmem>> -> memref<640xf32, #tpu.memory_space<vmem>>
      %dma_wait3A_98 = tpu.memref_slice %arg8[%run_scoped3A_24, %mul3A_23] : memref<16x10240xf32, #tpu.memory_space<vmem_shared>> -> memref<1x640xf32, #tpu.memory_space<vmem_shared>>
      %dma_wait3A_99 = tpu.memref_squeeze %dma_wait3A_98 : memref<1x640xf32, #tpu.memory_space<vmem_shared>> -> memref<640xf32, #tpu.memory_space<vmem_shared>>
      %dma_wait3A_100 = arith.constant 0 : i32
      %dma_wait3A_101 = tpu.memref_slice %arg6[%run_scoped3A_25, %dma_wait3A_100] : memref<16x640xf32, #tpu.memory_space<vmem>> -> memref<1x640xf32, #tpu.memory_space<vmem>>
      %dma_wait3A_102 = tpu.memref_squeeze %dma_wait3A_101 : memref<1x640xf32, #tpu.memory_space<vmem>> -> memref<640xf32, #tpu.memory_space<vmem>>
      %dma_wait3A_103 = tpu.memref_slice %arg8[%run_scoped3A_24, %mul3A_23] : memref<16x10240xf32, #tpu.memory_space<vmem_shared>> -> memref<1x640xf32, #tpu.memory_space<vmem_shared>>
      %dma_wait3A_104 = tpu.memref_squeeze %dma_wait3A_103 : memref<1x640xf32, #tpu.memory_space<vmem_shared>> -> memref<640xf32, #tpu.memory_space<vmem_shared>>
      tpu.wait_dma2 semaphore(%run_scoped3A_86 : memref<!tpu.dma_semaphore, #tpu.memory_space<semaphore_mem>>) src(%dma_wait3A_104 : memref<640xf32, #tpu.memory_space<vmem_shared>>) dst(%dma_wait3A_102 : memref<640xf32, #tpu.memory_space<vmem>>)
      tpu.yield
    }) : () -> ()
    %mul3A_26 = arith.constant 640 : i32
    %mul3A_27 = arith.muli %arg1, %mul3A_26 : i32
    %run_scoped3A_28 = arith.constant 3 : i32
    %run_scoped3A_29 = arith.constant 3 : i32
    "tpu.region"() ({
      %run_scoped3A_86 = tpu.sem_alloc : memref<!tpu.dma_semaphore, #tpu.memory_space<semaphore_mem>>
      %dma_start3A = arith.constant 0 : i32
      %dma_start3A_87 = tpu.memref_slice %arg6[%run_scoped3A_29, %dma_start3A] : memref<16x640xf32, #tpu.memory_space<vmem>> -> memref<1x640xf32, #tpu.memory_space<vmem>>
      %dma_start3A_88 = tpu.memref_squeeze %dma_start3A_87 : memref<1x640xf32, #tpu.memory_space<vmem>> -> memref<640xf32, #tpu.memory_space<vmem>>
      %dma_start3A_89 = tpu.memref_slice %arg8[%run_scoped3A_28, %mul3A_27] : memref<16x10240xf32, #tpu.memory_space<vmem_shared>> -> memref<1x640xf32, #tpu.memory_space<vmem_shared>>
      %dma_start3A_90 = tpu.memref_squeeze %dma_start3A_89 : memref<1x640xf32, #tpu.memory_space<vmem_shared>> -> memref<640xf32, #tpu.memory_space<vmem_shared>>
      %dma_start3A_91 = arith.constant 0 : i32
      %dma_start3A_92 = tpu.memref_slice %arg6[%run_scoped3A_29, %dma_start3A_91] : memref<16x640xf32, #tpu.memory_space<vmem>> -> memref<1x640xf32, #tpu.memory_space<vmem>>
      %dma_start3A_93 = tpu.memref_squeeze %dma_start3A_92 : memref<1x640xf32, #tpu.memory_space<vmem>> -> memref<640xf32, #tpu.memory_space<vmem>>
      %dma_start3A_94 = tpu.memref_slice %arg8[%run_scoped3A_28, %mul3A_27] : memref<16x10240xf32, #tpu.memory_space<vmem_shared>> -> memref<1x640xf32, #tpu.memory_space<vmem_shared>>
      %dma_start3A_95 = tpu.memref_squeeze %dma_start3A_94 : memref<1x640xf32, #tpu.memory_space<vmem_shared>> -> memref<640xf32, #tpu.memory_space<vmem_shared>>
      tpu.enqueue_dma source(%dma_start3A_95 : memref<640xf32, #tpu.memory_space<vmem_shared>>) target(%dma_start3A_93 : memref<640xf32, #tpu.memory_space<vmem>>) target_semaphore(%run_scoped3A_86 : memref<!tpu.dma_semaphore, #tpu.memory_space<semaphore_mem>>)
      %dma_wait3A = arith.constant 0 : i32
      %dma_wait3A_96 = tpu.memref_slice %arg6[%run_scoped3A_29, %dma_wait3A] : memref<16x640xf32, #tpu.memory_space<vmem>> -> memref<1x640xf32, #tpu.memory_space<vmem>>
      %dma_wait3A_97 = tpu.memref_squeeze %dma_wait3A_96 : memref<1x640xf32, #tpu.memory_space<vmem>> -> memref<640xf32, #tpu.memory_space<vmem>>
      %dma_wait3A_98 = tpu.memref_slice %arg8[%run_scoped3A_28, %mul3A_27] : memref<16x10240xf32, #tpu.memory_space<vmem_shared>> -> memref<1x640xf32, #tpu.memory_space<vmem_shared>>
      %dma_wait3A_99 = tpu.memref_squeeze %dma_wait3A_98 : memref<1x640xf32, #tpu.memory_space<vmem_shared>> -> memref<640xf32, #tpu.memory_space<vmem_shared>>
      %dma_wait3A_100 = arith.constant 0 : i32
      %dma_wait3A_101 = tpu.memref_slice %arg6[%run_scoped3A_29, %dma_wait3A_100] : memref<16x640xf32, #tpu.memory_space<vmem>> -> memref<1x640xf32, #tpu.memory_space<vmem>>
      %dma_wait3A_102 = tpu.memref_squeeze %dma_wait3A_101 : memref<1x640xf32, #tpu.memory_space<vmem>> -> memref<640xf32, #tpu.memory_space<vmem>>
      %dma_wait3A_103 = tpu.memref_slice %arg8[%run_scoped3A_28, %mul3A_27] : memref<16x10240xf32, #tpu.memory_space<vmem_shared>> -> memref<1x640xf32, #tpu.memory_space<vmem_shared>>
      %dma_wait3A_104 = tpu.memref_squeeze %dma_wait3A_103 : memref<1x640xf32, #tpu.memory_space<vmem_shared>> -> memref<640xf32, #tpu.memory_space<vmem_shared>>
      tpu.wait_dma2 semaphore(%run_scoped3A_86 : memref<!tpu.dma_semaphore, #tpu.memory_space<semaphore_mem>>) src(%dma_wait3A_104 : memref<640xf32, #tpu.memory_space<vmem_shared>>) dst(%dma_wait3A_102 : memref<640xf32, #tpu.memory_space<vmem>>)
      tpu.yield
    }) : () -> ()
    %mul3A_30 = arith.constant 640 : i32
    %mul3A_31 = arith.muli %arg1, %mul3A_30 : i32
    %run_scoped3A_32 = arith.constant 4 : i32
    %run_scoped3A_33 = arith.constant 4 : i32
    "tpu.region"() ({
      %run_scoped3A_86 = tpu.sem_alloc : memref<!tpu.dma_semaphore, #tpu.memory_space<semaphore_mem>>
      %dma_start3A = arith.constant 0 : i32
      %dma_start3A_87 = tpu.memref_slice %arg6[%run_scoped3A_33, %dma_start3A] : memref<16x640xf32, #tpu.memory_space<vmem>> -> memref<1x640xf32, #tpu.memory_space<vmem>>
      %dma_start3A_88 = tpu.memref_squeeze %dma_start3A_87 : memref<1x640xf32, #tpu.memory_space<vmem>> -> memref<640xf32, #tpu.memory_space<vmem>>
      %dma_start3A_89 = tpu.memref_slice %arg8[%run_scoped3A_32, %mul3A_31] : memref<16x10240xf32, #tpu.memory_space<vmem_shared>> -> memref<1x640xf32, #tpu.memory_space<vmem_shared>>
      %dma_start3A_90 = tpu.memref_squeeze %dma_start3A_89 : memref<1x640xf32, #tpu.memory_space<vmem_shared>> -> memref<640xf32, #tpu.memory_space<vmem_shared>>
      %dma_start3A_91 = arith.constant 0 : i32
      %dma_start3A_92 = tpu.memref_slice %arg6[%run_scoped3A_33, %dma_start3A_91] : memref<16x640xf32, #tpu.memory_space<vmem>> -> memref<1x640xf32, #tpu.memory_space<vmem>>
      %dma_start3A_93 = tpu.memref_squeeze %dma_start3A_92 : memref<1x640xf32, #tpu.memory_space<vmem>> -> memref<640xf32, #tpu.memory_space<vmem>>
      %dma_start3A_94 = tpu.memref_slice %arg8[%run_scoped3A_32, %mul3A_31] : memref<16x10240xf32, #tpu.memory_space<vmem_shared>> -> memref<1x640xf32, #tpu.memory_space<vmem_shared>>
      %dma_start3A_95 = tpu.memref_squeeze %dma_start3A_94 : memref<1x640xf32, #tpu.memory_space<vmem_shared>> -> memref<640xf32, #tpu.memory_space<vmem_shared>>
      tpu.enqueue_dma source(%dma_start3A_95 : memref<640xf32, #tpu.memory_space<vmem_shared>>) target(%dma_start3A_93 : memref<640xf32, #tpu.memory_space<vmem>>) target_semaphore(%run_scoped3A_86 : memref<!tpu.dma_semaphore, #tpu.memory_space<semaphore_mem>>)
      %dma_wait3A = arith.constant 0 : i32
      %dma_wait3A_96 = tpu.memref_slice %arg6[%run_scoped3A_33, %dma_wait3A] : memref<16x640xf32, #tpu.memory_space<vmem>> -> memref<1x640xf32, #tpu.memory_space<vmem>>
      %dma_wait3A_97 = tpu.memref_squeeze %dma_wait3A_96 : memref<1x640xf32, #tpu.memory_space<vmem>> -> memref<640xf32, #tpu.memory_space<vmem>>
      %dma_wait3A_98 = tpu.memref_slice %arg8[%run_scoped3A_32, %mul3A_31] : memref<16x10240xf32, #tpu.memory_space<vmem_shared>> -> memref<1x640xf32, #tpu.memory_space<vmem_shared>>
      %dma_wait3A_99 = tpu.memref_squeeze %dma_wait3A_98 : memref<1x640xf32, #tpu.memory_space<vmem_shared>> -> memref<640xf32, #tpu.memory_space<vmem_shared>>
      %dma_wait3A_100 = arith.constant 0 : i32
      %dma_wait3A_101 = tpu.memref_slice %arg6[%run_scoped3A_33, %dma_wait3A_100] : memref<16x640xf32, #tpu.memory_space<vmem>> -> memref<1x640xf32, #tpu.memory_space<vmem>>
      %dma_wait3A_102 = tpu.memref_squeeze %dma_wait3A_101 : memref<1x640xf32, #tpu.memory_space<vmem>> -> memref<640xf32, #tpu.memory_space<vmem>>
      %dma_wait3A_103 = tpu.memref_slice %arg8[%run_scoped3A_32, %mul3A_31] : memref<16x10240xf32, #tpu.memory_space<vmem_shared>> -> memref<1x640xf32, #tpu.memory_space<vmem_shared>>
      %dma_wait3A_104 = tpu.memref_squeeze %dma_wait3A_103 : memref<1x640xf32, #tpu.memory_space<vmem_shared>> -> memref<640xf32, #tpu.memory_space<vmem_shared>>
      tpu.wait_dma2 semaphore(%run_scoped3A_86 : memref<!tpu.dma_semaphore, #tpu.memory_space<semaphore_mem>>) src(%dma_wait3A_104 : memref<640xf32, #tpu.memory_space<vmem_shared>>) dst(%dma_wait3A_102 : memref<640xf32, #tpu.memory_space<vmem>>)
      tpu.yield
    }) : () -> ()
    %mul3A_34 = arith.constant 640 : i32
    %mul3A_35 = arith.muli %arg1, %mul3A_34 : i32
    %run_scoped3A_36 = arith.constant 5 : i32
    %run_scoped3A_37 = arith.constant 5 : i32
    "tpu.region"() ({
      %run_scoped3A_86 = tpu.sem_alloc : memref<!tpu.dma_semaphore, #tpu.memory_space<semaphore_mem>>
      %dma_start3A = arith.constant 0 : i32
      %dma_start3A_87 = tpu.memref_slice %arg6[%run_scoped3A_37, %dma_start3A] : memref<16x640xf32, #tpu.memory_space<vmem>> -> memref<1x640xf32, #tpu.memory_space<vmem>>
      %dma_start3A_88 = tpu.memref_squeeze %dma_start3A_87 : memref<1x640xf32, #tpu.memory_space<vmem>> -> memref<640xf32, #tpu.memory_space<vmem>>
      %dma_start3A_89 = tpu.memref_slice %arg8[%run_scoped3A_36, %mul3A_35] : memref<16x10240xf32, #tpu.memory_space<vmem_shared>> -> memref<1x640xf32, #tpu.memory_space<vmem_shared>>
      %dma_start3A_90 = tpu.memref_squeeze %dma_start3A_89 : memref<1x640xf32, #tpu.memory_space<vmem_shared>> -> memref<640xf32, #tpu.memory_space<vmem_shared>>
      %dma_start3A_91 = arith.constant 0 : i32
      %dma_start3A_92 = tpu.memref_slice %arg6[%run_scoped3A_37, %dma_start3A_91] : memref<16x640xf32, #tpu.memory_space<vmem>> -> memref<1x640xf32, #tpu.memory_space<vmem>>
      %dma_start3A_93 = tpu.memref_squeeze %dma_start3A_92 : memref<1x640xf32, #tpu.memory_space<vmem>> -> memref<640xf32, #tpu.memory_space<vmem>>
      %dma_start3A_94 = tpu.memref_slice %arg8[%run_scoped3A_36, %mul3A_35] : memref<16x10240xf32, #tpu.memory_space<vmem_shared>> -> memref<1x640xf32, #tpu.memory_space<vmem_shared>>
      %dma_start3A_95 = tpu.memref_squeeze %dma_start3A_94 : memref<1x640xf32, #tpu.memory_space<vmem_shared>> -> memref<640xf32, #tpu.memory_space<vmem_shared>>
      tpu.enqueue_dma source(%dma_start3A_95 : memref<640xf32, #tpu.memory_space<vmem_shared>>) target(%dma_start3A_93 : memref<640xf32, #tpu.memory_space<vmem>>) target_semaphore(%run_scoped3A_86 : memref<!tpu.dma_semaphore, #tpu.memory_space<semaphore_mem>>)
      %dma_wait3A = arith.constant 0 : i32
      %dma_wait3A_96 = tpu.memref_slice %arg6[%run_scoped3A_37, %dma_wait3A] : memref<16x640xf32, #tpu.memory_space<vmem>> -> memref<1x640xf32, #tpu.memory_space<vmem>>
      %dma_wait3A_97 = tpu.memref_squeeze %dma_wait3A_96 : memref<1x640xf32, #tpu.memory_space<vmem>> -> memref<640xf32, #tpu.memory_space<vmem>>
      %dma_wait3A_98 = tpu.memref_slice %arg8[%run_scoped3A_36, %mul3A_35] : memref<16x10240xf32, #tpu.memory_space<vmem_shared>> -> memref<1x640xf32, #tpu.memory_space<vmem_shared>>
      %dma_wait3A_99 = tpu.memref_squeeze %dma_wait3A_98 : memref<1x640xf32, #tpu.memory_space<vmem_shared>> -> memref<640xf32, #tpu.memory_space<vmem_shared>>
      %dma_wait3A_100 = arith.constant 0 : i32
      %dma_wait3A_101 = tpu.memref_slice %arg6[%run_scoped3A_37, %dma_wait3A_100] : memref<16x640xf32, #tpu.memory_space<vmem>> -> memref<1x640xf32, #tpu.memory_space<vmem>>
      %dma_wait3A_102 = tpu.memref_squeeze %dma_wait3A_101 : memref<1x640xf32, #tpu.memory_space<vmem>> -> memref<640xf32, #tpu.memory_space<vmem>>
      %dma_wait3A_103 = tpu.memref_slice %arg8[%run_scoped3A_36, %mul3A_35] : memref<16x10240xf32, #tpu.memory_space<vmem_shared>> -> memref<1x640xf32, #tpu.memory_space<vmem_shared>>
      %dma_wait3A_104 = tpu.memref_squeeze %dma_wait3A_103 : memref<1x640xf32, #tpu.memory_space<vmem_shared>> -> memref<640xf32, #tpu.memory_space<vmem_shared>>
      tpu.wait_dma2 semaphore(%run_scoped3A_86 : memref<!tpu.dma_semaphore, #tpu.memory_space<semaphore_mem>>) src(%dma_wait3A_104 : memref<640xf32, #tpu.memory_space<vmem_shared>>) dst(%dma_wait3A_102 : memref<640xf32, #tpu.memory_space<vmem>>)
      tpu.yield
    }) : () -> ()
    %mul3A_38 = arith.constant 640 : i32
    %mul3A_39 = arith.muli %arg1, %mul3A_38 : i32
    %run_scoped3A_40 = arith.constant 6 : i32
    %run_scoped3A_41 = arith.constant 6 : i32
    "tpu.region"() ({
      %run_scoped3A_86 = tpu.sem_alloc : memref<!tpu.dma_semaphore, #tpu.memory_space<semaphore_mem>>
      %dma_start3A = arith.constant 0 : i32
      %dma_start3A_87 = tpu.memref_slice %arg6[%run_scoped3A_41, %dma_start3A] : memref<16x640xf32, #tpu.memory_space<vmem>> -> memref<1x640xf32, #tpu.memory_space<vmem>>
      %dma_start3A_88 = tpu.memref_squeeze %dma_start3A_87 : memref<1x640xf32, #tpu.memory_space<vmem>> -> memref<640xf32, #tpu.memory_space<vmem>>
      %dma_start3A_89 = tpu.memref_slice %arg8[%run_scoped3A_40, %mul3A_39] : memref<16x10240xf32, #tpu.memory_space<vmem_shared>> -> memref<1x640xf32, #tpu.memory_space<vmem_shared>>
      %dma_start3A_90 = tpu.memref_squeeze %dma_start3A_89 : memref<1x640xf32, #tpu.memory_space<vmem_shared>> -> memref<640xf32, #tpu.memory_space<vmem_shared>>
      %dma_start3A_91 = arith.constant 0 : i32
      %dma_start3A_92 = tpu.memref_slice %arg6[%run_scoped3A_41, %dma_start3A_91] : memref<16x640xf32, #tpu.memory_space<vmem>> -> memref<1x640xf32, #tpu.memory_space<vmem>>
      %dma_start3A_93 = tpu.memref_squeeze %dma_start3A_92 : memref<1x640xf32, #tpu.memory_space<vmem>> -> memref<640xf32, #tpu.memory_space<vmem>>
      %dma_start3A_94 = tpu.memref_slice %arg8[%run_scoped3A_40, %mul3A_39] : memref<16x10240xf32, #tpu.memory_space<vmem_shared>> -> memref<1x640xf32, #tpu.memory_space<vmem_shared>>
      %dma_start3A_95 = tpu.memref_squeeze %dma_start3A_94 : memref<1x640xf32, #tpu.memory_space<vmem_shared>> -> memref<640xf32, #tpu.memory_space<vmem_shared>>
      tpu.enqueue_dma source(%dma_start3A_95 : memref<640xf32, #tpu.memory_space<vmem_shared>>) target(%dma_start3A_93 : memref<640xf32, #tpu.memory_space<vmem>>) target_semaphore(%run_scoped3A_86 : memref<!tpu.dma_semaphore, #tpu.memory_space<semaphore_mem>>)
      %dma_wait3A = arith.constant 0 : i32
      %dma_wait3A_96 = tpu.memref_slice %arg6[%run_scoped3A_41, %dma_wait3A] : memref<16x640xf32, #tpu.memory_space<vmem>> -> memref<1x640xf32, #tpu.memory_space<vmem>>
      %dma_wait3A_97 = tpu.memref_squeeze %dma_wait3A_96 : memref<1x640xf32, #tpu.memory_space<vmem>> -> memref<640xf32, #tpu.memory_space<vmem>>
      %dma_wait3A_98 = tpu.memref_slice %arg8[%run_scoped3A_40, %mul3A_39] : memref<16x10240xf32, #tpu.memory_space<vmem_shared>> -> memref<1x640xf32, #tpu.memory_space<vmem_shared>>
      %dma_wait3A_99 = tpu.memref_squeeze %dma_wait3A_98 : memref<1x640xf32, #tpu.memory_space<vmem_shared>> -> memref<640xf32, #tpu.memory_space<vmem_shared>>
      %dma_wait3A_100 = arith.constant 0 : i32
      %dma_wait3A_101 = tpu.memref_slice %arg6[%run_scoped3A_41, %dma_wait3A_100] : memref<16x640xf32, #tpu.memory_space<vmem>> -> memref<1x640xf32, #tpu.memory_space<vmem>>
      %dma_wait3A_102 = tpu.memref_squeeze %dma_wait3A_101 : memref<1x640xf32, #tpu.memory_space<vmem>> -> memref<640xf32, #tpu.memory_space<vmem>>
      %dma_wait3A_103 = tpu.memref_slice %arg8[%run_scoped3A_40, %mul3A_39] : memref<16x10240xf32, #tpu.memory_space<vmem_shared>> -> memref<1x640xf32, #tpu.memory_space<vmem_shared>>
      %dma_wait3A_104 = tpu.memref_squeeze %dma_wait3A_103 : memref<1x640xf32, #tpu.memory_space<vmem_shared>> -> memref<640xf32, #tpu.memory_space<vmem_shared>>
      tpu.wait_dma2 semaphore(%run_scoped3A_86 : memref<!tpu.dma_semaphore, #tpu.memory_space<semaphore_mem>>) src(%dma_wait3A_104 : memref<640xf32, #tpu.memory_space<vmem_shared>>) dst(%dma_wait3A_102 : memref<640xf32, #tpu.memory_space<vmem>>)
      tpu.yield
    }) : () -> ()
    %mul3A_42 = arith.constant 640 : i32
    %mul3A_43 = arith.muli %arg1, %mul3A_42 : i32
    %run_scoped3A_44 = arith.constant 7 : i32
    %run_scoped3A_45 = arith.constant 7 : i32
    "tpu.region"() ({
      %run_scoped3A_86 = tpu.sem_alloc : memref<!tpu.dma_semaphore, #tpu.memory_space<semaphore_mem>>
      %dma_start3A = arith.constant 0 : i32
      %dma_start3A_87 = tpu.memref_slice %arg6[%run_scoped3A_45, %dma_start3A] : memref<16x640xf32, #tpu.memory_space<vmem>> -> memref<1x640xf32, #tpu.memory_space<vmem>>
      %dma_start3A_88 = tpu.memref_squeeze %dma_start3A_87 : memref<1x640xf32, #tpu.memory_space<vmem>> -> memref<640xf32, #tpu.memory_space<vmem>>
      %dma_start3A_89 = tpu.memref_slice %arg8[%run_scoped3A_44, %mul3A_43] : memref<16x10240xf32, #tpu.memory_space<vmem_shared>> -> memref<1x640xf32, #tpu.memory_space<vmem_shared>>
      %dma_start3A_90 = tpu.memref_squeeze %dma_start3A_89 : memref<1x640xf32, #tpu.memory_space<vmem_shared>> -> memref<640xf32, #tpu.memory_space<vmem_shared>>
      %dma_start3A_91 = arith.constant 0 : i32
      %dma_start3A_92 = tpu.memref_slice %arg6[%run_scoped3A_45, %dma_start3A_91] : memref<16x640xf32, #tpu.memory_space<vmem>> -> memref<1x640xf32, #tpu.memory_space<vmem>>
      %dma_start3A_93 = tpu.memref_squeeze %dma_start3A_92 : memref<1x640xf32, #tpu.memory_space<vmem>> -> memref<640xf32, #tpu.memory_space<vmem>>
      %dma_start3A_94 = tpu.memref_slice %arg8[%run_scoped3A_44, %mul3A_43] : memref<16x10240xf32, #tpu.memory_space<vmem_shared>> -> memref<1x640xf32, #tpu.memory_space<vmem_shared>>
      %dma_start3A_95 = tpu.memref_squeeze %dma_start3A_94 : memref<1x640xf32, #tpu.memory_space<vmem_shared>> -> memref<640xf32, #tpu.memory_space<vmem_shared>>
      tpu.enqueue_dma source(%dma_start3A_95 : memref<640xf32, #tpu.memory_space<vmem_shared>>) target(%dma_start3A_93 : memref<640xf32, #tpu.memory_space<vmem>>) target_semaphore(%run_scoped3A_86 : memref<!tpu.dma_semaphore, #tpu.memory_space<semaphore_mem>>)
      %dma_wait3A = arith.constant 0 : i32
      %dma_wait3A_96 = tpu.memref_slice %arg6[%run_scoped3A_45, %dma_wait3A] : memref<16x640xf32, #tpu.memory_space<vmem>> -> memref<1x640xf32, #tpu.memory_space<vmem>>
      %dma_wait3A_97 = tpu.memref_squeeze %dma_wait3A_96 : memref<1x640xf32, #tpu.memory_space<vmem>> -> memref<640xf32, #tpu.memory_space<vmem>>
      %dma_wait3A_98 = tpu.memref_slice %arg8[%run_scoped3A_44, %mul3A_43] : memref<16x10240xf32, #tpu.memory_space<vmem_shared>> -> memref<1x640xf32, #tpu.memory_space<vmem_shared>>
      %dma_wait3A_99 = tpu.memref_squeeze %dma_wait3A_98 : memref<1x640xf32, #tpu.memory_space<vmem_shared>> -> memref<640xf32, #tpu.memory_space<vmem_shared>>
      %dma_wait3A_100 = arith.constant 0 : i32
      %dma_wait3A_101 = tpu.memref_slice %arg6[%run_scoped3A_45, %dma_wait3A_100] : memref<16x640xf32, #tpu.memory_space<vmem>> -> memref<1x640xf32, #tpu.memory_space<vmem>>
      %dma_wait3A_102 = tpu.memref_squeeze %dma_wait3A_101 : memref<1x640xf32, #tpu.memory_space<vmem>> -> memref<640xf32, #tpu.memory_space<vmem>>
      %dma_wait3A_103 = tpu.memref_slice %arg8[%run_scoped3A_44, %mul3A_43] : memref<16x10240xf32, #tpu.memory_space<vmem_shared>> -> memref<1x640xf32, #tpu.memory_space<vmem_shared>>
      %dma_wait3A_104 = tpu.memref_squeeze %dma_wait3A_103 : memref<1x640xf32, #tpu.memory_space<vmem_shared>> -> memref<640xf32, #tpu.memory_space<vmem_shared>>
      tpu.wait_dma2 semaphore(%run_scoped3A_86 : memref<!tpu.dma_semaphore, #tpu.memory_space<semaphore_mem>>) src(%dma_wait3A_104 : memref<640xf32, #tpu.memory_space<vmem_shared>>) dst(%dma_wait3A_102 : memref<640xf32, #tpu.memory_space<vmem>>)
      tpu.yield
    }) : () -> ()
    %mul3A_46 = arith.constant 640 : i32
    %mul3A_47 = arith.muli %arg1, %mul3A_46 : i32
    %run_scoped3A_48 = arith.constant 8 : i32
    %run_scoped3A_49 = arith.constant 8 : i32
    "tpu.region"() ({
      %run_scoped3A_86 = tpu.sem_alloc : memref<!tpu.dma_semaphore, #tpu.memory_space<semaphore_mem>>
      %dma_start3A = arith.constant 0 : i32
      %dma_start3A_87 = tpu.memref_slice %arg6[%run_scoped3A_49, %dma_start3A] : memref<16x640xf32, #tpu.memory_space<vmem>> -> memref<1x640xf32, #tpu.memory_space<vmem>>
      %dma_start3A_88 = tpu.memref_squeeze %dma_start3A_87 : memref<1x640xf32, #tpu.memory_space<vmem>> -> memref<640xf32, #tpu.memory_space<vmem>>
      %dma_start3A_89 = tpu.memref_slice %arg8[%run_scoped3A_48, %mul3A_47] : memref<16x10240xf32, #tpu.memory_space<vmem_shared>> -> memref<1x640xf32, #tpu.memory_space<vmem_shared>>
      %dma_start3A_90 = tpu.memref_squeeze %dma_start3A_89 : memref<1x640xf32, #tpu.memory_space<vmem_shared>> -> memref<640xf32, #tpu.memory_space<vmem_shared>>
      %dma_start3A_91 = arith.constant 0 : i32
      %dma_start3A_92 = tpu.memref_slice %arg6[%run_scoped3A_49, %dma_start3A_91] : memref<16x640xf32, #tpu.memory_space<vmem>> -> memref<1x640xf32, #tpu.memory_space<vmem>>
      %dma_start3A_93 = tpu.memref_squeeze %dma_start3A_92 : memref<1x640xf32, #tpu.memory_space<vmem>> -> memref<640xf32, #tpu.memory_space<vmem>>
      %dma_start3A_94 = tpu.memref_slice %arg8[%run_scoped3A_48, %mul3A_47] : memref<16x10240xf32, #tpu.memory_space<vmem_shared>> -> memref<1x640xf32, #tpu.memory_space<vmem_shared>>
      %dma_start3A_95 = tpu.memref_squeeze %dma_start3A_94 : memref<1x640xf32, #tpu.memory_space<vmem_shared>> -> memref<640xf32, #tpu.memory_space<vmem_shared>>
      tpu.enqueue_dma source(%dma_start3A_95 : memref<640xf32, #tpu.memory_space<vmem_shared>>) target(%dma_start3A_93 : memref<640xf32, #tpu.memory_space<vmem>>) target_semaphore(%run_scoped3A_86 : memref<!tpu.dma_semaphore, #tpu.memory_space<semaphore_mem>>)
      %dma_wait3A = arith.constant 0 : i32
      %dma_wait3A_96 = tpu.memref_slice %arg6[%run_scoped3A_49, %dma_wait3A] : memref<16x640xf32, #tpu.memory_space<vmem>> -> memref<1x640xf32, #tpu.memory_space<vmem>>
      %dma_wait3A_97 = tpu.memref_squeeze %dma_wait3A_96 : memref<1x640xf32, #tpu.memory_space<vmem>> -> memref<640xf32, #tpu.memory_space<vmem>>
      %dma_wait3A_98 = tpu.memref_slice %arg8[%run_scoped3A_48, %mul3A_47] : memref<16x10240xf32, #tpu.memory_space<vmem_shared>> -> memref<1x640xf32, #tpu.memory_space<vmem_shared>>
      %dma_wait3A_99 = tpu.memref_squeeze %dma_wait3A_98 : memref<1x640xf32, #tpu.memory_space<vmem_shared>> -> memref<640xf32, #tpu.memory_space<vmem_shared>>
      %dma_wait3A_100 = arith.constant 0 : i32
      %dma_wait3A_101 = tpu.memref_slice %arg6[%run_scoped3A_49, %dma_wait3A_100] : memref<16x640xf32, #tpu.memory_space<vmem>> -> memref<1x640xf32, #tpu.memory_space<vmem>>
      %dma_wait3A_102 = tpu.memref_squeeze %dma_wait3A_101 : memref<1x640xf32, #tpu.memory_space<vmem>> -> memref<640xf32, #tpu.memory_space<vmem>>
      %dma_wait3A_103 = tpu.memref_slice %arg8[%run_scoped3A_48, %mul3A_47] : memref<16x10240xf32, #tpu.memory_space<vmem_shared>> -> memref<1x640xf32, #tpu.memory_space<vmem_shared>>
      %dma_wait3A_104 = tpu.memref_squeeze %dma_wait3A_103 : memref<1x640xf32, #tpu.memory_space<vmem_shared>> -> memref<640xf32, #tpu.memory_space<vmem_shared>>
      tpu.wait_dma2 semaphore(%run_scoped3A_86 : memref<!tpu.dma_semaphore, #tpu.memory_space<semaphore_mem>>) src(%dma_wait3A_104 : memref<640xf32, #tpu.memory_space<vmem_shared>>) dst(%dma_wait3A_102 : memref<640xf32, #tpu.memory_space<vmem>>)
      tpu.yield
    }) : () -> ()
    %mul3A_50 = arith.constant 640 : i32
    %mul3A_51 = arith.muli %arg1, %mul3A_50 : i32
    %run_scoped3A_52 = arith.constant 9 : i32
    %run_scoped3A_53 = arith.constant 9 : i32
    "tpu.region"() ({
      %run_scoped3A_86 = tpu.sem_alloc : memref<!tpu.dma_semaphore, #tpu.memory_space<semaphore_mem>>
      %dma_start3A = arith.constant 0 : i32
      %dma_start3A_87 = tpu.memref_slice %arg6[%run_scoped3A_53, %dma_start3A] : memref<16x640xf32, #tpu.memory_space<vmem>> -> memref<1x640xf32, #tpu.memory_space<vmem>>
      %dma_start3A_88 = tpu.memref_squeeze %dma_start3A_87 : memref<1x640xf32, #tpu.memory_space<vmem>> -> memref<640xf32, #tpu.memory_space<vmem>>
      %dma_start3A_89 = tpu.memref_slice %arg8[%run_scoped3A_52, %mul3A_51] : memref<16x10240xf32, #tpu.memory_space<vmem_shared>> -> memref<1x640xf32, #tpu.memory_space<vmem_shared>>
      %dma_start3A_90 = tpu.memref_squeeze %dma_start3A_89 : memref<1x640xf32, #tpu.memory_space<vmem_shared>> -> memref<640xf32, #tpu.memory_space<vmem_shared>>
      %dma_start3A_91 = arith.constant 0 : i32
      %dma_start3A_92 = tpu.memref_slice %arg6[%run_scoped3A_53, %dma_start3A_91] : memref<16x640xf32, #tpu.memory_space<vmem>> -> memref<1x640xf32, #tpu.memory_space<vmem>>
      %dma_start3A_93 = tpu.memref_squeeze %dma_start3A_92 : memref<1x640xf32, #tpu.memory_space<vmem>> -> memref<640xf32, #tpu.memory_space<vmem>>
      %dma_start3A_94 = tpu.memref_slice %arg8[%run_scoped3A_52, %mul3A_51] : memref<16x10240xf32, #tpu.memory_space<vmem_shared>> -> memref<1x640xf32, #tpu.memory_space<vmem_shared>>
      %dma_start3A_95 = tpu.memref_squeeze %dma_start3A_94 : memref<1x640xf32, #tpu.memory_space<vmem_shared>> -> memref<640xf32, #tpu.memory_space<vmem_shared>>
      tpu.enqueue_dma source(%dma_start3A_95 : memref<640xf32, #tpu.memory_space<vmem_shared>>) target(%dma_start3A_93 : memref<640xf32, #tpu.memory_space<vmem>>) target_semaphore(%run_scoped3A_86 : memref<!tpu.dma_semaphore, #tpu.memory_space<semaphore_mem>>)
      %dma_wait3A = arith.constant 0 : i32
      %dma_wait3A_96 = tpu.memref_slice %arg6[%run_scoped3A_53, %dma_wait3A] : memref<16x640xf32, #tpu.memory_space<vmem>> -> memref<1x640xf32, #tpu.memory_space<vmem>>
      %dma_wait3A_97 = tpu.memref_squeeze %dma_wait3A_96 : memref<1x640xf32, #tpu.memory_space<vmem>> -> memref<640xf32, #tpu.memory_space<vmem>>
      %dma_wait3A_98 = tpu.memref_slice %arg8[%run_scoped3A_52, %mul3A_51] : memref<16x10240xf32, #tpu.memory_space<vmem_shared>> -> memref<1x640xf32, #tpu.memory_space<vmem_shared>>
      %dma_wait3A_99 = tpu.memref_squeeze %dma_wait3A_98 : memref<1x640xf32, #tpu.memory_space<vmem_shared>> -> memref<640xf32, #tpu.memory_space<vmem_shared>>
      %dma_wait3A_100 = arith.constant 0 : i32
      %dma_wait3A_101 = tpu.memref_slice %arg6[%run_scoped3A_53, %dma_wait3A_100] : memref<16x640xf32, #tpu.memory_space<vmem>> -> memref<1x640xf32, #tpu.memory_space<vmem>>
      %dma_wait3A_102 = tpu.memref_squeeze %dma_wait3A_101 : memref<1x640xf32, #tpu.memory_space<vmem>> -> memref<640xf32, #tpu.memory_space<vmem>>
      %dma_wait3A_103 = tpu.memref_slice %arg8[%run_scoped3A_52, %mul3A_51] : memref<16x10240xf32, #tpu.memory_space<vmem_shared>> -> memref<1x640xf32, #tpu.memory_space<vmem_shared>>
      %dma_wait3A_104 = tpu.memref_squeeze %dma_wait3A_103 : memref<1x640xf32, #tpu.memory_space<vmem_shared>> -> memref<640xf32, #tpu.memory_space<vmem_shared>>
      tpu.wait_dma2 semaphore(%run_scoped3A_86 : memref<!tpu.dma_semaphore, #tpu.memory_space<semaphore_mem>>) src(%dma_wait3A_104 : memref<640xf32, #tpu.memory_space<vmem_shared>>) dst(%dma_wait3A_102 : memref<640xf32, #tpu.memory_space<vmem>>)
      tpu.yield
    }) : () -> ()
    %mul3A_54 = arith.constant 640 : i32
    %mul3A_55 = arith.muli %arg1, %mul3A_54 : i32
    %run_scoped3A_56 = arith.constant 10 : i32
    %run_scoped3A_57 = arith.constant 10 : i32
    "tpu.region"() ({
      %run_scoped3A_86 = tpu.sem_alloc : memref<!tpu.dma_semaphore, #tpu.memory_space<semaphore_mem>>
      %dma_start3A = arith.constant 0 : i32
      %dma_start3A_87 = tpu.memref_slice %arg6[%run_scoped3A_57, %dma_start3A] : memref<16x640xf32, #tpu.memory_space<vmem>> -> memref<1x640xf32, #tpu.memory_space<vmem>>
      %dma_start3A_88 = tpu.memref_squeeze %dma_start3A_87 : memref<1x640xf32, #tpu.memory_space<vmem>> -> memref<640xf32, #tpu.memory_space<vmem>>
      %dma_start3A_89 = tpu.memref_slice %arg8[%run_scoped3A_56, %mul3A_55] : memref<16x10240xf32, #tpu.memory_space<vmem_shared>> -> memref<1x640xf32, #tpu.memory_space<vmem_shared>>
      %dma_start3A_90 = tpu.memref_squeeze %dma_start3A_89 : memref<1x640xf32, #tpu.memory_space<vmem_shared>> -> memref<640xf32, #tpu.memory_space<vmem_shared>>
      %dma_start3A_91 = arith.constant 0 : i32
      %dma_start3A_92 = tpu.memref_slice %arg6[%run_scoped3A_57, %dma_start3A_91] : memref<16x640xf32, #tpu.memory_space<vmem>> -> memref<1x640xf32, #tpu.memory_space<vmem>>
      %dma_start3A_93 = tpu.memref_squeeze %dma_start3A_92 : memref<1x640xf32, #tpu.memory_space<vmem>> -> memref<640xf32, #tpu.memory_space<vmem>>
      %dma_start3A_94 = tpu.memref_slice %arg8[%run_scoped3A_56, %mul3A_55] : memref<16x10240xf32, #tpu.memory_space<vmem_shared>> -> memref<1x640xf32, #tpu.memory_space<vmem_shared>>
      %dma_start3A_95 = tpu.memref_squeeze %dma_start3A_94 : memref<1x640xf32, #tpu.memory_space<vmem_shared>> -> memref<640xf32, #tpu.memory_space<vmem_shared>>
      tpu.enqueue_dma source(%dma_start3A_95 : memref<640xf32, #tpu.memory_space<vmem_shared>>) target(%dma_start3A_93 : memref<640xf32, #tpu.memory_space<vmem>>) target_semaphore(%run_scoped3A_86 : memref<!tpu.dma_semaphore, #tpu.memory_space<semaphore_mem>>)
      %dma_wait3A = arith.constant 0 : i32
      %dma_wait3A_96 = tpu.memref_slice %arg6[%run_scoped3A_57, %dma_wait3A] : memref<16x640xf32, #tpu.memory_space<vmem>> -> memref<1x640xf32, #tpu.memory_space<vmem>>
      %dma_wait3A_97 = tpu.memref_squeeze %dma_wait3A_96 : memref<1x640xf32, #tpu.memory_space<vmem>> -> memref<640xf32, #tpu.memory_space<vmem>>
      %dma_wait3A_98 = tpu.memref_slice %arg8[%run_scoped3A_56, %mul3A_55] : memref<16x10240xf32, #tpu.memory_space<vmem_shared>> -> memref<1x640xf32, #tpu.memory_space<vmem_shared>>
      %dma_wait3A_99 = tpu.memref_squeeze %dma_wait3A_98 : memref<1x640xf32, #tpu.memory_space<vmem_shared>> -> memref<640xf32, #tpu.memory_space<vmem_shared>>
      %dma_wait3A_100 = arith.constant 0 : i32
      %dma_wait3A_101 = tpu.memref_slice %arg6[%run_scoped3A_57, %dma_wait3A_100] : memref<16x640xf32, #tpu.memory_space<vmem>> -> memref<1x640xf32, #tpu.memory_space<vmem>>
      %dma_wait3A_102 = tpu.memref_squeeze %dma_wait3A_101 : memref<1x640xf32, #tpu.memory_space<vmem>> -> memref<640xf32, #tpu.memory_space<vmem>>
      %dma_wait3A_103 = tpu.memref_slice %arg8[%run_scoped3A_56, %mul3A_55] : memref<16x10240xf32, #tpu.memory_space<vmem_shared>> -> memref<1x640xf32, #tpu.memory_space<vmem_shared>>
      %dma_wait3A_104 = tpu.memref_squeeze %dma_wait3A_103 : memref<1x640xf32, #tpu.memory_space<vmem_shared>> -> memref<640xf32, #tpu.memory_space<vmem_shared>>
      tpu.wait_dma2 semaphore(%run_scoped3A_86 : memref<!tpu.dma_semaphore, #tpu.memory_space<semaphore_mem>>) src(%dma_wait3A_104 : memref<640xf32, #tpu.memory_space<vmem_shared>>) dst(%dma_wait3A_102 : memref<640xf32, #tpu.memory_space<vmem>>)
      tpu.yield
    }) : () -> ()
    %mul3A_58 = arith.constant 640 : i32
    %mul3A_59 = arith.muli %arg1, %mul3A_58 : i32
    %run_scoped3A_60 = arith.constant 11 : i32
    %run_scoped3A_61 = arith.constant 11 : i32
    "tpu.region"() ({
      %run_scoped3A_86 = tpu.sem_alloc : memref<!tpu.dma_semaphore, #tpu.memory_space<semaphore_mem>>
      %dma_start3A = arith.constant 0 : i32
      %dma_start3A_87 = tpu.memref_slice %arg6[%run_scoped3A_61, %dma_start3A] : memref<16x640xf32, #tpu.memory_space<vmem>> -> memref<1x640xf32, #tpu.memory_space<vmem>>
      %dma_start3A_88 = tpu.memref_squeeze %dma_start3A_87 : memref<1x640xf32, #tpu.memory_space<vmem>> -> memref<640xf32, #tpu.memory_space<vmem>>
      %dma_start3A_89 = tpu.memref_slice %arg8[%run_scoped3A_60, %mul3A_59] : memref<16x10240xf32, #tpu.memory_space<vmem_shared>> -> memref<1x640xf32, #tpu.memory_space<vmem_shared>>
      %dma_start3A_90 = tpu.memref_squeeze %dma_start3A_89 : memref<1x640xf32, #tpu.memory_space<vmem_shared>> -> memref<640xf32, #tpu.memory_space<vmem_shared>>
      %dma_start3A_91 = arith.constant 0 : i32
      %dma_start3A_92 = tpu.memref_slice %arg6[%run_scoped3A_61, %dma_start3A_91] : memref<16x640xf32, #tpu.memory_space<vmem>> -> memref<1x640xf32, #tpu.memory_space<vmem>>
      %dma_start3A_93 = tpu.memref_squeeze %dma_start3A_92 : memref<1x640xf32, #tpu.memory_space<vmem>> -> memref<640xf32, #tpu.memory_space<vmem>>
      %dma_start3A_94 = tpu.memref_slice %arg8[%run_scoped3A_60, %mul3A_59] : memref<16x10240xf32, #tpu.memory_space<vmem_shared>> -> memref<1x640xf32, #tpu.memory_space<vmem_shared>>
      %dma_start3A_95 = tpu.memref_squeeze %dma_start3A_94 : memref<1x640xf32, #tpu.memory_space<vmem_shared>> -> memref<640xf32, #tpu.memory_space<vmem_shared>>
      tpu.enqueue_dma source(%dma_start3A_95 : memref<640xf32, #tpu.memory_space<vmem_shared>>) target(%dma_start3A_93 : memref<640xf32, #tpu.memory_space<vmem>>) target_semaphore(%run_scoped3A_86 : memref<!tpu.dma_semaphore, #tpu.memory_space<semaphore_mem>>)
      %dma_wait3A = arith.constant 0 : i32
      %dma_wait3A_96 = tpu.memref_slice %arg6[%run_scoped3A_61, %dma_wait3A] : memref<16x640xf32, #tpu.memory_space<vmem>> -> memref<1x640xf32, #tpu.memory_space<vmem>>
      %dma_wait3A_97 = tpu.memref_squeeze %dma_wait3A_96 : memref<1x640xf32, #tpu.memory_space<vmem>> -> memref<640xf32, #tpu.memory_space<vmem>>
      %dma_wait3A_98 = tpu.memref_slice %arg8[%run_scoped3A_60, %mul3A_59] : memref<16x10240xf32, #tpu.memory_space<vmem_shared>> -> memref<1x640xf32, #tpu.memory_space<vmem_shared>>
      %dma_wait3A_99 = tpu.memref_squeeze %dma_wait3A_98 : memref<1x640xf32, #tpu.memory_space<vmem_shared>> -> memref<640xf32, #tpu.memory_space<vmem_shared>>
      %dma_wait3A_100 = arith.constant 0 : i32
      %dma_wait3A_101 = tpu.memref_slice %arg6[%run_scoped3A_61, %dma_wait3A_100] : memref<16x640xf32, #tpu.memory_space<vmem>> -> memref<1x640xf32, #tpu.memory_space<vmem>>
      %dma_wait3A_102 = tpu.memref_squeeze %dma_wait3A_101 : memref<1x640xf32, #tpu.memory_space<vmem>> -> memref<640xf32, #tpu.memory_space<vmem>>
      %dma_wait3A_103 = tpu.memref_slice %arg8[%run_scoped3A_60, %mul3A_59] : memref<16x10240xf32, #tpu.memory_space<vmem_shared>> -> memref<1x640xf32, #tpu.memory_space<vmem_shared>>
      %dma_wait3A_104 = tpu.memref_squeeze %dma_wait3A_103 : memref<1x640xf32, #tpu.memory_space<vmem_shared>> -> memref<640xf32, #tpu.memory_space<vmem_shared>>
      tpu.wait_dma2 semaphore(%run_scoped3A_86 : memref<!tpu.dma_semaphore, #tpu.memory_space<semaphore_mem>>) src(%dma_wait3A_104 : memref<640xf32, #tpu.memory_space<vmem_shared>>) dst(%dma_wait3A_102 : memref<640xf32, #tpu.memory_space<vmem>>)
      tpu.yield
    }) : () -> ()
    %mul3A_62 = arith.constant 640 : i32
    %mul3A_63 = arith.muli %arg1, %mul3A_62 : i32
    %run_scoped3A_64 = arith.constant 12 : i32
    %run_scoped3A_65 = arith.constant 12 : i32
    "tpu.region"() ({
      %run_scoped3A_86 = tpu.sem_alloc : memref<!tpu.dma_semaphore, #tpu.memory_space<semaphore_mem>>
      %dma_start3A = arith.constant 0 : i32
      %dma_start3A_87 = tpu.memref_slice %arg6[%run_scoped3A_65, %dma_start3A] : memref<16x640xf32, #tpu.memory_space<vmem>> -> memref<1x640xf32, #tpu.memory_space<vmem>>
      %dma_start3A_88 = tpu.memref_squeeze %dma_start3A_87 : memref<1x640xf32, #tpu.memory_space<vmem>> -> memref<640xf32, #tpu.memory_space<vmem>>
      %dma_start3A_89 = tpu.memref_slice %arg8[%run_scoped3A_64, %mul3A_63] : memref<16x10240xf32, #tpu.memory_space<vmem_shared>> -> memref<1x640xf32, #tpu.memory_space<vmem_shared>>
      %dma_start3A_90 = tpu.memref_squeeze %dma_start3A_89 : memref<1x640xf32, #tpu.memory_space<vmem_shared>> -> memref<640xf32, #tpu.memory_space<vmem_shared>>
      %dma_start3A_91 = arith.constant 0 : i32
      %dma_start3A_92 = tpu.memref_slice %arg6[%run_scoped3A_65, %dma_start3A_91] : memref<16x640xf32, #tpu.memory_space<vmem>> -> memref<1x640xf32, #tpu.memory_space<vmem>>
      %dma_start3A_93 = tpu.memref_squeeze %dma_start3A_92 : memref<1x640xf32, #tpu.memory_space<vmem>> -> memref<640xf32, #tpu.memory_space<vmem>>
      %dma_start3A_94 = tpu.memref_slice %arg8[%run_scoped3A_64, %mul3A_63] : memref<16x10240xf32, #tpu.memory_space<vmem_shared>> -> memref<1x640xf32, #tpu.memory_space<vmem_shared>>
      %dma_start3A_95 = tpu.memref_squeeze %dma_start3A_94 : memref<1x640xf32, #tpu.memory_space<vmem_shared>> -> memref<640xf32, #tpu.memory_space<vmem_shared>>
      tpu.enqueue_dma source(%dma_start3A_95 : memref<640xf32, #tpu.memory_space<vmem_shared>>) target(%dma_start3A_93 : memref<640xf32, #tpu.memory_space<vmem>>) target_semaphore(%run_scoped3A_86 : memref<!tpu.dma_semaphore, #tpu.memory_space<semaphore_mem>>)
      %dma_wait3A = arith.constant 0 : i32
      %dma_wait3A_96 = tpu.memref_slice %arg6[%run_scoped3A_65, %dma_wait3A] : memref<16x640xf32, #tpu.memory_space<vmem>> -> memref<1x640xf32, #tpu.memory_space<vmem>>
      %dma_wait3A_97 = tpu.memref_squeeze %dma_wait3A_96 : memref<1x640xf32, #tpu.memory_space<vmem>> -> memref<640xf32, #tpu.memory_space<vmem>>
      %dma_wait3A_98 = tpu.memref_slice %arg8[%run_scoped3A_64, %mul3A_63] : memref<16x10240xf32, #tpu.memory_space<vmem_shared>> -> memref<1x640xf32, #tpu.memory_space<vmem_shared>>
      %dma_wait3A_99 = tpu.memref_squeeze %dma_wait3A_98 : memref<1x640xf32, #tpu.memory_space<vmem_shared>> -> memref<640xf32, #tpu.memory_space<vmem_shared>>
      %dma_wait3A_100 = arith.constant 0 : i32
      %dma_wait3A_101 = tpu.memref_slice %arg6[%run_scoped3A_65, %dma_wait3A_100] : memref<16x640xf32, #tpu.memory_space<vmem>> -> memref<1x640xf32, #tpu.memory_space<vmem>>
      %dma_wait3A_102 = tpu.memref_squeeze %dma_wait3A_101 : memref<1x640xf32, #tpu.memory_space<vmem>> -> memref<640xf32, #tpu.memory_space<vmem>>
      %dma_wait3A_103 = tpu.memref_slice %arg8[%run_scoped3A_64, %mul3A_63] : memref<16x10240xf32, #tpu.memory_space<vmem_shared>> -> memref<1x640xf32, #tpu.memory_space<vmem_shared>>
      %dma_wait3A_104 = tpu.memref_squeeze %dma_wait3A_103 : memref<1x640xf32, #tpu.memory_space<vmem_shared>> -> memref<640xf32, #tpu.memory_space<vmem_shared>>
      tpu.wait_dma2 semaphore(%run_scoped3A_86 : memref<!tpu.dma_semaphore, #tpu.memory_space<semaphore_mem>>) src(%dma_wait3A_104 : memref<640xf32, #tpu.memory_space<vmem_shared>>) dst(%dma_wait3A_102 : memref<640xf32, #tpu.memory_space<vmem>>)
      tpu.yield
    }) : () -> ()
    %mul3A_66 = arith.constant 640 : i32
    %mul3A_67 = arith.muli %arg1, %mul3A_66 : i32
    %run_scoped3A_68 = arith.constant 13 : i32
    %run_scoped3A_69 = arith.constant 13 : i32
    "tpu.region"() ({
      %run_scoped3A_86 = tpu.sem_alloc : memref<!tpu.dma_semaphore, #tpu.memory_space<semaphore_mem>>
      %dma_start3A = arith.constant 0 : i32
      %dma_start3A_87 = tpu.memref_slice %arg6[%run_scoped3A_69, %dma_start3A] : memref<16x640xf32, #tpu.memory_space<vmem>> -> memref<1x640xf32, #tpu.memory_space<vmem>>
      %dma_start3A_88 = tpu.memref_squeeze %dma_start3A_87 : memref<1x640xf32, #tpu.memory_space<vmem>> -> memref<640xf32, #tpu.memory_space<vmem>>
      %dma_start3A_89 = tpu.memref_slice %arg8[%run_scoped3A_68, %mul3A_67] : memref<16x10240xf32, #tpu.memory_space<vmem_shared>> -> memref<1x640xf32, #tpu.memory_space<vmem_shared>>
      %dma_start3A_90 = tpu.memref_squeeze %dma_start3A_89 : memref<1x640xf32, #tpu.memory_space<vmem_shared>> -> memref<640xf32, #tpu.memory_space<vmem_shared>>
      %dma_start3A_91 = arith.constant 0 : i32
      %dma_start3A_92 = tpu.memref_slice %arg6[%run_scoped3A_69, %dma_start3A_91] : memref<16x640xf32, #tpu.memory_space<vmem>> -> memref<1x640xf32, #tpu.memory_space<vmem>>
      %dma_start3A_93 = tpu.memref_squeeze %dma_start3A_92 : memref<1x640xf32, #tpu.memory_space<vmem>> -> memref<640xf32, #tpu.memory_space<vmem>>
      %dma_start3A_94 = tpu.memref_slice %arg8[%run_scoped3A_68, %mul3A_67] : memref<16x10240xf32, #tpu.memory_space<vmem_shared>> -> memref<1x640xf32, #tpu.memory_space<vmem_shared>>
      %dma_start3A_95 = tpu.memref_squeeze %dma_start3A_94 : memref<1x640xf32, #tpu.memory_space<vmem_shared>> -> memref<640xf32, #tpu.memory_space<vmem_shared>>
      tpu.enqueue_dma source(%dma_start3A_95 : memref<640xf32, #tpu.memory_space<vmem_shared>>) target(%dma_start3A_93 : memref<640xf32, #tpu.memory_space<vmem>>) target_semaphore(%run_scoped3A_86 : memref<!tpu.dma_semaphore, #tpu.memory_space<semaphore_mem>>)
      %dma_wait3A = arith.constant 0 : i32
      %dma_wait3A_96 = tpu.memref_slice %arg6[%run_scoped3A_69, %dma_wait3A] : memref<16x640xf32, #tpu.memory_space<vmem>> -> memref<1x640xf32, #tpu.memory_space<vmem>>
      %dma_wait3A_97 = tpu.memref_squeeze %dma_wait3A_96 : memref<1x640xf32, #tpu.memory_space<vmem>> -> memref<640xf32, #tpu.memory_space<vmem>>
      %dma_wait3A_98 = tpu.memref_slice %arg8[%run_scoped3A_68, %mul3A_67] : memref<16x10240xf32, #tpu.memory_space<vmem_shared>> -> memref<1x640xf32, #tpu.memory_space<vmem_shared>>
      %dma_wait3A_99 = tpu.memref_squeeze %dma_wait3A_98 : memref<1x640xf32, #tpu.memory_space<vmem_shared>> -> memref<640xf32, #tpu.memory_space<vmem_shared>>
      %dma_wait3A_100 = arith.constant 0 : i32
      %dma_wait3A_101 = tpu.memref_slice %arg6[%run_scoped3A_69, %dma_wait3A_100] : memref<16x640xf32, #tpu.memory_space<vmem>> -> memref<1x640xf32, #tpu.memory_space<vmem>>
      %dma_wait3A_102 = tpu.memref_squeeze %dma_wait3A_101 : memref<1x640xf32, #tpu.memory_space<vmem>> -> memref<640xf32, #tpu.memory_space<vmem>>
      %dma_wait3A_103 = tpu.memref_slice %arg8[%run_scoped3A_68, %mul3A_67] : memref<16x10240xf32, #tpu.memory_space<vmem_shared>> -> memref<1x640xf32, #tpu.memory_space<vmem_shared>>
      %dma_wait3A_104 = tpu.memref_squeeze %dma_wait3A_103 : memref<1x640xf32, #tpu.memory_space<vmem_shared>> -> memref<640xf32, #tpu.memory_space<vmem_shared>>
      tpu.wait_dma2 semaphore(%run_scoped3A_86 : memref<!tpu.dma_semaphore, #tpu.memory_space<semaphore_mem>>) src(%dma_wait3A_104 : memref<640xf32, #tpu.memory_space<vmem_shared>>) dst(%dma_wait3A_102 : memref<640xf32, #tpu.memory_space<vmem>>)
      tpu.yield
    }) : () -> ()
    %mul3A_70 = arith.constant 640 : i32
    %mul3A_71 = arith.muli %arg1, %mul3A_70 : i32
    %run_scoped3A_72 = arith.constant 14 : i32
    %run_scoped3A_73 = arith.constant 14 : i32
    "tpu.region"() ({
      %run_scoped3A_86 = tpu.sem_alloc : memref<!tpu.dma_semaphore, #tpu.memory_space<semaphore_mem>>
      %dma_start3A = arith.constant 0 : i32
      %dma_start3A_87 = tpu.memref_slice %arg6[%run_scoped3A_73, %dma_start3A] : memref<16x640xf32, #tpu.memory_space<vmem>> -> memref<1x640xf32, #tpu.memory_space<vmem>>
      %dma_start3A_88 = tpu.memref_squeeze %dma_start3A_87 : memref<1x640xf32, #tpu.memory_space<vmem>> -> memref<640xf32, #tpu.memory_space<vmem>>
      %dma_start3A_89 = tpu.memref_slice %arg8[%run_scoped3A_72, %mul3A_71] : memref<16x10240xf32, #tpu.memory_space<vmem_shared>> -> memref<1x640xf32, #tpu.memory_space<vmem_shared>>
      %dma_start3A_90 = tpu.memref_squeeze %dma_start3A_89 : memref<1x640xf32, #tpu.memory_space<vmem_shared>> -> memref<640xf32, #tpu.memory_space<vmem_shared>>
      %dma_start3A_91 = arith.constant 0 : i32
      %dma_start3A_92 = tpu.memref_slice %arg6[%run_scoped3A_73, %dma_start3A_91] : memref<16x640xf32, #tpu.memory_space<vmem>> -> memref<1x640xf32, #tpu.memory_space<vmem>>
      %dma_start3A_93 = tpu.memref_squeeze %dma_start3A_92 : memref<1x640xf32, #tpu.memory_space<vmem>> -> memref<640xf32, #tpu.memory_space<vmem>>
      %dma_start3A_94 = tpu.memref_slice %arg8[%run_scoped3A_72, %mul3A_71] : memref<16x10240xf32, #tpu.memory_space<vmem_shared>> -> memref<1x640xf32, #tpu.memory_space<vmem_shared>>
      %dma_start3A_95 = tpu.memref_squeeze %dma_start3A_94 : memref<1x640xf32, #tpu.memory_space<vmem_shared>> -> memref<640xf32, #tpu.memory_space<vmem_shared>>
      tpu.enqueue_dma source(%dma_start3A_95 : memref<640xf32, #tpu.memory_space<vmem_shared>>) target(%dma_start3A_93 : memref<640xf32, #tpu.memory_space<vmem>>) target_semaphore(%run_scoped3A_86 : memref<!tpu.dma_semaphore, #tpu.memory_space<semaphore_mem>>)
      %dma_wait3A = arith.constant 0 : i32
      %dma_wait3A_96 = tpu.memref_slice %arg6[%run_scoped3A_73, %dma_wait3A] : memref<16x640xf32, #tpu.memory_space<vmem>> -> memref<1x640xf32, #tpu.memory_space<vmem>>
      %dma_wait3A_97 = tpu.memref_squeeze %dma_wait3A_96 : memref<1x640xf32, #tpu.memory_space<vmem>> -> memref<640xf32, #tpu.memory_space<vmem>>
      %dma_wait3A_98 = tpu.memref_slice %arg8[%run_scoped3A_72, %mul3A_71] : memref<16x10240xf32, #tpu.memory_space<vmem_shared>> -> memref<1x640xf32, #tpu.memory_space<vmem_shared>>
      %dma_wait3A_99 = tpu.memref_squeeze %dma_wait3A_98 : memref<1x640xf32, #tpu.memory_space<vmem_shared>> -> memref<640xf32, #tpu.memory_space<vmem_shared>>
      %dma_wait3A_100 = arith.constant 0 : i32
      %dma_wait3A_101 = tpu.memref_slice %arg6[%run_scoped3A_73, %dma_wait3A_100] : memref<16x640xf32, #tpu.memory_space<vmem>> -> memref<1x640xf32, #tpu.memory_space<vmem>>
      %dma_wait3A_102 = tpu.memref_squeeze %dma_wait3A_101 : memref<1x640xf32, #tpu.memory_space<vmem>> -> memref<640xf32, #tpu.memory_space<vmem>>
      %dma_wait3A_103 = tpu.memref_slice %arg8[%run_scoped3A_72, %mul3A_71] : memref<16x10240xf32, #tpu.memory_space<vmem_shared>> -> memref<1x640xf32, #tpu.memory_space<vmem_shared>>
      %dma_wait3A_104 = tpu.memref_squeeze %dma_wait3A_103 : memref<1x640xf32, #tpu.memory_space<vmem_shared>> -> memref<640xf32, #tpu.memory_space<vmem_shared>>
      tpu.wait_dma2 semaphore(%run_scoped3A_86 : memref<!tpu.dma_semaphore, #tpu.memory_space<semaphore_mem>>) src(%dma_wait3A_104 : memref<640xf32, #tpu.memory_space<vmem_shared>>) dst(%dma_wait3A_102 : memref<640xf32, #tpu.memory_space<vmem>>)
      tpu.yield
    }) : () -> ()
    %mul3A_74 = arith.constant 640 : i32
    %mul3A_75 = arith.muli %arg1, %mul3A_74 : i32
    %run_scoped3A_76 = arith.constant 15 : i32
    %run_scoped3A_77 = arith.constant 15 : i32
    "tpu.region"() ({
      %run_scoped3A_86 = tpu.sem_alloc : memref<!tpu.dma_semaphore, #tpu.memory_space<semaphore_mem>>
      %dma_start3A = arith.constant 0 : i32
      %dma_start3A_87 = tpu.memref_slice %arg6[%run_scoped3A_77, %dma_start3A] : memref<16x640xf32, #tpu.memory_space<vmem>> -> memref<1x640xf32, #tpu.memory_space<vmem>>
      %dma_start3A_88 = tpu.memref_squeeze %dma_start3A_87 : memref<1x640xf32, #tpu.memory_space<vmem>> -> memref<640xf32, #tpu.memory_space<vmem>>
      %dma_start3A_89 = tpu.memref_slice %arg8[%run_scoped3A_76, %mul3A_75] : memref<16x10240xf32, #tpu.memory_space<vmem_shared>> -> memref<1x640xf32, #tpu.memory_space<vmem_shared>>
      %dma_start3A_90 = tpu.memref_squeeze %dma_start3A_89 : memref<1x640xf32, #tpu.memory_space<vmem_shared>> -> memref<640xf32, #tpu.memory_space<vmem_shared>>
      %dma_start3A_91 = arith.constant 0 : i32
      %dma_start3A_92 = tpu.memref_slice %arg6[%run_scoped3A_77, %dma_start3A_91] : memref<16x640xf32, #tpu.memory_space<vmem>> -> memref<1x640xf32, #tpu.memory_space<vmem>>
      %dma_start3A_93 = tpu.memref_squeeze %dma_start3A_92 : memref<1x640xf32, #tpu.memory_space<vmem>> -> memref<640xf32, #tpu.memory_space<vmem>>
      %dma_start3A_94 = tpu.memref_slice %arg8[%run_scoped3A_76, %mul3A_75] : memref<16x10240xf32, #tpu.memory_space<vmem_shared>> -> memref<1x640xf32, #tpu.memory_space<vmem_shared>>
      %dma_start3A_95 = tpu.memref_squeeze %dma_start3A_94 : memref<1x640xf32, #tpu.memory_space<vmem_shared>> -> memref<640xf32, #tpu.memory_space<vmem_shared>>
      tpu.enqueue_dma source(%dma_start3A_95 : memref<640xf32, #tpu.memory_space<vmem_shared>>) target(%dma_start3A_93 : memref<640xf32, #tpu.memory_space<vmem>>) target_semaphore(%run_scoped3A_86 : memref<!tpu.dma_semaphore, #tpu.memory_space<semaphore_mem>>)
      %dma_wait3A = arith.constant 0 : i32
      %dma_wait3A_96 = tpu.memref_slice %arg6[%run_scoped3A_77, %dma_wait3A] : memref<16x640xf32, #tpu.memory_space<vmem>> -> memref<1x640xf32, #tpu.memory_space<vmem>>
      %dma_wait3A_97 = tpu.memref_squeeze %dma_wait3A_96 : memref<1x640xf32, #tpu.memory_space<vmem>> -> memref<640xf32, #tpu.memory_space<vmem>>
      %dma_wait3A_98 = tpu.memref_slice %arg8[%run_scoped3A_76, %mul3A_75] : memref<16x10240xf32, #tpu.memory_space<vmem_shared>> -> memref<1x640xf32, #tpu.memory_space<vmem_shared>>
      %dma_wait3A_99 = tpu.memref_squeeze %dma_wait3A_98 : memref<1x640xf32, #tpu.memory_space<vmem_shared>> -> memref<640xf32, #tpu.memory_space<vmem_shared>>
      %dma_wait3A_100 = arith.constant 0 : i32
      %dma_wait3A_101 = tpu.memref_slice %arg6[%run_scoped3A_77, %dma_wait3A_100] : memref<16x640xf32, #tpu.memory_space<vmem>> -> memref<1x640xf32, #tpu.memory_space<vmem>>
      %dma_wait3A_102 = tpu.memref_squeeze %dma_wait3A_101 : memref<1x640xf32, #tpu.memory_space<vmem>> -> memref<640xf32, #tpu.memory_space<vmem>>
      %dma_wait3A_103 = tpu.memref_slice %arg8[%run_scoped3A_76, %mul3A_75] : memref<16x10240xf32, #tpu.memory_space<vmem_shared>> -> memref<1x640xf32, #tpu.memory_space<vmem_shared>>
      %dma_wait3A_104 = tpu.memref_squeeze %dma_wait3A_103 : memref<1x640xf32, #tpu.memory_space<vmem_shared>> -> memref<640xf32, #tpu.memory_space<vmem_shared>>
      tpu.wait_dma2 semaphore(%run_scoped3A_86 : memref<!tpu.dma_semaphore, #tpu.memory_space<semaphore_mem>>) src(%dma_wait3A_104 : memref<640xf32, #tpu.memory_space<vmem_shared>>) dst(%dma_wait3A_102 : memref<640xf32, #tpu.memory_space<vmem>>)
      tpu.yield
    }) : () -> ()
    %scan3A_78 = arith.constant 0 : i32
    %scan3A_79 = arith.constant 0 : i32
    %scan3A_80 = arith.constant 40 : i32
    %scan3A_81 = arith.addi %scan3A_79, %scan3A_80 : i32
    %scan3A_82 = arith.constant 1 : i32
    scf.for %scan3A_86 = %scan3A_79 to %scan3A_81 step %scan3A_82  : i32 {
      %mul3A_87 = arith.constant 16 : i32
      %mul3A_88 = arith.muli %scan3A_86, %mul3A_87 : i32
      %get3A = arith.constant 0 : i32
      %get3A_89 = arith.index_cast %get3A : i32 to index
      %get3A_90 = arith.index_cast %mul3A_88 : i32 to index
      %get3A_91 = tpu.vector_load %arg6[%get3A_89, %get3A_90] {strides = array<i32>} : memref<16x640xf32, #tpu.memory_space<vmem>>, vector<16xf32>,
      %mul3A_92 = arith.constant 16 : i32
      %mul3A_93 = arith.muli %scan3A_86, %mul3A_92 : i32
      %get3A_94 = arith.constant 1 : i32
      %get3A_95 = arith.index_cast %get3A_94 : i32 to index
      %get3A_96 = arith.index_cast %mul3A_93 : i32 to index
      %get3A_97 = tpu.vector_load %arg6[%get3A_95, %get3A_96] {strides = array<i32>} : memref<16x640xf32, #tpu.memory_space<vmem>>, vector<16xf32>,
      %add3A = arith.addf %get3A_91, %get3A_97 : vector<16xf32>
      %mul3A_98 = arith.constant 16 : i32
      %mul3A_99 = arith.muli %scan3A_86, %mul3A_98 : i32
      %get3A_100 = arith.constant 2 : i32
      %get3A_101 = arith.index_cast %get3A_100 : i32 to index
      %get3A_102 = arith.index_cast %mul3A_99 : i32 to index
      %get3A_103 = tpu.vector_load %arg6[%get3A_101, %get3A_102] {strides = array<i32>} : memref<16x640xf32, #tpu.memory_space<vmem>>, vector<16xf32>,
      %add3A_104 = arith.addf %add3A, %get3A_103 : vector<16xf32>
      %mul3A_105 = arith.constant 16 : i32
      %mul3A_106 = arith.muli %scan3A_86, %mul3A_105 : i32
      %get3A_107 = arith.constant 3 : i32
      %get3A_108 = arith.index_cast %get3A_107 : i32 to index
      %get3A_109 = arith.index_cast %mul3A_106 : i32 to index
      %get3A_110 = tpu.vector_load %arg6[%get3A_108, %get3A_109] {strides = array<i32>} : memref<16x640xf32, #tpu.memory_space<vmem>>, vector<16xf32>,
      %add3A_111 = arith.addf %add3A_104, %get3A_110 : vector<16xf32>
      %mul3A_112 = arith.constant 16 : i32
      %mul3A_113 = arith.muli %scan3A_86, %mul3A_112 : i32
      %get3A_114 = arith.constant 4 : i32
      %get3A_115 = arith.index_cast %get3A_114 : i32 to index
      %get3A_116 = arith.index_cast %mul3A_113 : i32 to index
      %get3A_117 = tpu.vector_load %arg6[%get3A_115, %get3A_116] {strides = array<i32>} : memref<16x640xf32, #tpu.memory_space<vmem>>, vector<16xf32>,
      %add3A_118 = arith.addf %add3A_111, %get3A_117 : vector<16xf32>
      %mul3A_119 = arith.constant 16 : i32
      %mul3A_120 = arith.muli %scan3A_86, %mul3A_119 : i32
      %get3A_121 = arith.constant 5 : i32
      %get3A_122 = arith.index_cast %get3A_121 : i32 to index
      %get3A_123 = arith.index_cast %mul3A_120 : i32 to index
      %get3A_124 = tpu.vector_load %arg6[%get3A_122, %get3A_123] {strides = array<i32>} : memref<16x640xf32, #tpu.memory_space<vmem>>, vector<16xf32>,
      %add3A_125 = arith.addf %add3A_118, %get3A_124 : vector<16xf32>
      %mul3A_126 = arith.constant 16 : i32
      %mul3A_127 = arith.muli %scan3A_86, %mul3A_126 : i32
      %get3A_128 = arith.constant 6 : i32
      %get3A_129 = arith.index_cast %get3A_128 : i32 to index
      %get3A_130 = arith.index_cast %mul3A_127 : i32 to index
      %get3A_131 = tpu.vector_load %arg6[%get3A_129, %get3A_130] {strides = array<i32>} : memref<16x640xf32, #tpu.memory_space<vmem>>, vector<16xf32>,
      %add3A_132 = arith.addf %add3A_125, %get3A_131 : vector<16xf32>
      %mul3A_133 = arith.constant 16 : i32
      %mul3A_134 = arith.muli %scan3A_86, %mul3A_133 : i32
      %get3A_135 = arith.constant 7 : i32
      %get3A_136 = arith.index_cast %get3A_135 : i32 to index
      %get3A_137 = arith.index_cast %mul3A_134 : i32 to index
      %get3A_138 = tpu.vector_load %arg6[%get3A_136, %get3A_137] {strides = array<i32>} : memref<16x640xf32, #tpu.memory_space<vmem>>, vector<16xf32>,
      %add3A_139 = arith.addf %add3A_132, %get3A_138 : vector<16xf32>
      %mul3A_140 = arith.constant 16 : i32
      %mul3A_141 = arith.muli %scan3A_86, %mul3A_140 : i32
      %get3A_142 = arith.constant 8 : i32
      %get3A_143 = arith.index_cast %get3A_142 : i32 to index
      %get3A_144 = arith.index_cast %mul3A_141 : i32 to index
      %get3A_145 = tpu.vector_load %arg6[%get3A_143, %get3A_144] {strides = array<i32>} : memref<16x640xf32, #tpu.memory_space<vmem>>, vector<16xf32>,
      %add3A_146 = arith.addf %add3A_139, %get3A_145 : vector<16xf32>
      %mul3A_147 = arith.constant 16 : i32
      %mul3A_148 = arith.muli %scan3A_86, %mul3A_147 : i32
      %get3A_149 = arith.constant 9 : i32
      %get3A_150 = arith.index_cast %get3A_149 : i32 to index
      %get3A_151 = arith.index_cast %mul3A_148 : i32 to index
      %get3A_152 = tpu.vector_load %arg6[%get3A_150, %get3A_151] {strides = array<i32>} : memref<16x640xf32, #tpu.memory_space<vmem>>, vector<16xf32>,
      %add3A_153 = arith.addf %add3A_146, %get3A_152 : vector<16xf32>
      %mul3A_154 = arith.constant 16 : i32
      %mul3A_155 = arith.muli %scan3A_86, %mul3A_154 : i32
      %get3A_156 = arith.constant 10 : i32
      %get3A_157 = arith.index_cast %get3A_156 : i32 to index
      %get3A_158 = arith.index_cast %mul3A_155 : i32 to index
      %get3A_159 = tpu.vector_load %arg6[%get3A_157, %get3A_158] {strides = array<i32>} : memref<16x640xf32, #tpu.memory_space<vmem>>, vector<16xf32>,
      %add3A_160 = arith.addf %add3A_153, %get3A_159 : vector<16xf32>
      %mul3A_161 = arith.constant 16 : i32
      %mul3A_162 = arith.muli %scan3A_86, %mul3A_161 : i32
      %get3A_163 = arith.constant 11 : i32
      %get3A_164 = arith.index_cast %get3A_163 : i32 to index
      %get3A_165 = arith.index_cast %mul3A_162 : i32 to index
      %get3A_166 = tpu.vector_load %arg6[%get3A_164, %get3A_165] {strides = array<i32>} : memref<16x640xf32, #tpu.memory_space<vmem>>, vector<16xf32>,
      %add3A_167 = arith.addf %add3A_160, %get3A_166 : vector<16xf32>
      %mul3A_168 = arith.constant 16 : i32
      %mul3A_169 = arith.muli %scan3A_86, %mul3A_168 : i32
      %get3A_170 = arith.constant 12 : i32
      %get3A_171 = arith.index_cast %get3A_170 : i32 to index
      %get3A_172 = arith.index_cast %mul3A_169 : i32 to index
      %get3A_173 = tpu.vector_load %arg6[%get3A_171, %get3A_172] {strides = array<i32>} : memref<16x640xf32, #tpu.memory_space<vmem>>, vector<16xf32>,
      %add3A_174 = arith.addf %add3A_167, %get3A_173 : vector<16xf32>
      %mul3A_175 = arith.constant 16 : i32
      %mul3A_176 = arith.muli %scan3A_86, %mul3A_175 : i32
      %get3A_177 = arith.constant 13 : i32
      %get3A_178 = arith.index_cast %get3A_177 : i32 to index
      %get3A_179 = arith.index_cast %mul3A_176 : i32 to index
      %get3A_180 = tpu.vector_load %arg6[%get3A_178, %get3A_179] {strides = array<i32>} : memref<16x640xf32, #tpu.memory_space<vmem>>, vector<16xf32>,
      %add3A_181 = arith.addf %add3A_174, %get3A_180 : vector<16xf32>
      %mul3A_182 = arith.constant 16 : i32
      %mul3A_183 = arith.muli %scan3A_86, %mul3A_182 : i32
      %get3A_184 = arith.constant 14 : i32
      %get3A_185 = arith.index_cast %get3A_184 : i32 to index
      %get3A_186 = arith.index_cast %mul3A_183 : i32 to index
      %get3A_187 = tpu.vector_load %arg6[%get3A_185, %get3A_186] {strides = array<i32>} : memref<16x640xf32, #tpu.memory_space<vmem>>, vector<16xf32>,
      %add3A_188 = arith.addf %add3A_181, %get3A_187 : vector<16xf32>
      %mul3A_189 = arith.constant 16 : i32
      %mul3A_190 = arith.muli %scan3A_86, %mul3A_189 : i32
      %get3A_191 = arith.constant 15 : i32
      %get3A_192 = arith.index_cast %get3A_191 : i32 to index
      %get3A_193 = arith.index_cast %mul3A_190 : i32 to index
      %get3A_194 = tpu.vector_load %arg6[%get3A_192, %get3A_193] {strides = array<i32>} : memref<16x640xf32, #tpu.memory_space<vmem>>, vector<16xf32>,
      %add3A_195 = arith.addf %add3A_188, %get3A_194 : vector<16xf32>
      %mul3A_196 = arith.constant 16 : i32
      %mul3A_197 = arith.muli %scan3A_86, %mul3A_196 : i32
      %swap3A = arith.index_cast %mul3A_197 : i32 to index
      %swap3A_198 = tpu.vector_load %arg7[%swap3A] {strides = array<i32>} : memref<640xf32, #tpu.memory_space<vmem>>, vector<16xf32>,
      tpu.vector_store %arg7[%swap3A], %add3A_195 {strides = array<i32>} : memref<640xf32, #tpu.memory_space<vmem>>, vector<16xf32>,
    }
    %scan3A_83 = arith.constant 40 : i32
    %mul3A_84 = arith.constant 640 : i32
    %mul3A_85 = arith.muli %arg1, %mul3A_84 : i32
    "tpu.region"() ({
      %run_scoped3A_86 = tpu.sem_alloc : memref<!tpu.dma_semaphore, #tpu.memory_space<semaphore_mem>>
      %dma_start3A = tpu.memref_slice %arg3[%arg0, %mul3A_85] : memref<2x10240xf32, #tpu.memory_space<hbm>> -> memref<1x640xf32, #tpu.memory_space<hbm>>
      %dma_start3A_87 = tpu.memref_squeeze %dma_start3A : memref<1x640xf32, #tpu.memory_space<hbm>> -> memref<640xf32, #tpu.memory_space<hbm>>
      %dma_start3A_88 = tpu.memref_slice %arg3[%arg0, %mul3A_85] : memref<2x10240xf32, #tpu.memory_space<hbm>> -> memref<1x640xf32, #tpu.memory_space<hbm>>
      %dma_start3A_89 = tpu.memref_squeeze %dma_start3A_88 : memref<1x640xf32, #tpu.memory_space<hbm>> -> memref<640xf32, #tpu.memory_space<hbm>>
      tpu.enqueue_dma source(%arg7 : memref<640xf32, #tpu.memory_space<vmem>>) target(%dma_start3A_89 : memref<640xf32, #tpu.memory_space<hbm>>) target_semaphore(%run_scoped3A_86 : memref<!tpu.dma_semaphore, #tpu.memory_space<semaphore_mem>>)
      %dma_wait3A = tpu.memref_slice %arg3[%arg0, %mul3A_85] : memref<2x10240xf32, #tpu.memory_space<hbm>> -> memref<1x640xf32, #tpu.memory_space<hbm>>
      %dma_wait3A_90 = tpu.memref_squeeze %dma_wait3A : memref<1x640xf32, #tpu.memory_space<hbm>> -> memref<640xf32, #tpu.memory_space<hbm>>
      %dma_wait3A_91 = tpu.memref_slice %arg3[%arg0, %mul3A_85] : memref<2x10240xf32, #tpu.memory_space<hbm>> -> memref<1x640xf32, #tpu.memory_space<hbm>>
      %dma_wait3A_92 = tpu.memref_squeeze %dma_wait3A_91 : memref<1x640xf32, #tpu.memory_space<hbm>> -> memref<640xf32, #tpu.memory_space<hbm>>
      tpu.wait_dma2 semaphore(%run_scoped3A_86 : memref<!tpu.dma_semaphore, #tpu.memory_space<semaphore_mem>>) src(%arg7 : memref<640xf32, #tpu.memory_space<vmem>>) dst(%dma_wait3A_92 : memref<640xf32, #tpu.memory_space<hbm>>)
      tpu.yield
    }) : () -> ()
    return
  }
}

#map = affine_map<(d0, d1) -> (0, 0)>
#map1 = affine_map<(d0, d1) -> (0, 0, 0, 0, 0)>
#map2 = affine_map<(d0, d1) -> (0, 0, 0)>
module attributes {stable_mosaic.version = 14 : i64} {
  func.func @_prop_call(%arg0: i32, %arg1: i32, %arg2: memref<20032x128xf32, #tpu.memory_space<hbm>>, %arg3: memref<2x16x157x2x128xi32, #tpu.memory_space<hbm>>, %arg4: memref<2x10016x128xf32, #tpu.memory_space<hbm>>, %arg5: memref<5x2x128xi32, #tpu.memory_space<vmem>>, %arg6: memref<3x128x128xf32, #tpu.memory_space<vmem>>, %arg7: memref<10016x128xf32, #tpu.memory_space<vmem_shared>>, %arg8: memref<5x!tpu.dma_semaphore, #tpu.memory_space<semaphore_mem>>, %arg9: memref<3x!tpu.dma_semaphore, #tpu.memory_space<semaphore_mem>>, %arg10: memref<3x!tpu.dma_semaphore, #tpu.memory_space<semaphore_mem>>) attributes {dimension_semantics = [#tpu.dimension_semantics<core_parallel>, #tpu.dimension_semantics<subcore_parallel>], iteration_bounds = array<i64: 2, 16>, scalar_prefetch = 0 : i64, scratch_operands = 6 : i64, tpu.core_type = #tpu.core_type<sc_vector_subcore>, window_params = [{transform_indices = #map}, {transform_indices = #map1}, {transform_indices = #map2}]} {
    %dma_start3A = arith.constant 0 : i32
    %dma_start3A_0 = arith.constant 0 : i32
    %dma_start3A_1 = arith.constant 0 : i32
    %dma_start3A_2 = arith.constant 0 : i32
    %dma_start3A_3 = arith.constant 0 : i32
    %dma_start3A_4 = tpu.memref_slice %arg5[%dma_start3A_0, %dma_start3A_2, %dma_start3A_3] : memref<5x2x128xi32, #tpu.memory_space<vmem>> -> memref<1x2x128xi32, #tpu.memory_space<vmem>>
    %dma_start3A_5 = tpu.memref_squeeze %dma_start3A_4 : memref<1x2x128xi32, #tpu.memory_space<vmem>> -> memref<2x128xi32, #tpu.memory_space<vmem>>
    %dma_start3A_6 = arith.constant 0 : i32
    %dma_start3A_7 = arith.constant 0 : i32
    %dma_start3A_8 = tpu.memref_slice %arg3[%arg0, %arg1, %dma_start3A, %dma_start3A_6, %dma_start3A_7] : memref<2x16x157x2x128xi32, #tpu.memory_space<hbm>> -> memref<1x1x1x2x128xi32, #tpu.memory_space<hbm>>
    %dma_start3A_9 = tpu.memref_squeeze %dma_start3A_8 : memref<1x1x1x2x128xi32, #tpu.memory_space<hbm>> -> memref<2x128xi32, #tpu.memory_space<hbm>>
    %dma_start3A_10 = tpu.memref_slice %arg8[%dma_start3A_1] : memref<5x!tpu.dma_semaphore, #tpu.memory_space<semaphore_mem>> -> memref<1x!tpu.dma_semaphore, #tpu.memory_space<semaphore_mem>>
    %dma_start3A_11 = tpu.memref_squeeze %dma_start3A_10 : memref<1x!tpu.dma_semaphore, #tpu.memory_space<semaphore_mem>> -> memref<!tpu.dma_semaphore, #tpu.memory_space<semaphore_mem>>
    %dma_start3A_12 = arith.constant 0 : i32
    %dma_start3A_13 = arith.constant 0 : i32
    %dma_start3A_14 = tpu.memref_slice %arg5[%dma_start3A_0, %dma_start3A_12, %dma_start3A_13] : memref<5x2x128xi32, #tpu.memory_space<vmem>> -> memref<1x2x128xi32, #tpu.memory_space<vmem>>
    %dma_start3A_15 = tpu.memref_squeeze %dma_start3A_14 : memref<1x2x128xi32, #tpu.memory_space<vmem>> -> memref<2x128xi32, #tpu.memory_space<vmem>>
    %dma_start3A_16 = arith.constant 0 : i32
    %dma_start3A_17 = arith.constant 0 : i32
    %dma_start3A_18 = tpu.memref_slice %arg3[%arg0, %arg1, %dma_start3A, %dma_start3A_16, %dma_start3A_17] : memref<2x16x157x2x128xi32, #tpu.memory_space<hbm>> -> memref<1x1x1x2x128xi32, #tpu.memory_space<hbm>>
    %dma_start3A_19 = tpu.memref_squeeze %dma_start3A_18 : memref<1x1x1x2x128xi32, #tpu.memory_space<hbm>> -> memref<2x128xi32, #tpu.memory_space<hbm>>
    tpu.enqueue_dma source(%dma_start3A_19 : memref<2x128xi32, #tpu.memory_space<hbm>>) target(%dma_start3A_15 : memref<2x128xi32, #tpu.memory_space<vmem>>) target_semaphore(%dma_start3A_11 : memref<!tpu.dma_semaphore, #tpu.memory_space<semaphore_mem>>)
    %dma_start3A_20 = arith.constant 1 : i32
    %dma_start3A_21 = arith.constant 1 : i32
    %dma_start3A_22 = arith.constant 1 : i32
    %dma_start3A_23 = arith.constant 0 : i32
    %dma_start3A_24 = arith.constant 0 : i32
    %dma_start3A_25 = tpu.memref_slice %arg5[%dma_start3A_21, %dma_start3A_23, %dma_start3A_24] : memref<5x2x128xi32, #tpu.memory_space<vmem>> -> memref<1x2x128xi32, #tpu.memory_space<vmem>>
    %dma_start3A_26 = tpu.memref_squeeze %dma_start3A_25 : memref<1x2x128xi32, #tpu.memory_space<vmem>> -> memref<2x128xi32, #tpu.memory_space<vmem>>
    %dma_start3A_27 = arith.constant 0 : i32
    %dma_start3A_28 = arith.constant 0 : i32
    %dma_start3A_29 = tpu.memref_slice %arg3[%arg0, %arg1, %dma_start3A_20, %dma_start3A_27, %dma_start3A_28] : memref<2x16x157x2x128xi32, #tpu.memory_space<hbm>> -> memref<1x1x1x2x128xi32, #tpu.memory_space<hbm>>
    %dma_start3A_30 = tpu.memref_squeeze %dma_start3A_29 : memref<1x1x1x2x128xi32, #tpu.memory_space<hbm>> -> memref<2x128xi32, #tpu.memory_space<hbm>>
    %dma_start3A_31 = tpu.memref_slice %arg8[%dma_start3A_22] : memref<5x!tpu.dma_semaphore, #tpu.memory_space<semaphore_mem>> -> memref<1x!tpu.dma_semaphore, #tpu.memory_space<semaphore_mem>>
    %dma_start3A_32 = tpu.memref_squeeze %dma_start3A_31 : memref<1x!tpu.dma_semaphore, #tpu.memory_space<semaphore_mem>> -> memref<!tpu.dma_semaphore, #tpu.memory_space<semaphore_mem>>
    %dma_start3A_33 = arith.constant 0 : i32
    %dma_start3A_34 = arith.constant 0 : i32
    %dma_start3A_35 = tpu.memref_slice %arg5[%dma_start3A_21, %dma_start3A_33, %dma_start3A_34] : memref<5x2x128xi32, #tpu.memory_space<vmem>> -> memref<1x2x128xi32, #tpu.memory_space<vmem>>
    %dma_start3A_36 = tpu.memref_squeeze %dma_start3A_35 : memref<1x2x128xi32, #tpu.memory_space<vmem>> -> memref<2x128xi32, #tpu.memory_space<vmem>>
    %dma_start3A_37 = arith.constant 0 : i32
    %dma_start3A_38 = arith.constant 0 : i32
    %dma_start3A_39 = tpu.memref_slice %arg3[%arg0, %arg1, %dma_start3A_20, %dma_start3A_37, %dma_start3A_38] : memref<2x16x157x2x128xi32, #tpu.memory_space<hbm>> -> memref<1x1x1x2x128xi32, #tpu.memory_space<hbm>>
    %dma_start3A_40 = tpu.memref_squeeze %dma_start3A_39 : memref<1x1x1x2x128xi32, #tpu.memory_space<hbm>> -> memref<2x128xi32, #tpu.memory_space<hbm>>
    tpu.enqueue_dma source(%dma_start3A_40 : memref<2x128xi32, #tpu.memory_space<hbm>>) target(%dma_start3A_36 : memref<2x128xi32, #tpu.memory_space<vmem>>) target_semaphore(%dma_start3A_32 : memref<!tpu.dma_semaphore, #tpu.memory_space<semaphore_mem>>)
    %dma_start3A_41 = arith.constant 2 : i32
    %dma_start3A_42 = arith.constant 2 : i32
    %dma_start3A_43 = arith.constant 2 : i32
    %dma_start3A_44 = arith.constant 0 : i32
    %dma_start3A_45 = arith.constant 0 : i32
    %dma_start3A_46 = tpu.memref_slice %arg5[%dma_start3A_42, %dma_start3A_44, %dma_start3A_45] : memref<5x2x128xi32, #tpu.memory_space<vmem>> -> memref<1x2x128xi32, #tpu.memory_space<vmem>>
    %dma_start3A_47 = tpu.memref_squeeze %dma_start3A_46 : memref<1x2x128xi32, #tpu.memory_space<vmem>> -> memref<2x128xi32, #tpu.memory_space<vmem>>
    %dma_start3A_48 = arith.constant 0 : i32
    %dma_start3A_49 = arith.constant 0 : i32
    %dma_start3A_50 = tpu.memref_slice %arg3[%arg0, %arg1, %dma_start3A_41, %dma_start3A_48, %dma_start3A_49] : memref<2x16x157x2x128xi32, #tpu.memory_space<hbm>> -> memref<1x1x1x2x128xi32, #tpu.memory_space<hbm>>
    %dma_start3A_51 = tpu.memref_squeeze %dma_start3A_50 : memref<1x1x1x2x128xi32, #tpu.memory_space<hbm>> -> memref<2x128xi32, #tpu.memory_space<hbm>>
    %dma_start3A_52 = tpu.memref_slice %arg8[%dma_start3A_43] : memref<5x!tpu.dma_semaphore, #tpu.memory_space<semaphore_mem>> -> memref<1x!tpu.dma_semaphore, #tpu.memory_space<semaphore_mem>>
    %dma_start3A_53 = tpu.memref_squeeze %dma_start3A_52 : memref<1x!tpu.dma_semaphore, #tpu.memory_space<semaphore_mem>> -> memref<!tpu.dma_semaphore, #tpu.memory_space<semaphore_mem>>
    %dma_start3A_54 = arith.constant 0 : i32
    %dma_start3A_55 = arith.constant 0 : i32
    %dma_start3A_56 = tpu.memref_slice %arg5[%dma_start3A_42, %dma_start3A_54, %dma_start3A_55] : memref<5x2x128xi32, #tpu.memory_space<vmem>> -> memref<1x2x128xi32, #tpu.memory_space<vmem>>
    %dma_start3A_57 = tpu.memref_squeeze %dma_start3A_56 : memref<1x2x128xi32, #tpu.memory_space<vmem>> -> memref<2x128xi32, #tpu.memory_space<vmem>>
    %dma_start3A_58 = arith.constant 0 : i32
    %dma_start3A_59 = arith.constant 0 : i32
    %dma_start3A_60 = tpu.memref_slice %arg3[%arg0, %arg1, %dma_start3A_41, %dma_start3A_58, %dma_start3A_59] : memref<2x16x157x2x128xi32, #tpu.memory_space<hbm>> -> memref<1x1x1x2x128xi32, #tpu.memory_space<hbm>>
    %dma_start3A_61 = tpu.memref_squeeze %dma_start3A_60 : memref<1x1x1x2x128xi32, #tpu.memory_space<hbm>> -> memref<2x128xi32, #tpu.memory_space<hbm>>
    tpu.enqueue_dma source(%dma_start3A_61 : memref<2x128xi32, #tpu.memory_space<hbm>>) target(%dma_start3A_57 : memref<2x128xi32, #tpu.memory_space<vmem>>) target_semaphore(%dma_start3A_53 : memref<!tpu.dma_semaphore, #tpu.memory_space<semaphore_mem>>)
    %dma_start3A_62 = arith.constant 3 : i32
    %dma_start3A_63 = arith.constant 3 : i32
    %dma_start3A_64 = arith.constant 3 : i32
    %dma_start3A_65 = arith.constant 0 : i32
    %dma_start3A_66 = arith.constant 0 : i32
    %dma_start3A_67 = tpu.memref_slice %arg5[%dma_start3A_63, %dma_start3A_65, %dma_start3A_66] : memref<5x2x128xi32, #tpu.memory_space<vmem>> -> memref<1x2x128xi32, #tpu.memory_space<vmem>>
    %dma_start3A_68 = tpu.memref_squeeze %dma_start3A_67 : memref<1x2x128xi32, #tpu.memory_space<vmem>> -> memref<2x128xi32, #tpu.memory_space<vmem>>
    %dma_start3A_69 = arith.constant 0 : i32
    %dma_start3A_70 = arith.constant 0 : i32
    %dma_start3A_71 = tpu.memref_slice %arg3[%arg0, %arg1, %dma_start3A_62, %dma_start3A_69, %dma_start3A_70] : memref<2x16x157x2x128xi32, #tpu.memory_space<hbm>> -> memref<1x1x1x2x128xi32, #tpu.memory_space<hbm>>
    %dma_start3A_72 = tpu.memref_squeeze %dma_start3A_71 : memref<1x1x1x2x128xi32, #tpu.memory_space<hbm>> -> memref<2x128xi32, #tpu.memory_space<hbm>>
    %dma_start3A_73 = tpu.memref_slice %arg8[%dma_start3A_64] : memref<5x!tpu.dma_semaphore, #tpu.memory_space<semaphore_mem>> -> memref<1x!tpu.dma_semaphore, #tpu.memory_space<semaphore_mem>>
    %dma_start3A_74 = tpu.memref_squeeze %dma_start3A_73 : memref<1x!tpu.dma_semaphore, #tpu.memory_space<semaphore_mem>> -> memref<!tpu.dma_semaphore, #tpu.memory_space<semaphore_mem>>
    %dma_start3A_75 = arith.constant 0 : i32
    %dma_start3A_76 = arith.constant 0 : i32
    %dma_start3A_77 = tpu.memref_slice %arg5[%dma_start3A_63, %dma_start3A_75, %dma_start3A_76] : memref<5x2x128xi32, #tpu.memory_space<vmem>> -> memref<1x2x128xi32, #tpu.memory_space<vmem>>
    %dma_start3A_78 = tpu.memref_squeeze %dma_start3A_77 : memref<1x2x128xi32, #tpu.memory_space<vmem>> -> memref<2x128xi32, #tpu.memory_space<vmem>>
    %dma_start3A_79 = arith.constant 0 : i32
    %dma_start3A_80 = arith.constant 0 : i32
    %dma_start3A_81 = tpu.memref_slice %arg3[%arg0, %arg1, %dma_start3A_62, %dma_start3A_79, %dma_start3A_80] : memref<2x16x157x2x128xi32, #tpu.memory_space<hbm>> -> memref<1x1x1x2x128xi32, #tpu.memory_space<hbm>>
    %dma_start3A_82 = tpu.memref_squeeze %dma_start3A_81 : memref<1x1x1x2x128xi32, #tpu.memory_space<hbm>> -> memref<2x128xi32, #tpu.memory_space<hbm>>
    tpu.enqueue_dma source(%dma_start3A_82 : memref<2x128xi32, #tpu.memory_space<hbm>>) target(%dma_start3A_78 : memref<2x128xi32, #tpu.memory_space<vmem>>) target_semaphore(%dma_start3A_74 : memref<!tpu.dma_semaphore, #tpu.memory_space<semaphore_mem>>)
    %broadcast_in_dim3A = arith.constant 0.000000e+00 : f32
    %broadcast_in_dim3A_83 = vector.broadcast %broadcast_in_dim3A : f32 to vector<16xf32>
    %scan3A = arith.constant 0 : i32
    %scan3A_84 = arith.constant 0 : i32
    %scan3A_85 = arith.constant 128 : i32
    %scan3A_86 = arith.addi %scan3A_84, %scan3A_85 : i32
    %scan3A_87 = arith.constant 1 : i32
    scf.for %scan3A_235 = %scan3A_84 to %scan3A_86 step %scan3A_87  : i32 {
      %scan3A_236 = arith.constant 0 : i32
      %scan3A_237 = arith.constant 8 : i32
      %scan3A_238 = arith.addi %scan3A_236, %scan3A_237 : i32
      %scan3A_239 = arith.constant 1 : i32
      scf.for %scan3A_241 = %scan3A_236 to %scan3A_238 step %scan3A_239  : i32 {
        %mul3A_242 = arith.constant 16 : i32
        %mul3A_243 = arith.muli %scan3A_241, %mul3A_242 : i32
        %swap3A = arith.constant 0 : i32
        %swap3A_244 = arith.index_cast %swap3A : i32 to index
        %swap3A_245 = arith.index_cast %scan3A_235 : i32 to index
        %swap3A_246 = arith.index_cast %mul3A_243 : i32 to index
        %swap3A_247 = tpu.vector_load %arg6[%swap3A_244, %swap3A_245, %swap3A_246] {strides = array<i32>} : memref<3x128x128xf32, #tpu.memory_space<vmem>>, vector<16xf32>,
        tpu.vector_store %arg6[%swap3A_244, %swap3A_245, %swap3A_246], %broadcast_in_dim3A_83 {strides = array<i32>} : memref<3x128x128xf32, #tpu.memory_space<vmem>>, vector<16xf32>,
      }
      %scan3A_240 = arith.constant 8 : i32
    }
    %scan3A_88 = arith.constant 128 : i32
    %mul3A = arith.constant 626 : i32
    %mul3A_89 = arith.muli %arg1, %mul3A : i32
    %add3A = arith.constant 0 : i32
    %add3A_90 = arith.addi %mul3A_89, %add3A : i32
    %run_scoped3A = arith.constant 0 : i32
    "tpu.region"() ({
      %run_scoped3A_235 = tpu.sem_alloc : memref<!tpu.dma_semaphore, #tpu.memory_space<semaphore_mem>>
      %dma_start3A_236 = arith.constant 0 : i32
      %dma_start3A_237 = arith.constant 0 : i32
      %dma_start3A_238 = tpu.memref_slice %arg6[%run_scoped3A, %dma_start3A_236, %dma_start3A_237] : memref<3x128x128xf32, #tpu.memory_space<vmem>> -> memref<1x128x128xf32, #tpu.memory_space<vmem>>
      %dma_start3A_239 = tpu.memref_squeeze %dma_start3A_238 : memref<1x128x128xf32, #tpu.memory_space<vmem>> -> memref<128x128xf32, #tpu.memory_space<vmem>>
      %dma_start3A_240 = arith.constant 0 : i32
      %dma_start3A_241 = tpu.memref_slice %arg7[%add3A_90, %dma_start3A_240] : memref<10016x128xf32, #tpu.memory_space<vmem_shared>> -> memref<128x128xf32, #tpu.memory_space<vmem_shared>>
      %dma_start3A_242 = arith.constant 0 : i32
      %dma_start3A_243 = tpu.memref_slice %arg7[%add3A_90, %dma_start3A_242] : memref<10016x128xf32, #tpu.memory_space<vmem_shared>> -> memref<128x128xf32, #tpu.memory_space<vmem_shared>>
      %dma_start3A_244 = arith.constant 0 : i32
      %dma_start3A_245 = arith.constant 0 : i32
      %dma_start3A_246 = tpu.memref_slice %arg6[%run_scoped3A, %dma_start3A_244, %dma_start3A_245] : memref<3x128x128xf32, #tpu.memory_space<vmem>> -> memref<1x128x128xf32, #tpu.memory_space<vmem>>
      %dma_start3A_247 = tpu.memref_squeeze %dma_start3A_246 : memref<1x128x128xf32, #tpu.memory_space<vmem>> -> memref<128x128xf32, #tpu.memory_space<vmem>>
      tpu.enqueue_dma source(%dma_start3A_247 : memref<128x128xf32, #tpu.memory_space<vmem>>) target(%dma_start3A_243 : memref<128x128xf32, #tpu.memory_space<vmem_shared>>) target_semaphore(%run_scoped3A_235 : memref<!tpu.dma_semaphore, #tpu.memory_space<semaphore_mem>>)
      %dma_wait3A_248 = arith.constant 0 : i32
      %dma_wait3A_249 = arith.constant 0 : i32
      %dma_wait3A_250 = tpu.memref_slice %arg6[%run_scoped3A, %dma_wait3A_248, %dma_wait3A_249] : memref<3x128x128xf32, #tpu.memory_space<vmem>> -> memref<1x128x128xf32, #tpu.memory_space<vmem>>
      %dma_wait3A_251 = tpu.memref_squeeze %dma_wait3A_250 : memref<1x128x128xf32, #tpu.memory_space<vmem>> -> memref<128x128xf32, #tpu.memory_space<vmem>>
      %dma_wait3A_252 = arith.constant 0 : i32
      %dma_wait3A_253 = tpu.memref_slice %arg7[%add3A_90, %dma_wait3A_252] : memref<10016x128xf32, #tpu.memory_space<vmem_shared>> -> memref<128x128xf32, #tpu.memory_space<vmem_shared>>
      %dma_wait3A_254 = arith.constant 0 : i32
      %dma_wait3A_255 = tpu.memref_slice %arg7[%add3A_90, %dma_wait3A_254] : memref<10016x128xf32, #tpu.memory_space<vmem_shared>> -> memref<128x128xf32, #tpu.memory_space<vmem_shared>>
      %dma_wait3A_256 = arith.constant 0 : i32
      %dma_wait3A_257 = arith.constant 0 : i32
      %dma_wait3A_258 = tpu.memref_slice %arg6[%run_scoped3A, %dma_wait3A_256, %dma_wait3A_257] : memref<3x128x128xf32, #tpu.memory_space<vmem>> -> memref<1x128x128xf32, #tpu.memory_space<vmem>>
      %dma_wait3A_259 = tpu.memref_squeeze %dma_wait3A_258 : memref<1x128x128xf32, #tpu.memory_space<vmem>> -> memref<128x128xf32, #tpu.memory_space<vmem>>
      tpu.wait_dma2 semaphore(%run_scoped3A_235 : memref<!tpu.dma_semaphore, #tpu.memory_space<semaphore_mem>>) src(%dma_wait3A_259 : memref<128x128xf32, #tpu.memory_space<vmem>>) dst(%dma_wait3A_255 : memref<128x128xf32, #tpu.memory_space<vmem_shared>>)
      tpu.yield
    }) : () -> ()
    %add3A_91 = arith.constant 128 : i32
    %add3A_92 = arith.addi %mul3A_89, %add3A_91 : i32
    %run_scoped3A_93 = arith.constant 0 : i32
    "tpu.region"() ({
      %run_scoped3A_235 = tpu.sem_alloc : memref<!tpu.dma_semaphore, #tpu.memory_space<semaphore_mem>>
      %dma_start3A_236 = arith.constant 0 : i32
      %dma_start3A_237 = arith.constant 0 : i32
      %dma_start3A_238 = tpu.memref_slice %arg6[%run_scoped3A_93, %dma_start3A_236, %dma_start3A_237] : memref<3x128x128xf32, #tpu.memory_space<vmem>> -> memref<1x128x128xf32, #tpu.memory_space<vmem>>
      %dma_start3A_239 = tpu.memref_squeeze %dma_start3A_238 : memref<1x128x128xf32, #tpu.memory_space<vmem>> -> memref<128x128xf32, #tpu.memory_space<vmem>>
      %dma_start3A_240 = arith.constant 0 : i32
      %dma_start3A_241 = tpu.memref_slice %arg7[%add3A_92, %dma_start3A_240] : memref<10016x128xf32, #tpu.memory_space<vmem_shared>> -> memref<128x128xf32, #tpu.memory_space<vmem_shared>>
      %dma_start3A_242 = arith.constant 0 : i32
      %dma_start3A_243 = tpu.memref_slice %arg7[%add3A_92, %dma_start3A_242] : memref<10016x128xf32, #tpu.memory_space<vmem_shared>> -> memref<128x128xf32, #tpu.memory_space<vmem_shared>>
      %dma_start3A_244 = arith.constant 0 : i32
      %dma_start3A_245 = arith.constant 0 : i32
      %dma_start3A_246 = tpu.memref_slice %arg6[%run_scoped3A_93, %dma_start3A_244, %dma_start3A_245] : memref<3x128x128xf32, #tpu.memory_space<vmem>> -> memref<1x128x128xf32, #tpu.memory_space<vmem>>
      %dma_start3A_247 = tpu.memref_squeeze %dma_start3A_246 : memref<1x128x128xf32, #tpu.memory_space<vmem>> -> memref<128x128xf32, #tpu.memory_space<vmem>>
      tpu.enqueue_dma source(%dma_start3A_247 : memref<128x128xf32, #tpu.memory_space<vmem>>) target(%dma_start3A_243 : memref<128x128xf32, #tpu.memory_space<vmem_shared>>) target_semaphore(%run_scoped3A_235 : memref<!tpu.dma_semaphore, #tpu.memory_space<semaphore_mem>>)
      %dma_wait3A_248 = arith.constant 0 : i32
      %dma_wait3A_249 = arith.constant 0 : i32
      %dma_wait3A_250 = tpu.memref_slice %arg6[%run_scoped3A_93, %dma_wait3A_248, %dma_wait3A_249] : memref<3x128x128xf32, #tpu.memory_space<vmem>> -> memref<1x128x128xf32, #tpu.memory_space<vmem>>
      %dma_wait3A_251 = tpu.memref_squeeze %dma_wait3A_250 : memref<1x128x128xf32, #tpu.memory_space<vmem>> -> memref<128x128xf32, #tpu.memory_space<vmem>>
      %dma_wait3A_252 = arith.constant 0 : i32
      %dma_wait3A_253 = tpu.memref_slice %arg7[%add3A_92, %dma_wait3A_252] : memref<10016x128xf32, #tpu.memory_space<vmem_shared>> -> memref<128x128xf32, #tpu.memory_space<vmem_shared>>
      %dma_wait3A_254 = arith.constant 0 : i32
      %dma_wait3A_255 = tpu.memref_slice %arg7[%add3A_92, %dma_wait3A_254] : memref<10016x128xf32, #tpu.memory_space<vmem_shared>> -> memref<128x128xf32, #tpu.memory_space<vmem_shared>>
      %dma_wait3A_256 = arith.constant 0 : i32
      %dma_wait3A_257 = arith.constant 0 : i32
      %dma_wait3A_258 = tpu.memref_slice %arg6[%run_scoped3A_93, %dma_wait3A_256, %dma_wait3A_257] : memref<3x128x128xf32, #tpu.memory_space<vmem>> -> memref<1x128x128xf32, #tpu.memory_space<vmem>>
      %dma_wait3A_259 = tpu.memref_squeeze %dma_wait3A_258 : memref<1x128x128xf32, #tpu.memory_space<vmem>> -> memref<128x128xf32, #tpu.memory_space<vmem>>
      tpu.wait_dma2 semaphore(%run_scoped3A_235 : memref<!tpu.dma_semaphore, #tpu.memory_space<semaphore_mem>>) src(%dma_wait3A_259 : memref<128x128xf32, #tpu.memory_space<vmem>>) dst(%dma_wait3A_255 : memref<128x128xf32, #tpu.memory_space<vmem_shared>>)
      tpu.yield
    }) : () -> ()
    %add3A_94 = arith.constant 256 : i32
    %add3A_95 = arith.addi %mul3A_89, %add3A_94 : i32
    %run_scoped3A_96 = arith.constant 0 : i32
    "tpu.region"() ({
      %run_scoped3A_235 = tpu.sem_alloc : memref<!tpu.dma_semaphore, #tpu.memory_space<semaphore_mem>>
      %dma_start3A_236 = arith.constant 0 : i32
      %dma_start3A_237 = arith.constant 0 : i32
      %dma_start3A_238 = tpu.memref_slice %arg6[%run_scoped3A_96, %dma_start3A_236, %dma_start3A_237] : memref<3x128x128xf32, #tpu.memory_space<vmem>> -> memref<1x128x128xf32, #tpu.memory_space<vmem>>
      %dma_start3A_239 = tpu.memref_squeeze %dma_start3A_238 : memref<1x128x128xf32, #tpu.memory_space<vmem>> -> memref<128x128xf32, #tpu.memory_space<vmem>>
      %dma_start3A_240 = arith.constant 0 : i32
      %dma_start3A_241 = tpu.memref_slice %arg7[%add3A_95, %dma_start3A_240] : memref<10016x128xf32, #tpu.memory_space<vmem_shared>> -> memref<128x128xf32, #tpu.memory_space<vmem_shared>>
      %dma_start3A_242 = arith.constant 0 : i32
      %dma_start3A_243 = tpu.memref_slice %arg7[%add3A_95, %dma_start3A_242] : memref<10016x128xf32, #tpu.memory_space<vmem_shared>> -> memref<128x128xf32, #tpu.memory_space<vmem_shared>>
      %dma_start3A_244 = arith.constant 0 : i32
      %dma_start3A_245 = arith.constant 0 : i32
      %dma_start3A_246 = tpu.memref_slice %arg6[%run_scoped3A_96, %dma_start3A_244, %dma_start3A_245] : memref<3x128x128xf32, #tpu.memory_space<vmem>> -> memref<1x128x128xf32, #tpu.memory_space<vmem>>
      %dma_start3A_247 = tpu.memref_squeeze %dma_start3A_246 : memref<1x128x128xf32, #tpu.memory_space<vmem>> -> memref<128x128xf32, #tpu.memory_space<vmem>>
      tpu.enqueue_dma source(%dma_start3A_247 : memref<128x128xf32, #tpu.memory_space<vmem>>) target(%dma_start3A_243 : memref<128x128xf32, #tpu.memory_space<vmem_shared>>) target_semaphore(%run_scoped3A_235 : memref<!tpu.dma_semaphore, #tpu.memory_space<semaphore_mem>>)
      %dma_wait3A_248 = arith.constant 0 : i32
      %dma_wait3A_249 = arith.constant 0 : i32
      %dma_wait3A_250 = tpu.memref_slice %arg6[%run_scoped3A_96, %dma_wait3A_248, %dma_wait3A_249] : memref<3x128x128xf32, #tpu.memory_space<vmem>> -> memref<1x128x128xf32, #tpu.memory_space<vmem>>
      %dma_wait3A_251 = tpu.memref_squeeze %dma_wait3A_250 : memref<1x128x128xf32, #tpu.memory_space<vmem>> -> memref<128x128xf32, #tpu.memory_space<vmem>>
      %dma_wait3A_252 = arith.constant 0 : i32
      %dma_wait3A_253 = tpu.memref_slice %arg7[%add3A_95, %dma_wait3A_252] : memref<10016x128xf32, #tpu.memory_space<vmem_shared>> -> memref<128x128xf32, #tpu.memory_space<vmem_shared>>
      %dma_wait3A_254 = arith.constant 0 : i32
      %dma_wait3A_255 = tpu.memref_slice %arg7[%add3A_95, %dma_wait3A_254] : memref<10016x128xf32, #tpu.memory_space<vmem_shared>> -> memref<128x128xf32, #tpu.memory_space<vmem_shared>>
      %dma_wait3A_256 = arith.constant 0 : i32
      %dma_wait3A_257 = arith.constant 0 : i32
      %dma_wait3A_258 = tpu.memref_slice %arg6[%run_scoped3A_96, %dma_wait3A_256, %dma_wait3A_257] : memref<3x128x128xf32, #tpu.memory_space<vmem>> -> memref<1x128x128xf32, #tpu.memory_space<vmem>>
      %dma_wait3A_259 = tpu.memref_squeeze %dma_wait3A_258 : memref<1x128x128xf32, #tpu.memory_space<vmem>> -> memref<128x128xf32, #tpu.memory_space<vmem>>
      tpu.wait_dma2 semaphore(%run_scoped3A_235 : memref<!tpu.dma_semaphore, #tpu.memory_space<semaphore_mem>>) src(%dma_wait3A_259 : memref<128x128xf32, #tpu.memory_space<vmem>>) dst(%dma_wait3A_255 : memref<128x128xf32, #tpu.memory_space<vmem_shared>>)
      tpu.yield
    }) : () -> ()
    %add3A_97 = arith.constant 384 : i32
    %add3A_98 = arith.addi %mul3A_89, %add3A_97 : i32
    %run_scoped3A_99 = arith.constant 0 : i32
    "tpu.region"() ({
      %run_scoped3A_235 = tpu.sem_alloc : memref<!tpu.dma_semaphore, #tpu.memory_space<semaphore_mem>>
      %dma_start3A_236 = arith.constant 0 : i32
      %dma_start3A_237 = arith.constant 0 : i32
      %dma_start3A_238 = tpu.memref_slice %arg6[%run_scoped3A_99, %dma_start3A_236, %dma_start3A_237] : memref<3x128x128xf32, #tpu.memory_space<vmem>> -> memref<1x128x128xf32, #tpu.memory_space<vmem>>
      %dma_start3A_239 = tpu.memref_squeeze %dma_start3A_238 : memref<1x128x128xf32, #tpu.memory_space<vmem>> -> memref<128x128xf32, #tpu.memory_space<vmem>>
      %dma_start3A_240 = arith.constant 0 : i32
      %dma_start3A_241 = tpu.memref_slice %arg7[%add3A_98, %dma_start3A_240] : memref<10016x128xf32, #tpu.memory_space<vmem_shared>> -> memref<128x128xf32, #tpu.memory_space<vmem_shared>>
      %dma_start3A_242 = arith.constant 0 : i32
      %dma_start3A_243 = tpu.memref_slice %arg7[%add3A_98, %dma_start3A_242] : memref<10016x128xf32, #tpu.memory_space<vmem_shared>> -> memref<128x128xf32, #tpu.memory_space<vmem_shared>>
      %dma_start3A_244 = arith.constant 0 : i32
      %dma_start3A_245 = arith.constant 0 : i32
      %dma_start3A_246 = tpu.memref_slice %arg6[%run_scoped3A_99, %dma_start3A_244, %dma_start3A_245] : memref<3x128x128xf32, #tpu.memory_space<vmem>> -> memref<1x128x128xf32, #tpu.memory_space<vmem>>
      %dma_start3A_247 = tpu.memref_squeeze %dma_start3A_246 : memref<1x128x128xf32, #tpu.memory_space<vmem>> -> memref<128x128xf32, #tpu.memory_space<vmem>>
      tpu.enqueue_dma source(%dma_start3A_247 : memref<128x128xf32, #tpu.memory_space<vmem>>) target(%dma_start3A_243 : memref<128x128xf32, #tpu.memory_space<vmem_shared>>) target_semaphore(%run_scoped3A_235 : memref<!tpu.dma_semaphore, #tpu.memory_space<semaphore_mem>>)
      %dma_wait3A_248 = arith.constant 0 : i32
      %dma_wait3A_249 = arith.constant 0 : i32
      %dma_wait3A_250 = tpu.memref_slice %arg6[%run_scoped3A_99, %dma_wait3A_248, %dma_wait3A_249] : memref<3x128x128xf32, #tpu.memory_space<vmem>> -> memref<1x128x128xf32, #tpu.memory_space<vmem>>
      %dma_wait3A_251 = tpu.memref_squeeze %dma_wait3A_250 : memref<1x128x128xf32, #tpu.memory_space<vmem>> -> memref<128x128xf32, #tpu.memory_space<vmem>>
      %dma_wait3A_252 = arith.constant 0 : i32
      %dma_wait3A_253 = tpu.memref_slice %arg7[%add3A_98, %dma_wait3A_252] : memref<10016x128xf32, #tpu.memory_space<vmem_shared>> -> memref<128x128xf32, #tpu.memory_space<vmem_shared>>
      %dma_wait3A_254 = arith.constant 0 : i32
      %dma_wait3A_255 = tpu.memref_slice %arg7[%add3A_98, %dma_wait3A_254] : memref<10016x128xf32, #tpu.memory_space<vmem_shared>> -> memref<128x128xf32, #tpu.memory_space<vmem_shared>>
      %dma_wait3A_256 = arith.constant 0 : i32
      %dma_wait3A_257 = arith.constant 0 : i32
      %dma_wait3A_258 = tpu.memref_slice %arg6[%run_scoped3A_99, %dma_wait3A_256, %dma_wait3A_257] : memref<3x128x128xf32, #tpu.memory_space<vmem>> -> memref<1x128x128xf32, #tpu.memory_space<vmem>>
      %dma_wait3A_259 = tpu.memref_squeeze %dma_wait3A_258 : memref<1x128x128xf32, #tpu.memory_space<vmem>> -> memref<128x128xf32, #tpu.memory_space<vmem>>
      tpu.wait_dma2 semaphore(%run_scoped3A_235 : memref<!tpu.dma_semaphore, #tpu.memory_space<semaphore_mem>>) src(%dma_wait3A_259 : memref<128x128xf32, #tpu.memory_space<vmem>>) dst(%dma_wait3A_255 : memref<128x128xf32, #tpu.memory_space<vmem_shared>>)
      tpu.yield
    }) : () -> ()
    %add3A_100 = arith.constant 512 : i32
    %add3A_101 = arith.addi %mul3A_89, %add3A_100 : i32
    %run_scoped3A_102 = arith.constant 0 : i32
    "tpu.region"() ({
      %run_scoped3A_235 = tpu.sem_alloc : memref<!tpu.dma_semaphore, #tpu.memory_space<semaphore_mem>>
      %dma_start3A_236 = arith.constant 0 : i32
      %dma_start3A_237 = arith.constant 0 : i32
      %dma_start3A_238 = tpu.memref_slice %arg6[%run_scoped3A_102, %dma_start3A_236, %dma_start3A_237] : memref<3x128x128xf32, #tpu.memory_space<vmem>> -> memref<1x114x128xf32, #tpu.memory_space<vmem>>
      %dma_start3A_239 = tpu.memref_squeeze %dma_start3A_238 : memref<1x114x128xf32, #tpu.memory_space<vmem>> -> memref<114x128xf32, #tpu.memory_space<vmem>>
      %dma_start3A_240 = arith.constant 0 : i32
      %dma_start3A_241 = tpu.memref_slice %arg7[%add3A_101, %dma_start3A_240] : memref<10016x128xf32, #tpu.memory_space<vmem_shared>> -> memref<114x128xf32, #tpu.memory_space<vmem_shared>>
      %dma_start3A_242 = arith.constant 0 : i32
      %dma_start3A_243 = tpu.memref_slice %arg7[%add3A_101, %dma_start3A_242] : memref<10016x128xf32, #tpu.memory_space<vmem_shared>> -> memref<114x128xf32, #tpu.memory_space<vmem_shared>>
      %dma_start3A_244 = arith.constant 0 : i32
      %dma_start3A_245 = arith.constant 0 : i32
      %dma_start3A_246 = tpu.memref_slice %arg6[%run_scoped3A_102, %dma_start3A_244, %dma_start3A_245] : memref<3x128x128xf32, #tpu.memory_space<vmem>> -> memref<1x114x128xf32, #tpu.memory_space<vmem>>
      %dma_start3A_247 = tpu.memref_squeeze %dma_start3A_246 : memref<1x114x128xf32, #tpu.memory_space<vmem>> -> memref<114x128xf32, #tpu.memory_space<vmem>>
      tpu.enqueue_dma source(%dma_start3A_247 : memref<114x128xf32, #tpu.memory_space<vmem>>) target(%dma_start3A_243 : memref<114x128xf32, #tpu.memory_space<vmem_shared>>) target_semaphore(%run_scoped3A_235 : memref<!tpu.dma_semaphore, #tpu.memory_space<semaphore_mem>>)
      %dma_wait3A_248 = arith.constant 0 : i32
      %dma_wait3A_249 = arith.constant 0 : i32
      %dma_wait3A_250 = tpu.memref_slice %arg6[%run_scoped3A_102, %dma_wait3A_248, %dma_wait3A_249] : memref<3x128x128xf32, #tpu.memory_space<vmem>> -> memref<1x114x128xf32, #tpu.memory_space<vmem>>
      %dma_wait3A_251 = tpu.memref_squeeze %dma_wait3A_250 : memref<1x114x128xf32, #tpu.memory_space<vmem>> -> memref<114x128xf32, #tpu.memory_space<vmem>>
      %dma_wait3A_252 = arith.constant 0 : i32
      %dma_wait3A_253 = tpu.memref_slice %arg7[%add3A_101, %dma_wait3A_252] : memref<10016x128xf32, #tpu.memory_space<vmem_shared>> -> memref<114x128xf32, #tpu.memory_space<vmem_shared>>
      %dma_wait3A_254 = arith.constant 0 : i32
      %dma_wait3A_255 = tpu.memref_slice %arg7[%add3A_101, %dma_wait3A_254] : memref<10016x128xf32, #tpu.memory_space<vmem_shared>> -> memref<114x128xf32, #tpu.memory_space<vmem_shared>>
      %dma_wait3A_256 = arith.constant 0 : i32
      %dma_wait3A_257 = arith.constant 0 : i32
      %dma_wait3A_258 = tpu.memref_slice %arg6[%run_scoped3A_102, %dma_wait3A_256, %dma_wait3A_257] : memref<3x128x128xf32, #tpu.memory_space<vmem>> -> memref<1x114x128xf32, #tpu.memory_space<vmem>>
      %dma_wait3A_259 = tpu.memref_squeeze %dma_wait3A_258 : memref<1x114x128xf32, #tpu.memory_space<vmem>> -> memref<114x128xf32, #tpu.memory_space<vmem>>
      tpu.wait_dma2 semaphore(%run_scoped3A_235 : memref<!tpu.dma_semaphore, #tpu.memory_space<semaphore_mem>>) src(%dma_wait3A_259 : memref<114x128xf32, #tpu.memory_space<vmem>>) dst(%dma_wait3A_255 : memref<114x128xf32, #tpu.memory_space<vmem_shared>>)
      tpu.yield
    }) : () -> ()
    %barrier3A = arith.constant 0 : index
    tpu.barrier barrier_id(%barrier3A)
    %dma_wait3A = arith.constant 0 : i32
    %dma_wait3A_103 = arith.constant 0 : i32
    %dma_wait3A_104 = arith.constant 0 : i32
    %dma_wait3A_105 = arith.constant 0 : i32
    %dma_wait3A_106 = arith.constant 0 : i32
    %dma_wait3A_107 = tpu.memref_slice %arg5[%dma_wait3A_103, %dma_wait3A_105, %dma_wait3A_106] : memref<5x2x128xi32, #tpu.memory_space<vmem>> -> memref<1x2x128xi32, #tpu.memory_space<vmem>>
    %dma_wait3A_108 = tpu.memref_squeeze %dma_wait3A_107 : memref<1x2x128xi32, #tpu.memory_space<vmem>> -> memref<2x128xi32, #tpu.memory_space<vmem>>
    %dma_wait3A_109 = arith.constant 0 : i32
    %dma_wait3A_110 = arith.constant 0 : i32
    %dma_wait3A_111 = tpu.memref_slice %arg3[%arg0, %arg1, %dma_wait3A, %dma_wait3A_109, %dma_wait3A_110] : memref<2x16x157x2x128xi32, #tpu.memory_space<hbm>> -> memref<1x1x1x2x128xi32, #tpu.memory_space<hbm>>
    %dma_wait3A_112 = tpu.memref_squeeze %dma_wait3A_111 : memref<1x1x1x2x128xi32, #tpu.memory_space<hbm>> -> memref<2x128xi32, #tpu.memory_space<hbm>>
    %dma_wait3A_113 = tpu.memref_slice %arg8[%dma_wait3A_104] : memref<5x!tpu.dma_semaphore, #tpu.memory_space<semaphore_mem>> -> memref<1x!tpu.dma_semaphore, #tpu.memory_space<semaphore_mem>>
    %dma_wait3A_114 = tpu.memref_squeeze %dma_wait3A_113 : memref<1x!tpu.dma_semaphore, #tpu.memory_space<semaphore_mem>> -> memref<!tpu.dma_semaphore, #tpu.memory_space<semaphore_mem>>
    %dma_wait3A_115 = arith.constant 0 : i32
    %dma_wait3A_116 = arith.constant 0 : i32
    %dma_wait3A_117 = tpu.memref_slice %arg5[%dma_wait3A_103, %dma_wait3A_115, %dma_wait3A_116] : memref<5x2x128xi32, #tpu.memory_space<vmem>> -> memref<1x2x128xi32, #tpu.memory_space<vmem>>
    %dma_wait3A_118 = tpu.memref_squeeze %dma_wait3A_117 : memref<1x2x128xi32, #tpu.memory_space<vmem>> -> memref<2x128xi32, #tpu.memory_space<vmem>>
    %dma_wait3A_119 = arith.constant 0 : i32
    %dma_wait3A_120 = arith.constant 0 : i32
    %dma_wait3A_121 = tpu.memref_slice %arg3[%arg0, %arg1, %dma_wait3A, %dma_wait3A_119, %dma_wait3A_120] : memref<2x16x157x2x128xi32, #tpu.memory_space<hbm>> -> memref<1x1x1x2x128xi32, #tpu.memory_space<hbm>>
    %dma_wait3A_122 = tpu.memref_squeeze %dma_wait3A_121 : memref<1x1x1x2x128xi32, #tpu.memory_space<hbm>> -> memref<2x128xi32, #tpu.memory_space<hbm>>
    tpu.wait_dma2 semaphore(%dma_wait3A_114 : memref<!tpu.dma_semaphore, #tpu.memory_space<semaphore_mem>>) src(%dma_wait3A_122 : memref<2x128xi32, #tpu.memory_space<hbm>>) dst(%dma_wait3A_118 : memref<2x128xi32, #tpu.memory_space<vmem>>)
    %dma_start3A_123 = arith.constant 0 : i32
    %dma_start3A_124 = arith.constant 0 : i32
    %dma_start3A_125 = arith.constant 0 : i32
    %dma_start3A_126 = arith.constant 0 : i32
    %dma_start3A_127 = arith.constant 0 : i32
    %dma_start3A_128 = arith.constant 0 : i32
    %dma_start3A_129 = tpu.memref_slice %arg6[%dma_start3A_125, %dma_start3A_127, %dma_start3A_128] : memref<3x128x128xf32, #tpu.memory_space<vmem>> -> memref<1x128x128xf32, #tpu.memory_space<vmem>>
    %dma_start3A_130 = tpu.memref_squeeze %dma_start3A_129 : memref<1x128x128xf32, #tpu.memory_space<vmem>> -> memref<128x128xf32, #tpu.memory_space<vmem>>
    %dma_start3A_131 = arith.constant 0 : i32
    %dma_start3A_132 = tpu.memref_slice %arg5[%dma_start3A_123, %dma_start3A_124, %dma_start3A_131] : memref<5x2x128xi32, #tpu.memory_space<vmem>> -> memref<1x1x128xi32, #tpu.memory_space<vmem>>
    %dma_start3A_133 = tpu.memref_squeeze %dma_start3A_132 : memref<1x1x128xi32, #tpu.memory_space<vmem>> -> memref<128xi32, #tpu.memory_space<vmem>>
    %dma_start3A_134 = arith.constant 0 : i32
    %dma_start3A_135 = arith.constant 0 : i32
    %dma_start3A_136 = tpu.memref_slice %arg2[%dma_start3A_134, %dma_start3A_135] : memref<20032x128xf32, #tpu.memory_space<hbm>> -> memref<20032x128xf32, #tpu.memory_space<hbm>>
    %dma_start3A_137 = tpu.memref_slice %arg9[%dma_start3A_126] : memref<3x!tpu.dma_semaphore, #tpu.memory_space<semaphore_mem>> -> memref<1x!tpu.dma_semaphore, #tpu.memory_space<semaphore_mem>>
    %dma_start3A_138 = tpu.memref_squeeze %dma_start3A_137 : memref<1x!tpu.dma_semaphore, #tpu.memory_space<semaphore_mem>> -> memref<!tpu.dma_semaphore, #tpu.memory_space<semaphore_mem>>
    tpu.enqueue_indirect_dma source(%dma_start3A_136 : memref<20032x128xf32, #tpu.memory_space<hbm>>) target(%dma_start3A_130 : memref<128x128xf32, #tpu.memory_space<vmem>>) offsets(%dma_start3A_133 : memref<128xi32, #tpu.memory_space<vmem>>) semaphore(%dma_start3A_138 : memref<!tpu.dma_semaphore, #tpu.memory_space<semaphore_mem>>)
    %dma_wait3A_139 = arith.constant 1 : i32
    %dma_wait3A_140 = arith.constant 1 : i32
    %dma_wait3A_141 = arith.constant 1 : i32
    %dma_wait3A_142 = arith.constant 0 : i32
    %dma_wait3A_143 = arith.constant 0 : i32
    %dma_wait3A_144 = tpu.memref_slice %arg5[%dma_wait3A_140, %dma_wait3A_142, %dma_wait3A_143] : memref<5x2x128xi32, #tpu.memory_space<vmem>> -> memref<1x2x128xi32, #tpu.memory_space<vmem>>
    %dma_wait3A_145 = tpu.memref_squeeze %dma_wait3A_144 : memref<1x2x128xi32, #tpu.memory_space<vmem>> -> memref<2x128xi32, #tpu.memory_space<vmem>>
    %dma_wait3A_146 = arith.constant 0 : i32
    %dma_wait3A_147 = arith.constant 0 : i32
    %dma_wait3A_148 = tpu.memref_slice %arg3[%arg0, %arg1, %dma_wait3A_139, %dma_wait3A_146, %dma_wait3A_147] : memref<2x16x157x2x128xi32, #tpu.memory_space<hbm>> -> memref<1x1x1x2x128xi32, #tpu.memory_space<hbm>>
    %dma_wait3A_149 = tpu.memref_squeeze %dma_wait3A_148 : memref<1x1x1x2x128xi32, #tpu.memory_space<hbm>> -> memref<2x128xi32, #tpu.memory_space<hbm>>
    %dma_wait3A_150 = tpu.memref_slice %arg8[%dma_wait3A_141] : memref<5x!tpu.dma_semaphore, #tpu.memory_space<semaphore_mem>> -> memref<1x!tpu.dma_semaphore, #tpu.memory_space<semaphore_mem>>
    %dma_wait3A_151 = tpu.memref_squeeze %dma_wait3A_150 : memref<1x!tpu.dma_semaphore, #tpu.memory_space<semaphore_mem>> -> memref<!tpu.dma_semaphore, #tpu.memory_space<semaphore_mem>>
    %dma_wait3A_152 = arith.constant 0 : i32
    %dma_wait3A_153 = arith.constant 0 : i32
    %dma_wait3A_154 = tpu.memref_slice %arg5[%dma_wait3A_140, %dma_wait3A_152, %dma_wait3A_153] : memref<5x2x128xi32, #tpu.memory_space<vmem>> -> memref<1x2x128xi32, #tpu.memory_space<vmem>>
    %dma_wait3A_155 = tpu.memref_squeeze %dma_wait3A_154 : memref<1x2x128xi32, #tpu.memory_space<vmem>> -> memref<2x128xi32, #tpu.memory_space<vmem>>
    %dma_wait3A_156 = arith.constant 0 : i32
    %dma_wait3A_157 = arith.constant 0 : i32
    %dma_wait3A_158 = tpu.memref_slice %arg3[%arg0, %arg1, %dma_wait3A_139, %dma_wait3A_156, %dma_wait3A_157] : memref<2x16x157x2x128xi32, #tpu.memory_space<hbm>> -> memref<1x1x1x2x128xi32, #tpu.memory_space<hbm>>
    %dma_wait3A_159 = tpu.memref_squeeze %dma_wait3A_158 : memref<1x1x1x2x128xi32, #tpu.memory_space<hbm>> -> memref<2x128xi32, #tpu.memory_space<hbm>>
    tpu.wait_dma2 semaphore(%dma_wait3A_151 : memref<!tpu.dma_semaphore, #tpu.memory_space<semaphore_mem>>) src(%dma_wait3A_159 : memref<2x128xi32, #tpu.memory_space<hbm>>) dst(%dma_wait3A_155 : memref<2x128xi32, #tpu.memory_space<vmem>>)
    %dma_start3A_160 = arith.constant 1 : i32
    %dma_start3A_161 = arith.constant 0 : i32
    %dma_start3A_162 = arith.constant 1 : i32
    %dma_start3A_163 = arith.constant 1 : i32
    %dma_start3A_164 = arith.constant 0 : i32
    %dma_start3A_165 = arith.constant 0 : i32
    %dma_start3A_166 = tpu.memref_slice %arg6[%dma_start3A_162, %dma_start3A_164, %dma_start3A_165] : memref<3x128x128xf32, #tpu.memory_space<vmem>> -> memref<1x128x128xf32, #tpu.memory_space<vmem>>
    %dma_start3A_167 = tpu.memref_squeeze %dma_start3A_166 : memref<1x128x128xf32, #tpu.memory_space<vmem>> -> memref<128x128xf32, #tpu.memory_space<vmem>>
    %dma_start3A_168 = arith.constant 0 : i32
    %dma_start3A_169 = tpu.memref_slice %arg5[%dma_start3A_160, %dma_start3A_161, %dma_start3A_168] : memref<5x2x128xi32, #tpu.memory_space<vmem>> -> memref<1x1x128xi32, #tpu.memory_space<vmem>>
    %dma_start3A_170 = tpu.memref_squeeze %dma_start3A_169 : memref<1x1x128xi32, #tpu.memory_space<vmem>> -> memref<128xi32, #tpu.memory_space<vmem>>
    %dma_start3A_171 = arith.constant 0 : i32
    %dma_start3A_172 = arith.constant 0 : i32
    %dma_start3A_173 = tpu.memref_slice %arg2[%dma_start3A_171, %dma_start3A_172] : memref<20032x128xf32, #tpu.memory_space<hbm>> -> memref<20032x128xf32, #tpu.memory_space<hbm>>
    %dma_start3A_174 = tpu.memref_slice %arg9[%dma_start3A_163] : memref<3x!tpu.dma_semaphore, #tpu.memory_space<semaphore_mem>> -> memref<1x!tpu.dma_semaphore, #tpu.memory_space<semaphore_mem>>
    %dma_start3A_175 = tpu.memref_squeeze %dma_start3A_174 : memref<1x!tpu.dma_semaphore, #tpu.memory_space<semaphore_mem>> -> memref<!tpu.dma_semaphore, #tpu.memory_space<semaphore_mem>>
    tpu.enqueue_indirect_dma source(%dma_start3A_173 : memref<20032x128xf32, #tpu.memory_space<hbm>>) target(%dma_start3A_167 : memref<128x128xf32, #tpu.memory_space<vmem>>) offsets(%dma_start3A_170 : memref<128xi32, #tpu.memory_space<vmem>>) semaphore(%dma_start3A_175 : memref<!tpu.dma_semaphore, #tpu.memory_space<semaphore_mem>>)
    %scan3A_176 = arith.constant 0 : i32
    %scan3A_177 = arith.constant 0 : i32
    %scan3A_178 = arith.constant 157 : i32
    %scan3A_179 = arith.addi %scan3A_177, %scan3A_178 : i32
    %scan3A_180 = arith.constant 1 : i32
    scf.for %scan3A_235 = %scan3A_177 to %scan3A_179 step %scan3A_180  : i32 {
      %jit3A = arith.constant 5 : i32
      %eq3A = arith.constant 0 : i32
      %eq3A_236 = arith.cmpi eq, %jit3A, %eq3A : i32
      %jit3A_237 = arith.constant 1 : i32
      %select_n3A = arith.select %eq3A_236, %jit3A_237, %jit3A : i32
      %rem3A = arith.remsi %scan3A_235, %select_n3A : i32
      %ne3A = arith.constant 0 : i32
      %ne3A_238 = arith.cmpi ne, %rem3A, %ne3A : i32
      %lt3A = arith.constant 0 : i32
      %lt3A_239 = arith.cmpi slt, %rem3A, %lt3A : i32
      %lt3A_240 = arith.constant 0 : i32
      %lt3A_241 = arith.cmpi slt, %select_n3A, %lt3A_240 : i32
      %ne3A_242 = arith.xori %lt3A_239, %lt3A_241 : i1
      %and3A = arith.andi %ne3A_242, %ne3A_238 : i1
      %add3A_243 = arith.addi %rem3A, %select_n3A : i32
      %select_n3A_244 = arith.select %and3A, %add3A_243, %rem3A : i32
      %jit3A_245 = arith.constant 3 : i32
      %eq3A_246 = arith.constant 0 : i32
      %eq3A_247 = arith.cmpi eq, %jit3A_245, %eq3A_246 : i32
      %jit3A_248 = arith.constant 1 : i32
      %select_n3A_249 = arith.select %eq3A_247, %jit3A_248, %jit3A_245 : i32
      %rem3A_250 = arith.remsi %scan3A_235, %select_n3A_249 : i32
      %ne3A_251 = arith.constant 0 : i32
      %ne3A_252 = arith.cmpi ne, %rem3A_250, %ne3A_251 : i32
      %lt3A_253 = arith.constant 0 : i32
      %lt3A_254 = arith.cmpi slt, %rem3A_250, %lt3A_253 : i32
      %lt3A_255 = arith.constant 0 : i32
      %lt3A_256 = arith.cmpi slt, %select_n3A_249, %lt3A_255 : i32
      %ne3A_257 = arith.xori %lt3A_254, %lt3A_256 : i1
      %and3A_258 = arith.andi %ne3A_257, %ne3A_252 : i1
      %add3A_259 = arith.addi %rem3A_250, %select_n3A_249 : i32
      %select_n3A_260 = arith.select %and3A_258, %add3A_259, %rem3A_250 : i32
      %jit3A_261 = arith.constant 3 : i32
      %eq3A_262 = arith.constant 0 : i32
      %eq3A_263 = arith.cmpi eq, %jit3A_261, %eq3A_262 : i32
      %jit3A_264 = arith.constant 1 : i32
      %select_n3A_265 = arith.select %eq3A_263, %jit3A_264, %jit3A_261 : i32
      %rem3A_266 = arith.remsi %scan3A_235, %select_n3A_265 : i32
      %ne3A_267 = arith.constant 0 : i32
      %ne3A_268 = arith.cmpi ne, %rem3A_266, %ne3A_267 : i32
      %lt3A_269 = arith.constant 0 : i32
      %lt3A_270 = arith.cmpi slt, %rem3A_266, %lt3A_269 : i32
      %lt3A_271 = arith.constant 0 : i32
      %lt3A_272 = arith.cmpi slt, %select_n3A_265, %lt3A_271 : i32
      %ne3A_273 = arith.xori %lt3A_270, %lt3A_272 : i1
      %and3A_274 = arith.andi %ne3A_273, %ne3A_268 : i1
      %add3A_275 = arith.addi %rem3A_266, %select_n3A_265 : i32
      %select_n3A_276 = arith.select %and3A_274, %add3A_275, %rem3A_266 : i32
      %dma_wait3A_277 = arith.constant 0 : i32
      %dma_wait3A_278 = arith.constant 0 : i32
      %dma_wait3A_279 = arith.constant 0 : i32
      %dma_wait3A_280 = tpu.memref_slice %arg6[%select_n3A_260, %dma_wait3A_278, %dma_wait3A_279] : memref<3x128x128xf32, #tpu.memory_space<vmem>> -> memref<1x128x128xf32, #tpu.memory_space<vmem>>
      %dma_wait3A_281 = tpu.memref_squeeze %dma_wait3A_280 : memref<1x128x128xf32, #tpu.memory_space<vmem>> -> memref<128x128xf32, #tpu.memory_space<vmem>>
      %dma_wait3A_282 = arith.constant 0 : i32
      %dma_wait3A_283 = tpu.memref_slice %arg5[%select_n3A_244, %dma_wait3A_277, %dma_wait3A_282] : memref<5x2x128xi32, #tpu.memory_space<vmem>> -> memref<1x1x128xi32, #tpu.memory_space<vmem>>
      %dma_wait3A_284 = tpu.memref_squeeze %dma_wait3A_283 : memref<1x1x128xi32, #tpu.memory_space<vmem>> -> memref<128xi32, #tpu.memory_space<vmem>>
      %dma_wait3A_285 = arith.constant 0 : i32
      %dma_wait3A_286 = arith.constant 0 : i32
      %dma_wait3A_287 = tpu.memref_slice %arg2[%dma_wait3A_285, %dma_wait3A_286] : memref<20032x128xf32, #tpu.memory_space<hbm>> -> memref<20032x128xf32, #tpu.memory_space<hbm>>
      %dma_wait3A_288 = tpu.memref_slice %arg9[%select_n3A_276] : memref<3x!tpu.dma_semaphore, #tpu.memory_space<semaphore_mem>> -> memref<1x!tpu.dma_semaphore, #tpu.memory_space<semaphore_mem>>
      %dma_wait3A_289 = tpu.memref_squeeze %dma_wait3A_288 : memref<1x!tpu.dma_semaphore, #tpu.memory_space<semaphore_mem>> -> memref<!tpu.dma_semaphore, #tpu.memory_space<semaphore_mem>>
      tpu.wait_indirect_dma semaphore(%dma_wait3A_289 : memref<!tpu.dma_semaphore, #tpu.memory_space<semaphore_mem>>) src(%dma_wait3A_287 : memref<20032x128xf32, #tpu.memory_space<hbm>>) dst(%dma_wait3A_281 : memref<128x128xf32, #tpu.memory_space<vmem>>)
      %jit3A_290 = arith.constant 3 : i32
      %eq3A_291 = arith.constant 0 : i32
      %eq3A_292 = arith.cmpi eq, %jit3A_290, %eq3A_291 : i32
      %jit3A_293 = arith.constant 1 : i32
      %select_n3A_294 = arith.select %eq3A_292, %jit3A_293, %jit3A_290 : i32
      %rem3A_295 = arith.remsi %scan3A_235, %select_n3A_294 : i32
      %ne3A_296 = arith.constant 0 : i32
      %ne3A_297 = arith.cmpi ne, %rem3A_295, %ne3A_296 : i32
      %lt3A_298 = arith.constant 0 : i32
      %lt3A_299 = arith.cmpi slt, %rem3A_295, %lt3A_298 : i32
      %lt3A_300 = arith.constant 0 : i32
      %lt3A_301 = arith.cmpi slt, %select_n3A_294, %lt3A_300 : i32
      %ne3A_302 = arith.xori %lt3A_299, %lt3A_301 : i1
      %and3A_303 = arith.andi %ne3A_302, %ne3A_297 : i1
      %add3A_304 = arith.addi %rem3A_295, %select_n3A_294 : i32
      %select_n3A_305 = arith.select %and3A_303, %add3A_304, %rem3A_295 : i32
      %jit3A_306 = arith.constant 5 : i32
      %eq3A_307 = arith.constant 0 : i32
      %eq3A_308 = arith.cmpi eq, %jit3A_306, %eq3A_307 : i32
      %jit3A_309 = arith.constant 1 : i32
      %select_n3A_310 = arith.select %eq3A_308, %jit3A_309, %jit3A_306 : i32
      %rem3A_311 = arith.remsi %scan3A_235, %select_n3A_310 : i32
      %ne3A_312 = arith.constant 0 : i32
      %ne3A_313 = arith.cmpi ne, %rem3A_311, %ne3A_312 : i32
      %lt3A_314 = arith.constant 0 : i32
      %lt3A_315 = arith.cmpi slt, %rem3A_311, %lt3A_314 : i32
      %lt3A_316 = arith.constant 0 : i32
      %lt3A_317 = arith.cmpi slt, %select_n3A_310, %lt3A_316 : i32
      %ne3A_318 = arith.xori %lt3A_315, %lt3A_317 : i1
      %and3A_319 = arith.andi %ne3A_318, %ne3A_313 : i1
      %add3A_320 = arith.addi %rem3A_311, %select_n3A_310 : i32
      %select_n3A_321 = arith.select %and3A_319, %add3A_320, %rem3A_311 : i32
      %jit3A_322 = arith.constant 3 : i32
      %eq3A_323 = arith.constant 0 : i32
      %eq3A_324 = arith.cmpi eq, %jit3A_322, %eq3A_323 : i32
      %jit3A_325 = arith.constant 1 : i32
      %select_n3A_326 = arith.select %eq3A_324, %jit3A_325, %jit3A_322 : i32
      %rem3A_327 = arith.remsi %scan3A_235, %select_n3A_326 : i32
      %ne3A_328 = arith.constant 0 : i32
      %ne3A_329 = arith.cmpi ne, %rem3A_327, %ne3A_328 : i32
      %lt3A_330 = arith.constant 0 : i32
      %lt3A_331 = arith.cmpi slt, %rem3A_327, %lt3A_330 : i32
      %lt3A_332 = arith.constant 0 : i32
      %lt3A_333 = arith.cmpi slt, %select_n3A_326, %lt3A_332 : i32
      %ne3A_334 = arith.xori %lt3A_331, %lt3A_333 : i1
      %and3A_335 = arith.andi %ne3A_334, %ne3A_329 : i1
      %add3A_336 = arith.addi %rem3A_327, %select_n3A_326 : i32
      %select_n3A_337 = arith.select %and3A_335, %add3A_336, %rem3A_327 : i32
      %dma_start3A_338 = arith.constant 1 : i32
      %dma_start3A_339 = arith.constant 0 : i32
      %dma_start3A_340 = arith.constant 0 : i32
      %dma_start3A_341 = tpu.memref_slice %arg6[%select_n3A_305, %dma_start3A_339, %dma_start3A_340] : memref<3x128x128xf32, #tpu.memory_space<vmem>> -> memref<1x128x128xf32, #tpu.memory_space<vmem>>
      %dma_start3A_342 = tpu.memref_squeeze %dma_start3A_341 : memref<1x128x128xf32, #tpu.memory_space<vmem>> -> memref<128x128xf32, #tpu.memory_space<vmem>>
      %dma_start3A_343 = arith.constant 0 : i32
      %dma_start3A_344 = tpu.memref_slice %arg5[%select_n3A_321, %dma_start3A_338, %dma_start3A_343] : memref<5x2x128xi32, #tpu.memory_space<vmem>> -> memref<1x1x128xi32, #tpu.memory_space<vmem>>
      %dma_start3A_345 = tpu.memref_squeeze %dma_start3A_344 : memref<1x1x128xi32, #tpu.memory_space<vmem>> -> memref<128xi32, #tpu.memory_space<vmem>>
      %dma_start3A_346 = arith.constant 0 : i32
      %dma_start3A_347 = arith.constant 0 : i32
      %dma_start3A_348 = tpu.memref_slice %arg7[%dma_start3A_346, %dma_start3A_347] : memref<10016x128xf32, #tpu.memory_space<vmem_shared>> -> memref<10016x128xf32, #tpu.memory_space<vmem_shared>>
      %dma_start3A_349 = tpu.memref_slice %arg10[%select_n3A_337] : memref<3x!tpu.dma_semaphore, #tpu.memory_space<semaphore_mem>> -> memref<1x!tpu.dma_semaphore, #tpu.memory_space<semaphore_mem>>
      %dma_start3A_350 = tpu.memref_squeeze %dma_start3A_349 : memref<1x!tpu.dma_semaphore, #tpu.memory_space<semaphore_mem>> -> memref<!tpu.dma_semaphore, #tpu.memory_space<semaphore_mem>>
      tpu.enqueue_indirect_dma source(%dma_start3A_342 : memref<128x128xf32, #tpu.memory_space<vmem>>) target(%dma_start3A_348 : memref<10016x128xf32, #tpu.memory_space<vmem_shared>>) offsets(%dma_start3A_345 : memref<128xi32, #tpu.memory_space<vmem>>) semaphore(%dma_start3A_350 : memref<!tpu.dma_semaphore, #tpu.memory_space<semaphore_mem>>) {add = true}
      %add3A_351 = arith.constant 2 : i32
      %add3A_352 = arith.addi %scan3A_235, %add3A_351 : i32
      %lt3A_353 = arith.constant 157 : i32
      %lt3A_354 = arith.cmpi slt, %add3A_352, %lt3A_353 : i32
      %convert_element_type3A = arith.extui %lt3A_354 : i1 to i32
      %cond3A = arith.constant 0 : i32
      %cond3A_355 = arith.cmpi ne, %convert_element_type3A, %cond3A : i32
      scf.if %cond3A_355 {
        %add3A_363 = arith.constant 2 : i32
        %add3A_364 = arith.addi %scan3A_235, %add3A_363 : i32
        %jit3A_365 = arith.constant 5 : i32
        %eq3A_366 = arith.constant 0 : i32
        %eq3A_367 = arith.cmpi eq, %jit3A_365, %eq3A_366 : i32
        %jit3A_368 = arith.constant 1 : i32
        %select_n3A_369 = arith.select %eq3A_367, %jit3A_368, %jit3A_365 : i32
        %rem3A_370 = arith.remsi %add3A_364, %select_n3A_369 : i32
        %ne3A_371 = arith.constant 0 : i32
        %ne3A_372 = arith.cmpi ne, %rem3A_370, %ne3A_371 : i32
        %lt3A_373 = arith.constant 0 : i32
        %lt3A_374 = arith.cmpi slt, %rem3A_370, %lt3A_373 : i32
        %lt3A_375 = arith.constant 0 : i32
        %lt3A_376 = arith.cmpi slt, %select_n3A_369, %lt3A_375 : i32
        %ne3A_377 = arith.xori %lt3A_374, %lt3A_376 : i1
        %and3A_378 = arith.andi %ne3A_377, %ne3A_372 : i1
        %add3A_379 = arith.addi %rem3A_370, %select_n3A_369 : i32
        %select_n3A_380 = arith.select %and3A_378, %add3A_379, %rem3A_370 : i32
        %jit3A_381 = arith.constant 5 : i32
        %eq3A_382 = arith.constant 0 : i32
        %eq3A_383 = arith.cmpi eq, %jit3A_381, %eq3A_382 : i32
        %jit3A_384 = arith.constant 1 : i32
        %select_n3A_385 = arith.select %eq3A_383, %jit3A_384, %jit3A_381 : i32
        %rem3A_386 = arith.remsi %add3A_364, %select_n3A_385 : i32
        %ne3A_387 = arith.constant 0 : i32
        %ne3A_388 = arith.cmpi ne, %rem3A_386, %ne3A_387 : i32
        %lt3A_389 = arith.constant 0 : i32
        %lt3A_390 = arith.cmpi slt, %rem3A_386, %lt3A_389 : i32
        %lt3A_391 = arith.constant 0 : i32
        %lt3A_392 = arith.cmpi slt, %select_n3A_385, %lt3A_391 : i32
        %ne3A_393 = arith.xori %lt3A_390, %lt3A_392 : i1
        %and3A_394 = arith.andi %ne3A_393, %ne3A_388 : i1
        %add3A_395 = arith.addi %rem3A_386, %select_n3A_385 : i32
        %select_n3A_396 = arith.select %and3A_394, %add3A_395, %rem3A_386 : i32
        %dma_wait3A_397 = arith.constant 0 : i32
        %dma_wait3A_398 = arith.constant 0 : i32
        %dma_wait3A_399 = tpu.memref_slice %arg5[%select_n3A_380, %dma_wait3A_397, %dma_wait3A_398] : memref<5x2x128xi32, #tpu.memory_space<vmem>> -> memref<1x2x128xi32, #tpu.memory_space<vmem>>
        %dma_wait3A_400 = tpu.memref_squeeze %dma_wait3A_399 : memref<1x2x128xi32, #tpu.memory_space<vmem>> -> memref<2x128xi32, #tpu.memory_space<vmem>>
        %dma_wait3A_401 = arith.constant 0 : i32
        %dma_wait3A_402 = arith.constant 0 : i32
        %dma_wait3A_403 = tpu.memref_slice %arg3[%arg0, %arg1, %add3A_364, %dma_wait3A_401, %dma_wait3A_402] : memref<2x16x157x2x128xi32, #tpu.memory_space<hbm>> -> memref<1x1x1x2x128xi32, #tpu.memory_space<hbm>>
        %dma_wait3A_404 = tpu.memref_squeeze %dma_wait3A_403 : memref<1x1x1x2x128xi32, #tpu.memory_space<hbm>> -> memref<2x128xi32, #tpu.memory_space<hbm>>
        %dma_wait3A_405 = tpu.memref_slice %arg8[%select_n3A_396] : memref<5x!tpu.dma_semaphore, #tpu.memory_space<semaphore_mem>> -> memref<1x!tpu.dma_semaphore, #tpu.memory_space<semaphore_mem>>
        %dma_wait3A_406 = tpu.memref_squeeze %dma_wait3A_405 : memref<1x!tpu.dma_semaphore, #tpu.memory_space<semaphore_mem>> -> memref<!tpu.dma_semaphore, #tpu.memory_space<semaphore_mem>>
        %dma_wait3A_407 = arith.constant 0 : i32
        %dma_wait3A_408 = arith.constant 0 : i32
        %dma_wait3A_409 = tpu.memref_slice %arg5[%select_n3A_380, %dma_wait3A_407, %dma_wait3A_408] : memref<5x2x128xi32, #tpu.memory_space<vmem>> -> memref<1x2x128xi32, #tpu.memory_space<vmem>>
        %dma_wait3A_410 = tpu.memref_squeeze %dma_wait3A_409 : memref<1x2x128xi32, #tpu.memory_space<vmem>> -> memref<2x128xi32, #tpu.memory_space<vmem>>
        %dma_wait3A_411 = arith.constant 0 : i32
        %dma_wait3A_412 = arith.constant 0 : i32
        %dma_wait3A_413 = tpu.memref_slice %arg3[%arg0, %arg1, %add3A_364, %dma_wait3A_411, %dma_wait3A_412] : memref<2x16x157x2x128xi32, #tpu.memory_space<hbm>> -> memref<1x1x1x2x128xi32, #tpu.memory_space<hbm>>
        %dma_wait3A_414 = tpu.memref_squeeze %dma_wait3A_413 : memref<1x1x1x2x128xi32, #tpu.memory_space<hbm>> -> memref<2x128xi32, #tpu.memory_space<hbm>>
        tpu.wait_dma2 semaphore(%dma_wait3A_406 : memref<!tpu.dma_semaphore, #tpu.memory_space<semaphore_mem>>) src(%dma_wait3A_414 : memref<2x128xi32, #tpu.memory_space<hbm>>) dst(%dma_wait3A_410 : memref<2x128xi32, #tpu.memory_space<vmem>>)
        %ge3A = arith.constant 1 : i32
        %ge3A_415 = arith.cmpi sge, %scan3A_235, %ge3A : i32
        %convert_element_type3A_416 = arith.extui %ge3A_415 : i1 to i32
        %cond3A_417 = arith.constant 0 : i32
        %cond3A_418 = arith.cmpi ne, %convert_element_type3A_416, %cond3A_417 : i32
        scf.if %cond3A_418 {
          %sub3A = arith.constant 1 : i32
          %sub3A_482 = arith.subi %scan3A_235, %sub3A : i32
          %jit3A_483 = arith.constant 3 : i32
          %eq3A_484 = arith.constant 0 : i32
          %eq3A_485 = arith.cmpi eq, %jit3A_483, %eq3A_484 : i32
          %jit3A_486 = arith.constant 1 : i32
          %select_n3A_487 = arith.select %eq3A_485, %jit3A_486, %jit3A_483 : i32
          %rem3A_488 = arith.remsi %sub3A_482, %select_n3A_487 : i32
          %ne3A_489 = arith.constant 0 : i32
          %ne3A_490 = arith.cmpi ne, %rem3A_488, %ne3A_489 : i32
          %lt3A_491 = arith.constant 0 : i32
          %lt3A_492 = arith.cmpi slt, %rem3A_488, %lt3A_491 : i32
          %lt3A_493 = arith.constant 0 : i32
          %lt3A_494 = arith.cmpi slt, %select_n3A_487, %lt3A_493 : i32
          %ne3A_495 = arith.xori %lt3A_492, %lt3A_494 : i1
          %and3A_496 = arith.andi %ne3A_495, %ne3A_490 : i1
          %add3A_497 = arith.addi %rem3A_488, %select_n3A_487 : i32
          %select_n3A_498 = arith.select %and3A_496, %add3A_497, %rem3A_488 : i32
          %jit3A_499 = arith.constant 5 : i32
          %eq3A_500 = arith.constant 0 : i32
          %eq3A_501 = arith.cmpi eq, %jit3A_499, %eq3A_500 : i32
          %jit3A_502 = arith.constant 1 : i32
          %select_n3A_503 = arith.select %eq3A_501, %jit3A_502, %jit3A_499 : i32
          %rem3A_504 = arith.remsi %sub3A_482, %select_n3A_503 : i32
          %ne3A_505 = arith.constant 0 : i32
          %ne3A_506 = arith.cmpi ne, %rem3A_504, %ne3A_505 : i32
          %lt3A_507 = arith.constant 0 : i32
          %lt3A_508 = arith.cmpi slt, %rem3A_504, %lt3A_507 : i32
          %lt3A_509 = arith.constant 0 : i32
          %lt3A_510 = arith.cmpi slt, %select_n3A_503, %lt3A_509 : i32
          %ne3A_511 = arith.xori %lt3A_508, %lt3A_510 : i1
          %and3A_512 = arith.andi %ne3A_511, %ne3A_506 : i1
          %add3A_513 = arith.addi %rem3A_504, %select_n3A_503 : i32
          %select_n3A_514 = arith.select %and3A_512, %add3A_513, %rem3A_504 : i32
          %jit3A_515 = arith.constant 3 : i32
          %eq3A_516 = arith.constant 0 : i32
          %eq3A_517 = arith.cmpi eq, %jit3A_515, %eq3A_516 : i32
          %jit3A_518 = arith.constant 1 : i32
          %select_n3A_519 = arith.select %eq3A_517, %jit3A_518, %jit3A_515 : i32
          %rem3A_520 = arith.remsi %sub3A_482, %select_n3A_519 : i32
          %ne3A_521 = arith.constant 0 : i32
          %ne3A_522 = arith.cmpi ne, %rem3A_520, %ne3A_521 : i32
          %lt3A_523 = arith.constant 0 : i32
          %lt3A_524 = arith.cmpi slt, %rem3A_520, %lt3A_523 : i32
          %lt3A_525 = arith.constant 0 : i32
          %lt3A_526 = arith.cmpi slt, %select_n3A_519, %lt3A_525 : i32
          %ne3A_527 = arith.xori %lt3A_524, %lt3A_526 : i1
          %and3A_528 = arith.andi %ne3A_527, %ne3A_522 : i1
          %add3A_529 = arith.addi %rem3A_520, %select_n3A_519 : i32
          %select_n3A_530 = arith.select %and3A_528, %add3A_529, %rem3A_520 : i32
          %dma_wait3A_531 = arith.constant 1 : i32
          %dma_wait3A_532 = arith.constant 0 : i32
          %dma_wait3A_533 = arith.constant 0 : i32
          %dma_wait3A_534 = tpu.memref_slice %arg6[%select_n3A_498, %dma_wait3A_532, %dma_wait3A_533] : memref<3x128x128xf32, #tpu.memory_space<vmem>> -> memref<1x128x128xf32, #tpu.memory_space<vmem>>
          %dma_wait3A_535 = tpu.memref_squeeze %dma_wait3A_534 : memref<1x128x128xf32, #tpu.memory_space<vmem>> -> memref<128x128xf32, #tpu.memory_space<vmem>>
          %dma_wait3A_536 = arith.constant 0 : i32
          %dma_wait3A_537 = tpu.memref_slice %arg5[%select_n3A_514, %dma_wait3A_531, %dma_wait3A_536] : memref<5x2x128xi32, #tpu.memory_space<vmem>> -> memref<1x1x128xi32, #tpu.memory_space<vmem>>
          %dma_wait3A_538 = tpu.memref_squeeze %dma_wait3A_537 : memref<1x1x128xi32, #tpu.memory_space<vmem>> -> memref<128xi32, #tpu.memory_space<vmem>>
          %dma_wait3A_539 = arith.constant 0 : i32
          %dma_wait3A_540 = arith.constant 0 : i32
          %dma_wait3A_541 = tpu.memref_slice %arg7[%dma_wait3A_539, %dma_wait3A_540] : memref<10016x128xf32, #tpu.memory_space<vmem_shared>> -> memref<10016x128xf32, #tpu.memory_space<vmem_shared>>
          %dma_wait3A_542 = tpu.memref_slice %arg10[%select_n3A_530] : memref<3x!tpu.dma_semaphore, #tpu.memory_space<semaphore_mem>> -> memref<1x!tpu.dma_semaphore, #tpu.memory_space<semaphore_mem>>
          %dma_wait3A_543 = tpu.memref_squeeze %dma_wait3A_542 : memref<1x!tpu.dma_semaphore, #tpu.memory_space<semaphore_mem>> -> memref<!tpu.dma_semaphore, #tpu.memory_space<semaphore_mem>>
          tpu.wait_indirect_dma semaphore(%dma_wait3A_543 : memref<!tpu.dma_semaphore, #tpu.memory_space<semaphore_mem>>) src(%dma_wait3A_535 : memref<128x128xf32, #tpu.memory_space<vmem>>) dst(%dma_wait3A_541 : memref<10016x128xf32, #tpu.memory_space<vmem_shared>>)
        } else {
        }
        %add3A_419 = arith.constant 2 : i32
        %add3A_420 = arith.addi %scan3A_235, %add3A_419 : i32
        %jit3A_421 = arith.constant 5 : i32
        %eq3A_422 = arith.constant 0 : i32
        %eq3A_423 = arith.cmpi eq, %jit3A_421, %eq3A_422 : i32
        %jit3A_424 = arith.constant 1 : i32
        %select_n3A_425 = arith.select %eq3A_423, %jit3A_424, %jit3A_421 : i32
        %rem3A_426 = arith.remsi %add3A_420, %select_n3A_425 : i32
        %ne3A_427 = arith.constant 0 : i32
        %ne3A_428 = arith.cmpi ne, %rem3A_426, %ne3A_427 : i32
        %lt3A_429 = arith.constant 0 : i32
        %lt3A_430 = arith.cmpi slt, %rem3A_426, %lt3A_429 : i32
        %lt3A_431 = arith.constant 0 : i32
        %lt3A_432 = arith.cmpi slt, %select_n3A_425, %lt3A_431 : i32
        %ne3A_433 = arith.xori %lt3A_430, %lt3A_432 : i1
        %and3A_434 = arith.andi %ne3A_433, %ne3A_428 : i1
        %add3A_435 = arith.addi %rem3A_426, %select_n3A_425 : i32
        %select_n3A_436 = arith.select %and3A_434, %add3A_435, %rem3A_426 : i32
        %jit3A_437 = arith.constant 3 : i32
        %eq3A_438 = arith.constant 0 : i32
        %eq3A_439 = arith.cmpi eq, %jit3A_437, %eq3A_438 : i32
        %jit3A_440 = arith.constant 1 : i32
        %select_n3A_441 = arith.select %eq3A_439, %jit3A_440, %jit3A_437 : i32
        %rem3A_442 = arith.remsi %add3A_420, %select_n3A_441 : i32
        %ne3A_443 = arith.constant 0 : i32
        %ne3A_444 = arith.cmpi ne, %rem3A_442, %ne3A_443 : i32
        %lt3A_445 = arith.constant 0 : i32
        %lt3A_446 = arith.cmpi slt, %rem3A_442, %lt3A_445 : i32
        %lt3A_447 = arith.constant 0 : i32
        %lt3A_448 = arith.cmpi slt, %select_n3A_441, %lt3A_447 : i32
        %ne3A_449 = arith.xori %lt3A_446, %lt3A_448 : i1
        %and3A_450 = arith.andi %ne3A_449, %ne3A_444 : i1
        %add3A_451 = arith.addi %rem3A_442, %select_n3A_441 : i32
        %select_n3A_452 = arith.select %and3A_450, %add3A_451, %rem3A_442 : i32
        %jit3A_453 = arith.constant 3 : i32
        %eq3A_454 = arith.constant 0 : i32
        %eq3A_455 = arith.cmpi eq, %jit3A_453, %eq3A_454 : i32
        %jit3A_456 = arith.constant 1 : i32
        %select_n3A_457 = arith.select %eq3A_455, %jit3A_456, %jit3A_453 : i32
        %rem3A_458 = arith.remsi %add3A_420, %select_n3A_457 : i32
        %ne3A_459 = arith.constant 0 : i32
        %ne3A_460 = arith.cmpi ne, %rem3A_458, %ne3A_459 : i32
        %lt3A_461 = arith.constant 0 : i32
        %lt3A_462 = arith.cmpi slt, %rem3A_458, %lt3A_461 : i32
        %lt3A_463 = arith.constant 0 : i32
        %lt3A_464 = arith.cmpi slt, %select_n3A_457, %lt3A_463 : i32
        %ne3A_465 = arith.xori %lt3A_462, %lt3A_464 : i1
        %and3A_466 = arith.andi %ne3A_465, %ne3A_460 : i1
        %add3A_467 = arith.addi %rem3A_458, %select_n3A_457 : i32
        %select_n3A_468 = arith.select %and3A_466, %add3A_467, %rem3A_458 : i32
        %dma_start3A_469 = arith.constant 0 : i32
        %dma_start3A_470 = arith.constant 0 : i32
        %dma_start3A_471 = arith.constant 0 : i32
        %dma_start3A_472 = tpu.memref_slice %arg6[%select_n3A_452, %dma_start3A_470, %dma_start3A_471] : memref<3x128x128xf32, #tpu.memory_space<vmem>> -> memref<1x128x128xf32, #tpu.memory_space<vmem>>
        %dma_start3A_473 = tpu.memref_squeeze %dma_start3A_472 : memref<1x128x128xf32, #tpu.memory_space<vmem>> -> memref<128x128xf32, #tpu.memory_space<vmem>>
        %dma_start3A_474 = arith.constant 0 : i32
        %dma_start3A_475 = tpu.memref_slice %arg5[%select_n3A_436, %dma_start3A_469, %dma_start3A_474] : memref<5x2x128xi32, #tpu.memory_space<vmem>> -> memref<1x1x128xi32, #tpu.memory_space<vmem>>
        %dma_start3A_476 = tpu.memref_squeeze %dma_start3A_475 : memref<1x1x128xi32, #tpu.memory_space<vmem>> -> memref<128xi32, #tpu.memory_space<vmem>>
        %dma_start3A_477 = arith.constant 0 : i32
        %dma_start3A_478 = arith.constant 0 : i32
        %dma_start3A_479 = tpu.memref_slice %arg2[%dma_start3A_477, %dma_start3A_478] : memref<20032x128xf32, #tpu.memory_space<hbm>> -> memref<20032x128xf32, #tpu.memory_space<hbm>>
        %dma_start3A_480 = tpu.memref_slice %arg9[%select_n3A_468] : memref<3x!tpu.dma_semaphore, #tpu.memory_space<semaphore_mem>> -> memref<1x!tpu.dma_semaphore, #tpu.memory_space<semaphore_mem>>
        %dma_start3A_481 = tpu.memref_squeeze %dma_start3A_480 : memref<1x!tpu.dma_semaphore, #tpu.memory_space<semaphore_mem>> -> memref<!tpu.dma_semaphore, #tpu.memory_space<semaphore_mem>>
        tpu.enqueue_indirect_dma source(%dma_start3A_479 : memref<20032x128xf32, #tpu.memory_space<hbm>>) target(%dma_start3A_473 : memref<128x128xf32, #tpu.memory_space<vmem>>) offsets(%dma_start3A_476 : memref<128xi32, #tpu.memory_space<vmem>>) semaphore(%dma_start3A_481 : memref<!tpu.dma_semaphore, #tpu.memory_space<semaphore_mem>>)
      } else {
      }
      %add3A_356 = arith.constant 4 : i32
      %add3A_357 = arith.addi %scan3A_235, %add3A_356 : i32
      %lt3A_358 = arith.constant 157 : i32
      %lt3A_359 = arith.cmpi slt, %add3A_357, %lt3A_358 : i32
      %convert_element_type3A_360 = arith.extui %lt3A_359 : i1 to i32
      %cond3A_361 = arith.constant 0 : i32
      %cond3A_362 = arith.cmpi ne, %convert_element_type3A_360, %cond3A_361 : i32
      scf.if %cond3A_362 {
        %add3A_363 = arith.constant 4 : i32
        %add3A_364 = arith.addi %scan3A_235, %add3A_363 : i32
        %jit3A_365 = arith.constant 5 : i32
        %eq3A_366 = arith.constant 0 : i32
        %eq3A_367 = arith.cmpi eq, %jit3A_365, %eq3A_366 : i32
        %jit3A_368 = arith.constant 1 : i32
        %select_n3A_369 = arith.select %eq3A_367, %jit3A_368, %jit3A_365 : i32
        %rem3A_370 = arith.remsi %add3A_364, %select_n3A_369 : i32
        %ne3A_371 = arith.constant 0 : i32
        %ne3A_372 = arith.cmpi ne, %rem3A_370, %ne3A_371 : i32
        %lt3A_373 = arith.constant 0 : i32
        %lt3A_374 = arith.cmpi slt, %rem3A_370, %lt3A_373 : i32
        %lt3A_375 = arith.constant 0 : i32
        %lt3A_376 = arith.cmpi slt, %select_n3A_369, %lt3A_375 : i32
        %ne3A_377 = arith.xori %lt3A_374, %lt3A_376 : i1
        %and3A_378 = arith.andi %ne3A_377, %ne3A_372 : i1
        %add3A_379 = arith.addi %rem3A_370, %select_n3A_369 : i32
        %select_n3A_380 = arith.select %and3A_378, %add3A_379, %rem3A_370 : i32
        %jit3A_381 = arith.constant 5 : i32
        %eq3A_382 = arith.constant 0 : i32
        %eq3A_383 = arith.cmpi eq, %jit3A_381, %eq3A_382 : i32
        %jit3A_384 = arith.constant 1 : i32
        %select_n3A_385 = arith.select %eq3A_383, %jit3A_384, %jit3A_381 : i32
        %rem3A_386 = arith.remsi %add3A_364, %select_n3A_385 : i32
        %ne3A_387 = arith.constant 0 : i32
        %ne3A_388 = arith.cmpi ne, %rem3A_386, %ne3A_387 : i32
        %lt3A_389 = arith.constant 0 : i32
        %lt3A_390 = arith.cmpi slt, %rem3A_386, %lt3A_389 : i32
        %lt3A_391 = arith.constant 0 : i32
        %lt3A_392 = arith.cmpi slt, %select_n3A_385, %lt3A_391 : i32
        %ne3A_393 = arith.xori %lt3A_390, %lt3A_392 : i1
        %and3A_394 = arith.andi %ne3A_393, %ne3A_388 : i1
        %add3A_395 = arith.addi %rem3A_386, %select_n3A_385 : i32
        %select_n3A_396 = arith.select %and3A_394, %add3A_395, %rem3A_386 : i32
        %dma_start3A_397 = arith.constant 0 : i32
        %dma_start3A_398 = arith.constant 0 : i32
        %dma_start3A_399 = tpu.memref_slice %arg5[%select_n3A_380, %dma_start3A_397, %dma_start3A_398] : memref<5x2x128xi32, #tpu.memory_space<vmem>> -> memref<1x2x128xi32, #tpu.memory_space<vmem>>
        %dma_start3A_400 = tpu.memref_squeeze %dma_start3A_399 : memref<1x2x128xi32, #tpu.memory_space<vmem>> -> memref<2x128xi32, #tpu.memory_space<vmem>>
        %dma_start3A_401 = arith.constant 0 : i32
        %dma_start3A_402 = arith.constant 0 : i32
        %dma_start3A_403 = tpu.memref_slice %arg3[%arg0, %arg1, %add3A_364, %dma_start3A_401, %dma_start3A_402] : memref<2x16x157x2x128xi32, #tpu.memory_space<hbm>> -> memref<1x1x1x2x128xi32, #tpu.memory_space<hbm>>
        %dma_start3A_404 = tpu.memref_squeeze %dma_start3A_403 : memref<1x1x1x2x128xi32, #tpu.memory_space<hbm>> -> memref<2x128xi32, #tpu.memory_space<hbm>>
        %dma_start3A_405 = tpu.memref_slice %arg8[%select_n3A_396] : memref<5x!tpu.dma_semaphore, #tpu.memory_space<semaphore_mem>> -> memref<1x!tpu.dma_semaphore, #tpu.memory_space<semaphore_mem>>
        %dma_start3A_406 = tpu.memref_squeeze %dma_start3A_405 : memref<1x!tpu.dma_semaphore, #tpu.memory_space<semaphore_mem>> -> memref<!tpu.dma_semaphore, #tpu.memory_space<semaphore_mem>>
        %dma_start3A_407 = arith.constant 0 : i32
        %dma_start3A_408 = arith.constant 0 : i32
        %dma_start3A_409 = tpu.memref_slice %arg5[%select_n3A_380, %dma_start3A_407, %dma_start3A_408] : memref<5x2x128xi32, #tpu.memory_space<vmem>> -> memref<1x2x128xi32, #tpu.memory_space<vmem>>
        %dma_start3A_410 = tpu.memref_squeeze %dma_start3A_409 : memref<1x2x128xi32, #tpu.memory_space<vmem>> -> memref<2x128xi32, #tpu.memory_space<vmem>>
        %dma_start3A_411 = arith.constant 0 : i32
        %dma_start3A_412 = arith.constant 0 : i32
        %dma_start3A_413 = tpu.memref_slice %arg3[%arg0, %arg1, %add3A_364, %dma_start3A_411, %dma_start3A_412] : memref<2x16x157x2x128xi32, #tpu.memory_space<hbm>> -> memref<1x1x1x2x128xi32, #tpu.memory_space<hbm>>
        %dma_start3A_414 = tpu.memref_squeeze %dma_start3A_413 : memref<1x1x1x2x128xi32, #tpu.memory_space<hbm>> -> memref<2x128xi32, #tpu.memory_space<hbm>>
        tpu.enqueue_dma source(%dma_start3A_414 : memref<2x128xi32, #tpu.memory_space<hbm>>) target(%dma_start3A_410 : memref<2x128xi32, #tpu.memory_space<vmem>>) target_semaphore(%dma_start3A_406 : memref<!tpu.dma_semaphore, #tpu.memory_space<semaphore_mem>>)
      } else {
      }
    }
    %scan3A_181 = arith.constant 157 : i32
    %dma_wait3A_182 = arith.constant 1 : i32
    %dma_wait3A_183 = arith.constant 4 : i32
    %dma_wait3A_184 = arith.constant 1 : i32
    %dma_wait3A_185 = arith.constant 1 : i32
    %dma_wait3A_186 = arith.constant 0 : i32
    %dma_wait3A_187 = arith.constant 0 : i32
    %dma_wait3A_188 = tpu.memref_slice %arg6[%dma_wait3A_182, %dma_wait3A_186, %dma_wait3A_187] : memref<3x128x128xf32, #tpu.memory_space<vmem>> -> memref<1x128x128xf32, #tpu.memory_space<vmem>>
    %dma_wait3A_189 = tpu.memref_squeeze %dma_wait3A_188 : memref<1x128x128xf32, #tpu.memory_space<vmem>> -> memref<128x128xf32, #tpu.memory_space<vmem>>
    %dma_wait3A_190 = arith.constant 0 : i32
    %dma_wait3A_191 = tpu.memref_slice %arg5[%dma_wait3A_183, %dma_wait3A_184, %dma_wait3A_190] : memref<5x2x128xi32, #tpu.memory_space<vmem>> -> memref<1x1x128xi32, #tpu.memory_space<vmem>>
    %dma_wait3A_192 = tpu.memref_squeeze %dma_wait3A_191 : memref<1x1x128xi32, #tpu.memory_space<vmem>> -> memref<128xi32, #tpu.memory_space<vmem>>
    %dma_wait3A_193 = arith.constant 0 : i32
    %dma_wait3A_194 = arith.constant 0 : i32
    %dma_wait3A_195 = tpu.memref_slice %arg7[%dma_wait3A_193, %dma_wait3A_194] : memref<10016x128xf32, #tpu.memory_space<vmem_shared>> -> memref<10016x128xf32, #tpu.memory_space<vmem_shared>>
    %dma_wait3A_196 = tpu.memref_slice %arg10[%dma_wait3A_185] : memref<3x!tpu.dma_semaphore, #tpu.memory_space<semaphore_mem>> -> memref<1x!tpu.dma_semaphore, #tpu.memory_space<semaphore_mem>>
    %dma_wait3A_197 = tpu.memref_squeeze %dma_wait3A_196 : memref<1x!tpu.dma_semaphore, #tpu.memory_space<semaphore_mem>> -> memref<!tpu.dma_semaphore, #tpu.memory_space<semaphore_mem>>
    tpu.wait_indirect_dma semaphore(%dma_wait3A_197 : memref<!tpu.dma_semaphore, #tpu.memory_space<semaphore_mem>>) src(%dma_wait3A_189 : memref<128x128xf32, #tpu.memory_space<vmem>>) dst(%dma_wait3A_195 : memref<10016x128xf32, #tpu.memory_space<vmem_shared>>)
    %dma_wait3A_198 = arith.constant 2 : i32
    %dma_wait3A_199 = arith.constant 0 : i32
    %dma_wait3A_200 = arith.constant 1 : i32
    %dma_wait3A_201 = arith.constant 2 : i32
    %dma_wait3A_202 = arith.constant 0 : i32
    %dma_wait3A_203 = arith.constant 0 : i32
    %dma_wait3A_204 = tpu.memref_slice %arg6[%dma_wait3A_198, %dma_wait3A_202, %dma_wait3A_203] : memref<3x128x128xf32, #tpu.memory_space<vmem>> -> memref<1x128x128xf32, #tpu.memory_space<vmem>>
    %dma_wait3A_205 = tpu.memref_squeeze %dma_wait3A_204 : memref<1x128x128xf32, #tpu.memory_space<vmem>> -> memref<128x128xf32, #tpu.memory_space<vmem>>
    %dma_wait3A_206 = arith.constant 0 : i32
    %dma_wait3A_207 = tpu.memref_slice %arg5[%dma_wait3A_199, %dma_wait3A_200, %dma_wait3A_206] : memref<5x2x128xi32, #tpu.memory_space<vmem>> -> memref<1x1x128xi32, #tpu.memory_space<vmem>>
    %dma_wait3A_208 = tpu.memref_squeeze %dma_wait3A_207 : memref<1x1x128xi32, #tpu.memory_space<vmem>> -> memref<128xi32, #tpu.memory_space<vmem>>
    %dma_wait3A_209 = arith.constant 0 : i32
    %dma_wait3A_210 = arith.constant 0 : i32
    %dma_wait3A_211 = tpu.memref_slice %arg7[%dma_wait3A_209, %dma_wait3A_210] : memref<10016x128xf32, #tpu.memory_space<vmem_shared>> -> memref<10016x128xf32, #tpu.memory_space<vmem_shared>>
    %dma_wait3A_212 = tpu.memref_slice %arg10[%dma_wait3A_201] : memref<3x!tpu.dma_semaphore, #tpu.memory_space<semaphore_mem>> -> memref<1x!tpu.dma_semaphore, #tpu.memory_space<semaphore_mem>>
    %dma_wait3A_213 = tpu.memref_squeeze %dma_wait3A_212 : memref<1x!tpu.dma_semaphore, #tpu.memory_space<semaphore_mem>> -> memref<!tpu.dma_semaphore, #tpu.memory_space<semaphore_mem>>
    tpu.wait_indirect_dma semaphore(%dma_wait3A_213 : memref<!tpu.dma_semaphore, #tpu.memory_space<semaphore_mem>>) src(%dma_wait3A_205 : memref<128x128xf32, #tpu.memory_space<vmem>>) dst(%dma_wait3A_211 : memref<10016x128xf32, #tpu.memory_space<vmem_shared>>)
    %dma_wait3A_214 = arith.constant 0 : i32
    %dma_wait3A_215 = arith.constant 1 : i32
    %dma_wait3A_216 = arith.constant 1 : i32
    %dma_wait3A_217 = arith.constant 0 : i32
    %dma_wait3A_218 = arith.constant 0 : i32
    %dma_wait3A_219 = arith.constant 0 : i32
    %dma_wait3A_220 = tpu.memref_slice %arg6[%dma_wait3A_214, %dma_wait3A_218, %dma_wait3A_219] : memref<3x128x128xf32, #tpu.memory_space<vmem>> -> memref<1x128x128xf32, #tpu.memory_space<vmem>>
    %dma_wait3A_221 = tpu.memref_squeeze %dma_wait3A_220 : memref<1x128x128xf32, #tpu.memory_space<vmem>> -> memref<128x128xf32, #tpu.memory_space<vmem>>
    %dma_wait3A_222 = arith.constant 0 : i32
    %dma_wait3A_223 = tpu.memref_slice %arg5[%dma_wait3A_215, %dma_wait3A_216, %dma_wait3A_222] : memref<5x2x128xi32, #tpu.memory_space<vmem>> -> memref<1x1x128xi32, #tpu.memory_space<vmem>>
    %dma_wait3A_224 = tpu.memref_squeeze %dma_wait3A_223 : memref<1x1x128xi32, #tpu.memory_space<vmem>> -> memref<128xi32, #tpu.memory_space<vmem>>
    %dma_wait3A_225 = arith.constant 0 : i32
    %dma_wait3A_226 = arith.constant 0 : i32
    %dma_wait3A_227 = tpu.memref_slice %arg7[%dma_wait3A_225, %dma_wait3A_226] : memref<10016x128xf32, #tpu.memory_space<vmem_shared>> -> memref<10016x128xf32, #tpu.memory_space<vmem_shared>>
    %dma_wait3A_228 = tpu.memref_slice %arg10[%dma_wait3A_217] : memref<3x!tpu.dma_semaphore, #tpu.memory_space<semaphore_mem>> -> memref<1x!tpu.dma_semaphore, #tpu.memory_space<semaphore_mem>>
    %dma_wait3A_229 = tpu.memref_squeeze %dma_wait3A_228 : memref<1x!tpu.dma_semaphore, #tpu.memory_space<semaphore_mem>> -> memref<!tpu.dma_semaphore, #tpu.memory_space<semaphore_mem>>
    tpu.wait_indirect_dma semaphore(%dma_wait3A_229 : memref<!tpu.dma_semaphore, #tpu.memory_space<semaphore_mem>>) src(%dma_wait3A_221 : memref<128x128xf32, #tpu.memory_space<vmem>>) dst(%dma_wait3A_227 : memref<10016x128xf32, #tpu.memory_space<vmem_shared>>)
    %barrier3A_230 = arith.constant 0 : index
    tpu.barrier barrier_id(%barrier3A_230)
    %mul3A_231 = arith.constant 626 : i32
    %mul3A_232 = arith.muli %arg1, %mul3A_231 : i32
    %mul3A_233 = arith.constant 626 : i32
    %mul3A_234 = arith.muli %arg1, %mul3A_233 : i32
    "tpu.region"() ({
      %run_scoped3A_235 = tpu.sem_alloc : memref<!tpu.dma_semaphore, #tpu.memory_space<semaphore_mem>>
      %dma_start3A_236 = arith.constant 0 : i32
      %dma_start3A_237 = tpu.memref_slice %arg4[%arg0, %mul3A_234, %dma_start3A_236] : memref<2x10016x128xf32, #tpu.memory_space<hbm>> -> memref<1x626x128xf32, #tpu.memory_space<hbm>>
      %dma_start3A_238 = tpu.memref_squeeze %dma_start3A_237 : memref<1x626x128xf32, #tpu.memory_space<hbm>> -> memref<626x128xf32, #tpu.memory_space<hbm>>
      %dma_start3A_239 = arith.constant 0 : i32
      %dma_start3A_240 = tpu.memref_slice %arg7[%mul3A_232, %dma_start3A_239] : memref<10016x128xf32, #tpu.memory_space<vmem_shared>> -> memref<626x128xf32, #tpu.memory_space<vmem_shared>>
      tpu.enqueue_dma source(%dma_start3A_240 : memref<626x128xf32, #tpu.memory_space<vmem_shared>>) target(%dma_start3A_238 : memref<626x128xf32, #tpu.memory_space<hbm>>) target_semaphore(%run_scoped3A_235 : memref<!tpu.dma_semaphore, #tpu.memory_space<semaphore_mem>>)
      %dma_wait3A_241 = arith.constant 0 : i32
      %dma_wait3A_242 = tpu.memref_slice %arg4[%arg0, %mul3A_234, %dma_wait3A_241] : memref<2x10016x128xf32, #tpu.memory_space<hbm>> -> memref<1x626x128xf32, #tpu.memory_space<hbm>>
      %dma_wait3A_243 = tpu.memref_squeeze %dma_wait3A_242 : memref<1x626x128xf32, #tpu.memory_space<hbm>> -> memref<626x128xf32, #tpu.memory_space<hbm>>
      %dma_wait3A_244 = arith.constant 0 : i32
      %dma_wait3A_245 = tpu.memref_slice %arg7[%mul3A_232, %dma_wait3A_244] : memref<10016x128xf32, #tpu.memory_space<vmem_shared>> -> memref<626x128xf32, #tpu.memory_space<vmem_shared>>
      tpu.wait_dma2 semaphore(%run_scoped3A_235 : memref<!tpu.dma_semaphore, #tpu.memory_space<semaphore_mem>>) src(%dma_wait3A_245 : memref<626x128xf32, #tpu.memory_space<vmem_shared>>) dst(%dma_wait3A_243 : memref<626x128xf32, #tpu.memory_space<hbm>>)
      tpu.yield
    }) : () -> ()
    return
  }
}

#map = affine_map<(d0, d1) -> (0, 0, 0, 0)>
#map1 = affine_map<(d0, d1) -> (0, 0)>
#map2 = affine_map<(d0, d1) -> (0)>
module attributes {stable_mosaic.version = 14 : i64} {
  func.func @_qbuild_call(%arg0: i32, %arg1: i32, %arg2: memref<2x16x2x20096xi32, #tpu.memory_space<hbm>>, %arg3: memref<2x10016xf32, #tpu.memory_space<hbm>>, %arg4: memref<10016xi32, #tpu.memory_space<hbm>>, %arg5: memref<2x655360xf32, #tpu.memory_space<hbm>>, %arg6: memref<20096xi32, #tpu.memory_space<vmem>>, %arg7: memref<20096xi32, #tpu.memory_space<vmem>>, %arg8: memref<10016xf32, #tpu.memory_space<vmem>>, %arg9: memref<10016xi32, #tpu.memory_space<vmem>>, %arg10: memref<2x128xi32, #tpu.memory_space<vmem>>, %arg11: memref<2x128xf32, #tpu.memory_space<vmem>>, %arg12: memref<8192xf32, #tpu.memory_space<vmem>>, %arg13: memref<655360xf32, #tpu.memory_space<vmem_shared>>, %arg14: memref<2x!tpu.dma_semaphore, #tpu.memory_space<semaphore_mem>>) attributes {dimension_semantics = [#tpu.dimension_semantics<core_parallel>, #tpu.dimension_semantics<subcore_parallel>], iteration_bounds = array<i64: 2, 16>, scalar_prefetch = 0 : i64, scratch_operands = 9 : i64, tpu.core_type = #tpu.core_type<sc_vector_subcore>, window_params = [{transform_indices = #map}, {transform_indices = #map1}, {transform_indices = #map2}, {transform_indices = #map1}]} {
    %run_scoped3A = arith.constant 0 : i32
    "tpu.region"() ({
      %run_scoped3A_61 = tpu.sem_alloc : memref<!tpu.dma_semaphore, #tpu.memory_space<semaphore_mem>>
      %dma_start3A = arith.constant 0 : i32
      %dma_start3A_62 = tpu.memref_slice %arg2[%arg0, %arg1, %run_scoped3A, %dma_start3A] : memref<2x16x2x20096xi32, #tpu.memory_space<hbm>> -> memref<1x1x1x20096xi32, #tpu.memory_space<hbm>>
      %dma_start3A_63 = tpu.memref_squeeze %dma_start3A_62 : memref<1x1x1x20096xi32, #tpu.memory_space<hbm>> -> memref<20096xi32, #tpu.memory_space<hbm>>
      %dma_start3A_64 = arith.constant 0 : i32
      %dma_start3A_65 = tpu.memref_slice %arg2[%arg0, %arg1, %run_scoped3A, %dma_start3A_64] : memref<2x16x2x20096xi32, #tpu.memory_space<hbm>> -> memref<1x1x1x20096xi32, #tpu.memory_space<hbm>>
      %dma_start3A_66 = tpu.memref_squeeze %dma_start3A_65 : memref<1x1x1x20096xi32, #tpu.memory_space<hbm>> -> memref<20096xi32, #tpu.memory_space<hbm>>
      tpu.enqueue_dma source(%dma_start3A_66 : memref<20096xi32, #tpu.memory_space<hbm>>) target(%arg6 : memref<20096xi32, #tpu.memory_space<vmem>>) target_semaphore(%run_scoped3A_61 : memref<!tpu.dma_semaphore, #tpu.memory_space<semaphore_mem>>)
      %dma_wait3A_67 = arith.constant 0 : i32
      %dma_wait3A_68 = tpu.memref_slice %arg2[%arg0, %arg1, %run_scoped3A, %dma_wait3A_67] : memref<2x16x2x20096xi32, #tpu.memory_space<hbm>> -> memref<1x1x1x20096xi32, #tpu.memory_space<hbm>>
      %dma_wait3A_69 = tpu.memref_squeeze %dma_wait3A_68 : memref<1x1x1x20096xi32, #tpu.memory_space<hbm>> -> memref<20096xi32, #tpu.memory_space<hbm>>
      %dma_wait3A_70 = arith.constant 0 : i32
      %dma_wait3A_71 = tpu.memref_slice %arg2[%arg0, %arg1, %run_scoped3A, %dma_wait3A_70] : memref<2x16x2x20096xi32, #tpu.memory_space<hbm>> -> memref<1x1x1x20096xi32, #tpu.memory_space<hbm>>
      %dma_wait3A_72 = tpu.memref_squeeze %dma_wait3A_71 : memref<1x1x1x20096xi32, #tpu.memory_space<hbm>> -> memref<20096xi32, #tpu.memory_space<hbm>>
      tpu.wait_dma2 semaphore(%run_scoped3A_61 : memref<!tpu.dma_semaphore, #tpu.memory_space<semaphore_mem>>) src(%dma_wait3A_72 : memref<20096xi32, #tpu.memory_space<hbm>>) dst(%arg6 : memref<20096xi32, #tpu.memory_space<vmem>>)
      tpu.yield
    }) : () -> ()
    %run_scoped3A_0 = arith.constant 1 : i32
    "tpu.region"() ({
      %run_scoped3A_61 = tpu.sem_alloc : memref<!tpu.dma_semaphore, #tpu.memory_space<semaphore_mem>>
      %dma_start3A = arith.constant 0 : i32
      %dma_start3A_62 = tpu.memref_slice %arg2[%arg0, %arg1, %run_scoped3A_0, %dma_start3A] : memref<2x16x2x20096xi32, #tpu.memory_space<hbm>> -> memref<1x1x1x20096xi32, #tpu.memory_space<hbm>>
      %dma_start3A_63 = tpu.memref_squeeze %dma_start3A_62 : memref<1x1x1x20096xi32, #tpu.memory_space<hbm>> -> memref<20096xi32, #tpu.memory_space<hbm>>
      %dma_start3A_64 = arith.constant 0 : i32
      %dma_start3A_65 = tpu.memref_slice %arg2[%arg0, %arg1, %run_scoped3A_0, %dma_start3A_64] : memref<2x16x2x20096xi32, #tpu.memory_space<hbm>> -> memref<1x1x1x20096xi32, #tpu.memory_space<hbm>>
      %dma_start3A_66 = tpu.memref_squeeze %dma_start3A_65 : memref<1x1x1x20096xi32, #tpu.memory_space<hbm>> -> memref<20096xi32, #tpu.memory_space<hbm>>
      tpu.enqueue_dma source(%dma_start3A_66 : memref<20096xi32, #tpu.memory_space<hbm>>) target(%arg7 : memref<20096xi32, #tpu.memory_space<vmem>>) target_semaphore(%run_scoped3A_61 : memref<!tpu.dma_semaphore, #tpu.memory_space<semaphore_mem>>)
      %dma_wait3A_67 = arith.constant 0 : i32
      %dma_wait3A_68 = tpu.memref_slice %arg2[%arg0, %arg1, %run_scoped3A_0, %dma_wait3A_67] : memref<2x16x2x20096xi32, #tpu.memory_space<hbm>> -> memref<1x1x1x20096xi32, #tpu.memory_space<hbm>>
      %dma_wait3A_69 = tpu.memref_squeeze %dma_wait3A_68 : memref<1x1x1x20096xi32, #tpu.memory_space<hbm>> -> memref<20096xi32, #tpu.memory_space<hbm>>
      %dma_wait3A_70 = arith.constant 0 : i32
      %dma_wait3A_71 = tpu.memref_slice %arg2[%arg0, %arg1, %run_scoped3A_0, %dma_wait3A_70] : memref<2x16x2x20096xi32, #tpu.memory_space<hbm>> -> memref<1x1x1x20096xi32, #tpu.memory_space<hbm>>
      %dma_wait3A_72 = tpu.memref_squeeze %dma_wait3A_71 : memref<1x1x1x20096xi32, #tpu.memory_space<hbm>> -> memref<20096xi32, #tpu.memory_space<hbm>>
      tpu.wait_dma2 semaphore(%run_scoped3A_61 : memref<!tpu.dma_semaphore, #tpu.memory_space<semaphore_mem>>) src(%dma_wait3A_72 : memref<20096xi32, #tpu.memory_space<hbm>>) dst(%arg7 : memref<20096xi32, #tpu.memory_space<vmem>>)
      tpu.yield
    }) : () -> ()
    "tpu.region"() ({
      %run_scoped3A_61 = tpu.sem_alloc : memref<!tpu.dma_semaphore, #tpu.memory_space<semaphore_mem>>
      %dma_start3A = arith.constant 0 : i32
      %dma_start3A_62 = tpu.memref_slice %arg3[%arg0, %dma_start3A] : memref<2x10016xf32, #tpu.memory_space<hbm>> -> memref<1x10016xf32, #tpu.memory_space<hbm>>
      %dma_start3A_63 = tpu.memref_squeeze %dma_start3A_62 : memref<1x10016xf32, #tpu.memory_space<hbm>> -> memref<10016xf32, #tpu.memory_space<hbm>>
      %dma_start3A_64 = arith.constant 0 : i32
      %dma_start3A_65 = tpu.memref_slice %arg3[%arg0, %dma_start3A_64] : memref<2x10016xf32, #tpu.memory_space<hbm>> -> memref<1x10016xf32, #tpu.memory_space<hbm>>
      %dma_start3A_66 = tpu.memref_squeeze %dma_start3A_65 : memref<1x10016xf32, #tpu.memory_space<hbm>> -> memref<10016xf32, #tpu.memory_space<hbm>>
      tpu.enqueue_dma source(%dma_start3A_66 : memref<10016xf32, #tpu.memory_space<hbm>>) target(%arg8 : memref<10016xf32, #tpu.memory_space<vmem>>) target_semaphore(%run_scoped3A_61 : memref<!tpu.dma_semaphore, #tpu.memory_space<semaphore_mem>>)
      %dma_wait3A_67 = arith.constant 0 : i32
      %dma_wait3A_68 = tpu.memref_slice %arg3[%arg0, %dma_wait3A_67] : memref<2x10016xf32, #tpu.memory_space<hbm>> -> memref<1x10016xf32, #tpu.memory_space<hbm>>
      %dma_wait3A_69 = tpu.memref_squeeze %dma_wait3A_68 : memref<1x10016xf32, #tpu.memory_space<hbm>> -> memref<10016xf32, #tpu.memory_space<hbm>>
      %dma_wait3A_70 = arith.constant 0 : i32
      %dma_wait3A_71 = tpu.memref_slice %arg3[%arg0, %dma_wait3A_70] : memref<2x10016xf32, #tpu.memory_space<hbm>> -> memref<1x10016xf32, #tpu.memory_space<hbm>>
      %dma_wait3A_72 = tpu.memref_squeeze %dma_wait3A_71 : memref<1x10016xf32, #tpu.memory_space<hbm>> -> memref<10016xf32, #tpu.memory_space<hbm>>
      tpu.wait_dma2 semaphore(%run_scoped3A_61 : memref<!tpu.dma_semaphore, #tpu.memory_space<semaphore_mem>>) src(%dma_wait3A_72 : memref<10016xf32, #tpu.memory_space<hbm>>) dst(%arg8 : memref<10016xf32, #tpu.memory_space<vmem>>)
      tpu.yield
    }) : () -> ()
    "tpu.region"() ({
      %run_scoped3A_61 = tpu.sem_alloc : memref<!tpu.dma_semaphore, #tpu.memory_space<semaphore_mem>>
      tpu.enqueue_dma source(%arg4 : memref<10016xi32, #tpu.memory_space<hbm>>) target(%arg9 : memref<10016xi32, #tpu.memory_space<vmem>>) target_semaphore(%run_scoped3A_61 : memref<!tpu.dma_semaphore, #tpu.memory_space<semaphore_mem>>)
      tpu.wait_dma2 semaphore(%run_scoped3A_61 : memref<!tpu.dma_semaphore, #tpu.memory_space<semaphore_mem>>) src(%arg4 : memref<10016xi32, #tpu.memory_space<hbm>>) dst(%arg9 : memref<10016xi32, #tpu.memory_space<vmem>>)
      tpu.yield
    }) : () -> ()
    %broadcast_in_dim3A = arith.constant 0.000000e+00 : f32
    %broadcast_in_dim3A_1 = vector.broadcast %broadcast_in_dim3A : f32 to vector<16xf32>
    %scan3A = arith.constant 0 : i32
    %scan3A_2 = arith.constant 0 : i32
    %scan3A_3 = arith.constant 512 : i32
    %scan3A_4 = arith.addi %scan3A_2, %scan3A_3 : i32
    %scan3A_5 = arith.constant 1 : i32
    scf.for %scan3A_61 = %scan3A_2 to %scan3A_4 step %scan3A_5  : i32 {
      %mul3A_62 = arith.constant 16 : i32
      %mul3A_63 = arith.muli %scan3A_61, %mul3A_62 : i32
      %swap3A = arith.index_cast %mul3A_63 : i32 to index
      %swap3A_64 = tpu.vector_load %arg12[%swap3A] {strides = array<i32>} : memref<8192xf32, #tpu.memory_space<vmem>>, vector<16xf32>,
      tpu.vector_store %arg12[%swap3A], %broadcast_in_dim3A_1 {strides = array<i32>} : memref<8192xf32, #tpu.memory_space<vmem>>, vector<16xf32>,
    }
    %scan3A_6 = arith.constant 512 : i32
    %mul3A = arith.constant 40960 : i32
    %mul3A_7 = arith.muli %arg1, %mul3A : i32
    %add3A = arith.constant 0 : i32
    %add3A_8 = arith.addi %mul3A_7, %add3A : i32
    "tpu.region"() ({
      %run_scoped3A_61 = tpu.sem_alloc : memref<!tpu.dma_semaphore, #tpu.memory_space<semaphore_mem>>
      %dma_start3A = tpu.memref_slice %arg13[%add3A_8] : memref<655360xf32, #tpu.memory_space<vmem_shared>> -> memref<8192xf32, #tpu.memory_space<vmem_shared>>
      %dma_start3A_62 = tpu.memref_slice %arg13[%add3A_8] : memref<655360xf32, #tpu.memory_space<vmem_shared>> -> memref<8192xf32, #tpu.memory_space<vmem_shared>>
      tpu.enqueue_dma source(%arg12 : memref<8192xf32, #tpu.memory_space<vmem>>) target(%dma_start3A_62 : memref<8192xf32, #tpu.memory_space<vmem_shared>>) target_semaphore(%run_scoped3A_61 : memref<!tpu.dma_semaphore, #tpu.memory_space<semaphore_mem>>)
      %dma_wait3A_63 = tpu.memref_slice %arg13[%add3A_8] : memref<655360xf32, #tpu.memory_space<vmem_shared>> -> memref<8192xf32, #tpu.memory_space<vmem_shared>>
      %dma_wait3A_64 = tpu.memref_slice %arg13[%add3A_8] : memref<655360xf32, #tpu.memory_space<vmem_shared>> -> memref<8192xf32, #tpu.memory_space<vmem_shared>>
      tpu.wait_dma2 semaphore(%run_scoped3A_61 : memref<!tpu.dma_semaphore, #tpu.memory_space<semaphore_mem>>) src(%arg12 : memref<8192xf32, #tpu.memory_space<vmem>>) dst(%dma_wait3A_64 : memref<8192xf32, #tpu.memory_space<vmem_shared>>)
      tpu.yield
    }) : () -> ()
    %mul3A_9 = arith.constant 40960 : i32
    %mul3A_10 = arith.muli %arg1, %mul3A_9 : i32
    %add3A_11 = arith.constant 8192 : i32
    %add3A_12 = arith.addi %mul3A_10, %add3A_11 : i32
    "tpu.region"() ({
      %run_scoped3A_61 = tpu.sem_alloc : memref<!tpu.dma_semaphore, #tpu.memory_space<semaphore_mem>>
      %dma_start3A = tpu.memref_slice %arg13[%add3A_12] : memref<655360xf32, #tpu.memory_space<vmem_shared>> -> memref<8192xf32, #tpu.memory_space<vmem_shared>>
      %dma_start3A_62 = tpu.memref_slice %arg13[%add3A_12] : memref<655360xf32, #tpu.memory_space<vmem_shared>> -> memref<8192xf32, #tpu.memory_space<vmem_shared>>
      tpu.enqueue_dma source(%arg12 : memref<8192xf32, #tpu.memory_space<vmem>>) target(%dma_start3A_62 : memref<8192xf32, #tpu.memory_space<vmem_shared>>) target_semaphore(%run_scoped3A_61 : memref<!tpu.dma_semaphore, #tpu.memory_space<semaphore_mem>>)
      %dma_wait3A_63 = tpu.memref_slice %arg13[%add3A_12] : memref<655360xf32, #tpu.memory_space<vmem_shared>> -> memref<8192xf32, #tpu.memory_space<vmem_shared>>
      %dma_wait3A_64 = tpu.memref_slice %arg13[%add3A_12] : memref<655360xf32, #tpu.memory_space<vmem_shared>> -> memref<8192xf32, #tpu.memory_space<vmem_shared>>
      tpu.wait_dma2 semaphore(%run_scoped3A_61 : memref<!tpu.dma_semaphore, #tpu.memory_space<semaphore_mem>>) src(%arg12 : memref<8192xf32, #tpu.memory_space<vmem>>) dst(%dma_wait3A_64 : memref<8192xf32, #tpu.memory_space<vmem_shared>>)
      tpu.yield
    }) : () -> ()
    %mul3A_13 = arith.constant 40960 : i32
    %mul3A_14 = arith.muli %arg1, %mul3A_13 : i32
    %add3A_15 = arith.constant 16384 : i32
    %add3A_16 = arith.addi %mul3A_14, %add3A_15 : i32
    "tpu.region"() ({
      %run_scoped3A_61 = tpu.sem_alloc : memref<!tpu.dma_semaphore, #tpu.memory_space<semaphore_mem>>
      %dma_start3A = tpu.memref_slice %arg13[%add3A_16] : memref<655360xf32, #tpu.memory_space<vmem_shared>> -> memref<8192xf32, #tpu.memory_space<vmem_shared>>
      %dma_start3A_62 = tpu.memref_slice %arg13[%add3A_16] : memref<655360xf32, #tpu.memory_space<vmem_shared>> -> memref<8192xf32, #tpu.memory_space<vmem_shared>>
      tpu.enqueue_dma source(%arg12 : memref<8192xf32, #tpu.memory_space<vmem>>) target(%dma_start3A_62 : memref<8192xf32, #tpu.memory_space<vmem_shared>>) target_semaphore(%run_scoped3A_61 : memref<!tpu.dma_semaphore, #tpu.memory_space<semaphore_mem>>)
      %dma_wait3A_63 = tpu.memref_slice %arg13[%add3A_16] : memref<655360xf32, #tpu.memory_space<vmem_shared>> -> memref<8192xf32, #tpu.memory_space<vmem_shared>>
      %dma_wait3A_64 = tpu.memref_slice %arg13[%add3A_16] : memref<655360xf32, #tpu.memory_space<vmem_shared>> -> memref<8192xf32, #tpu.memory_space<vmem_shared>>
      tpu.wait_dma2 semaphore(%run_scoped3A_61 : memref<!tpu.dma_semaphore, #tpu.memory_space<semaphore_mem>>) src(%arg12 : memref<8192xf32, #tpu.memory_space<vmem>>) dst(%dma_wait3A_64 : memref<8192xf32, #tpu.memory_space<vmem_shared>>)
      tpu.yield
    }) : () -> ()
    %mul3A_17 = arith.constant 40960 : i32
    %mul3A_18 = arith.muli %arg1, %mul3A_17 : i32
    %add3A_19 = arith.constant 24576 : i32
    %add3A_20 = arith.addi %mul3A_18, %add3A_19 : i32
    "tpu.region"() ({
      %run_scoped3A_61 = tpu.sem_alloc : memref<!tpu.dma_semaphore, #tpu.memory_space<semaphore_mem>>
      %dma_start3A = tpu.memref_slice %arg13[%add3A_20] : memref<655360xf32, #tpu.memory_space<vmem_shared>> -> memref<8192xf32, #tpu.memory_space<vmem_shared>>
      %dma_start3A_62 = tpu.memref_slice %arg13[%add3A_20] : memref<655360xf32, #tpu.memory_space<vmem_shared>> -> memref<8192xf32, #tpu.memory_space<vmem_shared>>
      tpu.enqueue_dma source(%arg12 : memref<8192xf32, #tpu.memory_space<vmem>>) target(%dma_start3A_62 : memref<8192xf32, #tpu.memory_space<vmem_shared>>) target_semaphore(%run_scoped3A_61 : memref<!tpu.dma_semaphore, #tpu.memory_space<semaphore_mem>>)
      %dma_wait3A_63 = tpu.memref_slice %arg13[%add3A_20] : memref<655360xf32, #tpu.memory_space<vmem_shared>> -> memref<8192xf32, #tpu.memory_space<vmem_shared>>
      %dma_wait3A_64 = tpu.memref_slice %arg13[%add3A_20] : memref<655360xf32, #tpu.memory_space<vmem_shared>> -> memref<8192xf32, #tpu.memory_space<vmem_shared>>
      tpu.wait_dma2 semaphore(%run_scoped3A_61 : memref<!tpu.dma_semaphore, #tpu.memory_space<semaphore_mem>>) src(%arg12 : memref<8192xf32, #tpu.memory_space<vmem>>) dst(%dma_wait3A_64 : memref<8192xf32, #tpu.memory_space<vmem_shared>>)
      tpu.yield
    }) : () -> ()
    %mul3A_21 = arith.constant 40960 : i32
    %mul3A_22 = arith.muli %arg1, %mul3A_21 : i32
    %add3A_23 = arith.constant 32768 : i32
    %add3A_24 = arith.addi %mul3A_22, %add3A_23 : i32
    "tpu.region"() ({
      %run_scoped3A_61 = tpu.sem_alloc : memref<!tpu.dma_semaphore, #tpu.memory_space<semaphore_mem>>
      %dma_start3A = tpu.memref_slice %arg13[%add3A_24] : memref<655360xf32, #tpu.memory_space<vmem_shared>> -> memref<8192xf32, #tpu.memory_space<vmem_shared>>
      %dma_start3A_62 = tpu.memref_slice %arg13[%add3A_24] : memref<655360xf32, #tpu.memory_space<vmem_shared>> -> memref<8192xf32, #tpu.memory_space<vmem_shared>>
      tpu.enqueue_dma source(%arg12 : memref<8192xf32, #tpu.memory_space<vmem>>) target(%dma_start3A_62 : memref<8192xf32, #tpu.memory_space<vmem_shared>>) target_semaphore(%run_scoped3A_61 : memref<!tpu.dma_semaphore, #tpu.memory_space<semaphore_mem>>)
      %dma_wait3A_63 = tpu.memref_slice %arg13[%add3A_24] : memref<655360xf32, #tpu.memory_space<vmem_shared>> -> memref<8192xf32, #tpu.memory_space<vmem_shared>>
      %dma_wait3A_64 = tpu.memref_slice %arg13[%add3A_24] : memref<655360xf32, #tpu.memory_space<vmem_shared>> -> memref<8192xf32, #tpu.memory_space<vmem_shared>>
      tpu.wait_dma2 semaphore(%run_scoped3A_61 : memref<!tpu.dma_semaphore, #tpu.memory_space<semaphore_mem>>) src(%arg12 : memref<8192xf32, #tpu.memory_space<vmem>>) dst(%dma_wait3A_64 : memref<8192xf32, #tpu.memory_space<vmem_shared>>)
      tpu.yield
    }) : () -> ()
    %barrier3A = arith.constant 0 : index
    tpu.barrier barrier_id(%barrier3A)
    %scan3A_25 = arith.constant 0 : i32
    %scan3A_26 = arith.constant 0 : i32
    %scan3A_27 = arith.constant 157 : i32
    %scan3A_28 = arith.addi %scan3A_26, %scan3A_27 : i32
    %scan3A_29 = arith.constant 1 : i32
    scf.for %scan3A_61 = %scan3A_26 to %scan3A_28 step %scan3A_29  : i32 {
      %jit3A = arith.constant 2 : i32
      %eq3A = arith.constant 0 : i32
      %eq3A_62 = arith.cmpi eq, %jit3A, %eq3A : i32
      %jit3A_63 = arith.constant 1 : i32
      %select_n3A = arith.select %eq3A_62, %jit3A_63, %jit3A : i32
      %rem3A = arith.remsi %scan3A_61, %select_n3A : i32
      %ne3A = arith.constant 0 : i32
      %ne3A_64 = arith.cmpi ne, %rem3A, %ne3A : i32
      %lt3A = arith.constant 0 : i32
      %lt3A_65 = arith.cmpi slt, %rem3A, %lt3A : i32
      %lt3A_66 = arith.constant 0 : i32
      %lt3A_67 = arith.cmpi slt, %select_n3A, %lt3A_66 : i32
      %ne3A_68 = arith.xori %lt3A_65, %lt3A_67 : i1
      %and3A = arith.andi %ne3A_68, %ne3A_64 : i1
      %add3A_69 = arith.addi %rem3A, %select_n3A : i32
      %select_n3A_70 = arith.select %and3A, %add3A_69, %rem3A : i32
      %ge3A = arith.constant 2 : i32
      %ge3A_71 = arith.cmpi sge, %scan3A_61, %ge3A : i32
      %convert_element_type3A = arith.extui %ge3A_71 : i1 to i32
      %cond3A = arith.constant 0 : i32
      %cond3A_72 = arith.cmpi ne, %convert_element_type3A, %cond3A : i32
      scf.if %cond3A_72 {
        %sub3A = arith.constant 2 : i32
        %sub3A_136 = arith.subi %scan3A_61, %sub3A : i32
        %jit3A_137 = arith.constant 2 : i32
        %eq3A_138 = arith.constant 0 : i32
        %eq3A_139 = arith.cmpi eq, %jit3A_137, %eq3A_138 : i32
        %jit3A_140 = arith.constant 1 : i32
        %select_n3A_141 = arith.select %eq3A_139, %jit3A_140, %jit3A_137 : i32
        %rem3A_142 = arith.remsi %sub3A_136, %select_n3A_141 : i32
        %ne3A_143 = arith.constant 0 : i32
        %ne3A_144 = arith.cmpi ne, %rem3A_142, %ne3A_143 : i32
        %lt3A_145 = arith.constant 0 : i32
        %lt3A_146 = arith.cmpi slt, %rem3A_142, %lt3A_145 : i32
        %lt3A_147 = arith.constant 0 : i32
        %lt3A_148 = arith.cmpi slt, %select_n3A_141, %lt3A_147 : i32
        %ne3A_149 = arith.xori %lt3A_146, %lt3A_148 : i1
        %and3A_150 = arith.andi %ne3A_149, %ne3A_144 : i1
        %add3A_151 = arith.addi %rem3A_142, %select_n3A_141 : i32
        %select_n3A_152 = arith.select %and3A_150, %add3A_151, %rem3A_142 : i32
        %jit3A_153 = arith.constant 2 : i32
        %eq3A_154 = arith.constant 0 : i32
        %eq3A_155 = arith.cmpi eq, %jit3A_153, %eq3A_154 : i32
        %jit3A_156 = arith.constant 1 : i32
        %select_n3A_157 = arith.select %eq3A_155, %jit3A_156, %jit3A_153 : i32
        %rem3A_158 = arith.remsi %sub3A_136, %select_n3A_157 : i32
        %ne3A_159 = arith.constant 0 : i32
        %ne3A_160 = arith.cmpi ne, %rem3A_158, %ne3A_159 : i32
        %lt3A_161 = arith.constant 0 : i32
        %lt3A_162 = arith.cmpi slt, %rem3A_158, %lt3A_161 : i32
        %lt3A_163 = arith.constant 0 : i32
        %lt3A_164 = arith.cmpi slt, %select_n3A_157, %lt3A_163 : i32
        %ne3A_165 = arith.xori %lt3A_162, %lt3A_164 : i1
        %and3A_166 = arith.andi %ne3A_165, %ne3A_160 : i1
        %add3A_167 = arith.addi %rem3A_158, %select_n3A_157 : i32
        %select_n3A_168 = arith.select %and3A_166, %add3A_167, %rem3A_158 : i32
        %jit3A_169 = arith.constant 2 : i32
        %eq3A_170 = arith.constant 0 : i32
        %eq3A_171 = arith.cmpi eq, %jit3A_169, %eq3A_170 : i32
        %jit3A_172 = arith.constant 1 : i32
        %select_n3A_173 = arith.select %eq3A_171, %jit3A_172, %jit3A_169 : i32
        %rem3A_174 = arith.remsi %sub3A_136, %select_n3A_173 : i32
        %ne3A_175 = arith.constant 0 : i32
        %ne3A_176 = arith.cmpi ne, %rem3A_174, %ne3A_175 : i32
        %lt3A_177 = arith.constant 0 : i32
        %lt3A_178 = arith.cmpi slt, %rem3A_174, %lt3A_177 : i32
        %lt3A_179 = arith.constant 0 : i32
        %lt3A_180 = arith.cmpi slt, %select_n3A_173, %lt3A_179 : i32
        %ne3A_181 = arith.xori %lt3A_178, %lt3A_180 : i1
        %and3A_182 = arith.andi %ne3A_181, %ne3A_176 : i1
        %add3A_183 = arith.addi %rem3A_174, %select_n3A_173 : i32
        %select_n3A_184 = arith.select %and3A_182, %add3A_183, %rem3A_174 : i32
        %dma_wait3A_185 = arith.constant 0 : i32
        %dma_wait3A_186 = tpu.memref_slice %arg11[%select_n3A_152, %dma_wait3A_185] : memref<2x128xf32, #tpu.memory_space<vmem>> -> memref<1x128xf32, #tpu.memory_space<vmem>>
        %dma_wait3A_187 = tpu.memref_squeeze %dma_wait3A_186 : memref<1x128xf32, #tpu.memory_space<vmem>> -> memref<128xf32, #tpu.memory_space<vmem>>
        %dma_wait3A_188 = arith.constant 0 : i32
        %dma_wait3A_189 = tpu.memref_slice %arg10[%select_n3A_168, %dma_wait3A_188] : memref<2x128xi32, #tpu.memory_space<vmem>> -> memref<1x128xi32, #tpu.memory_space<vmem>>
        %dma_wait3A_190 = tpu.memref_squeeze %dma_wait3A_189 : memref<1x128xi32, #tpu.memory_space<vmem>> -> memref<128xi32, #tpu.memory_space<vmem>>
        %dma_wait3A_191 = arith.constant 0 : i32
        %dma_wait3A_192 = tpu.memref_slice %arg13[%dma_wait3A_191] : memref<655360xf32, #tpu.memory_space<vmem_shared>> -> memref<655360xf32, #tpu.memory_space<vmem_shared>>
        %dma_wait3A_193 = tpu.memref_slice %arg14[%select_n3A_184] : memref<2x!tpu.dma_semaphore, #tpu.memory_space<semaphore_mem>> -> memref<1x!tpu.dma_semaphore, #tpu.memory_space<semaphore_mem>>
        %dma_wait3A_194 = tpu.memref_squeeze %dma_wait3A_193 : memref<1x!tpu.dma_semaphore, #tpu.memory_space<semaphore_mem>> -> memref<!tpu.dma_semaphore, #tpu.memory_space<semaphore_mem>>
        tpu.wait_indirect_dma semaphore(%dma_wait3A_194 : memref<!tpu.dma_semaphore, #tpu.memory_space<semaphore_mem>>) src(%dma_wait3A_187 : memref<128xf32, #tpu.memory_space<vmem>>) dst(%dma_wait3A_192 : memref<655360xf32, #tpu.memory_space<vmem_shared>>)
      } else {
      }
      %scan3A_73 = arith.constant 0 : i32
      %scan3A_74 = arith.constant 0 : i32
      %scan3A_75 = arith.constant 8 : i32
      %scan3A_76 = arith.addi %scan3A_74, %scan3A_75 : i32
      %scan3A_77 = arith.constant 1 : i32
      scf.for %scan3A_136 = %scan3A_74 to %scan3A_76 step %scan3A_77  : i32 {
        %mul3A_137 = arith.constant 128 : i32
        %mul3A_138 = arith.muli %scan3A_61, %mul3A_137 : i32
        %mul3A_139 = arith.constant 16 : i32
        %mul3A_140 = arith.muli %scan3A_136, %mul3A_139 : i32
        %add3A_141 = arith.addi %mul3A_138, %mul3A_140 : i32
        %get3A = arith.index_cast %add3A_141 : i32 to index
        %get3A_142 = tpu.vector_load %arg6[%get3A] {strides = array<i32>} : memref<20096xi32, #tpu.memory_space<vmem>>, vector<16xi32>,
        %get3A_143 = arith.index_cast %add3A_141 : i32 to index
        %get3A_144 = tpu.vector_load %arg7[%get3A_143] {strides = array<i32>} : memref<20096xi32, #tpu.memory_space<vmem>>, vector<16xi32>,
        %gather3A = tpu.vector_load_idx %arg8[%get3A_142] : memref<10016xf32, #tpu.memory_space<vmem>>[vector<16xi32>], vector<16xf32>,
        %gather3A_145 = tpu.vector_load_idx %arg9[%get3A_142] : memref<10016xi32, #tpu.memory_space<vmem>>[vector<16xi32>], vector<16xi32>,
        %mul3A_146 = arith.constant 10016 : i32
        %mul3A_147 = vector.broadcast %mul3A_146 : i32 to vector<16xi32>
        %mul3A_148 = arith.muli %gather3A_145, %mul3A_147 : vector<16xi32>
        %add3A_149 = arith.addi %mul3A_148, %get3A_144 : vector<16xi32>
        %mul3A_150 = arith.constant 16 : i32
        %mul3A_151 = arith.muli %scan3A_136, %mul3A_150 : i32
        %swap3A = arith.index_cast %select_n3A_70 : i32 to index
        %swap3A_152 = arith.index_cast %mul3A_151 : i32 to index
        %swap3A_153 = tpu.vector_load %arg10[%swap3A, %swap3A_152] {strides = array<i32>} : memref<2x128xi32, #tpu.memory_space<vmem>>, vector<16xi32>,
        tpu.vector_store %arg10[%swap3A, %swap3A_152], %add3A_149 {strides = array<i32>} : memref<2x128xi32, #tpu.memory_space<vmem>>, vector<16xi32>,
        %mul3A_154 = arith.constant 16 : i32
        %mul3A_155 = arith.muli %scan3A_136, %mul3A_154 : i32
        %swap3A_156 = arith.index_cast %select_n3A_70 : i32 to index
        %swap3A_157 = arith.index_cast %mul3A_155 : i32 to index
        %swap3A_158 = tpu.vector_load %arg11[%swap3A_156, %swap3A_157] {strides = array<i32>} : memref<2x128xf32, #tpu.memory_space<vmem>>, vector<16xf32>,
        tpu.vector_store %arg11[%swap3A_156, %swap3A_157], %gather3A {strides = array<i32>} : memref<2x128xf32, #tpu.memory_space<vmem>>, vector<16xf32>,
      }
      %scan3A_78 = arith.constant 8 : i32
      %jit3A_79 = arith.constant 2 : i32
      %eq3A_80 = arith.constant 0 : i32
      %eq3A_81 = arith.cmpi eq, %jit3A_79, %eq3A_80 : i32
      %jit3A_82 = arith.constant 1 : i32
      %select_n3A_83 = arith.select %eq3A_81, %jit3A_82, %jit3A_79 : i32
      %rem3A_84 = arith.remsi %scan3A_61, %select_n3A_83 : i32
      %ne3A_85 = arith.constant 0 : i32
      %ne3A_86 = arith.cmpi ne, %rem3A_84, %ne3A_85 : i32
      %lt3A_87 = arith.constant 0 : i32
      %lt3A_88 = arith.cmpi slt, %rem3A_84, %lt3A_87 : i32
      %lt3A_89 = arith.constant 0 : i32
      %lt3A_90 = arith.cmpi slt, %select_n3A_83, %lt3A_89 : i32
      %ne3A_91 = arith.xori %lt3A_88, %lt3A_90 : i1
      %and3A_92 = arith.andi %ne3A_91, %ne3A_86 : i1
      %add3A_93 = arith.addi %rem3A_84, %select_n3A_83 : i32
      %select_n3A_94 = arith.select %and3A_92, %add3A_93, %rem3A_84 : i32
      %jit3A_95 = arith.constant 2 : i32
      %eq3A_96 = arith.constant 0 : i32
      %eq3A_97 = arith.cmpi eq, %jit3A_95, %eq3A_96 : i32
      %jit3A_98 = arith.constant 1 : i32
      %select_n3A_99 = arith.select %eq3A_97, %jit3A_98, %jit3A_95 : i32
      %rem3A_100 = arith.remsi %scan3A_61, %select_n3A_99 : i32
      %ne3A_101 = arith.constant 0 : i32
      %ne3A_102 = arith.cmpi ne, %rem3A_100, %ne3A_101 : i32
      %lt3A_103 = arith.constant 0 : i32
      %lt3A_104 = arith.cmpi slt, %rem3A_100, %lt3A_103 : i32
      %lt3A_105 = arith.constant 0 : i32
      %lt3A_106 = arith.cmpi slt, %select_n3A_99, %lt3A_105 : i32
      %ne3A_107 = arith.xori %lt3A_104, %lt3A_106 : i1
      %and3A_108 = arith.andi %ne3A_107, %ne3A_102 : i1
      %add3A_109 = arith.addi %rem3A_100, %select_n3A_99 : i32
      %select_n3A_110 = arith.select %and3A_108, %add3A_109, %rem3A_100 : i32
      %jit3A_111 = arith.constant 2 : i32
      %eq3A_112 = arith.constant 0 : i32
      %eq3A_113 = arith.cmpi eq, %jit3A_111, %eq3A_112 : i32
      %jit3A_114 = arith.constant 1 : i32
      %select_n3A_115 = arith.select %eq3A_113, %jit3A_114, %jit3A_111 : i32
      %rem3A_116 = arith.remsi %scan3A_61, %select_n3A_115 : i32
      %ne3A_117 = arith.constant 0 : i32
      %ne3A_118 = arith.cmpi ne, %rem3A_116, %ne3A_117 : i32
      %lt3A_119 = arith.constant 0 : i32
      %lt3A_120 = arith.cmpi slt, %rem3A_116, %lt3A_119 : i32
      %lt3A_121 = arith.constant 0 : i32
      %lt3A_122 = arith.cmpi slt, %select_n3A_115, %lt3A_121 : i32
      %ne3A_123 = arith.xori %lt3A_120, %lt3A_122 : i1
      %and3A_124 = arith.andi %ne3A_123, %ne3A_118 : i1
      %add3A_125 = arith.addi %rem3A_116, %select_n3A_115 : i32
      %select_n3A_126 = arith.select %and3A_124, %add3A_125, %rem3A_116 : i32
      %dma_start3A = arith.constant 0 : i32
      %dma_start3A_127 = tpu.memref_slice %arg11[%select_n3A_94, %dma_start3A] : memref<2x128xf32, #tpu.memory_space<vmem>> -> memref<1x128xf32, #tpu.memory_space<vmem>>
      %dma_start3A_128 = tpu.memref_squeeze %dma_start3A_127 : memref<1x128xf32, #tpu.memory_space<vmem>> -> memref<128xf32, #tpu.memory_space<vmem>>
      %dma_start3A_129 = arith.constant 0 : i32
      %dma_start3A_130 = tpu.memref_slice %arg10[%select_n3A_110, %dma_start3A_129] : memref<2x128xi32, #tpu.memory_space<vmem>> -> memref<1x128xi32, #tpu.memory_space<vmem>>
      %dma_start3A_131 = tpu.memref_squeeze %dma_start3A_130 : memref<1x128xi32, #tpu.memory_space<vmem>> -> memref<128xi32, #tpu.memory_space<vmem>>
      %dma_start3A_132 = arith.constant 0 : i32
      %dma_start3A_133 = tpu.memref_slice %arg13[%dma_start3A_132] : memref<655360xf32, #tpu.memory_space<vmem_shared>> -> memref<655360xf32, #tpu.memory_space<vmem_shared>>
      %dma_start3A_134 = tpu.memref_slice %arg14[%select_n3A_126] : memref<2x!tpu.dma_semaphore, #tpu.memory_space<semaphore_mem>> -> memref<1x!tpu.dma_semaphore, #tpu.memory_space<semaphore_mem>>
      %dma_start3A_135 = tpu.memref_squeeze %dma_start3A_134 : memref<1x!tpu.dma_semaphore, #tpu.memory_space<semaphore_mem>> -> memref<!tpu.dma_semaphore, #tpu.memory_space<semaphore_mem>>
      tpu.enqueue_indirect_dma source(%dma_start3A_128 : memref<128xf32, #tpu.memory_space<vmem>>) target(%dma_start3A_133 : memref<655360xf32, #tpu.memory_space<vmem_shared>>) offsets(%dma_start3A_131 : memref<128xi32, #tpu.memory_space<vmem>>) semaphore(%dma_start3A_135 : memref<!tpu.dma_semaphore, #tpu.memory_space<semaphore_mem>>) {add = true}
    }
    %scan3A_30 = arith.constant 157 : i32
    %dma_wait3A = arith.constant 1 : i32
    %dma_wait3A_31 = arith.constant 1 : i32
    %dma_wait3A_32 = arith.constant 1 : i32
    %dma_wait3A_33 = arith.constant 0 : i32
    %dma_wait3A_34 = tpu.memref_slice %arg11[%dma_wait3A, %dma_wait3A_33] : memref<2x128xf32, #tpu.memory_space<vmem>> -> memref<1x128xf32, #tpu.memory_space<vmem>>
    %dma_wait3A_35 = tpu.memref_squeeze %dma_wait3A_34 : memref<1x128xf32, #tpu.memory_space<vmem>> -> memref<128xf32, #tpu.memory_space<vmem>>
    %dma_wait3A_36 = arith.constant 0 : i32
    %dma_wait3A_37 = tpu.memref_slice %arg10[%dma_wait3A_31, %dma_wait3A_36] : memref<2x128xi32, #tpu.memory_space<vmem>> -> memref<1x128xi32, #tpu.memory_space<vmem>>
    %dma_wait3A_38 = tpu.memref_squeeze %dma_wait3A_37 : memref<1x128xi32, #tpu.memory_space<vmem>> -> memref<128xi32, #tpu.memory_space<vmem>>
    %dma_wait3A_39 = arith.constant 0 : i32
    %dma_wait3A_40 = tpu.memref_slice %arg13[%dma_wait3A_39] : memref<655360xf32, #tpu.memory_space<vmem_shared>> -> memref<655360xf32, #tpu.memory_space<vmem_shared>>
    %dma_wait3A_41 = tpu.memref_slice %arg14[%dma_wait3A_32] : memref<2x!tpu.dma_semaphore, #tpu.memory_space<semaphore_mem>> -> memref<1x!tpu.dma_semaphore, #tpu.memory_space<semaphore_mem>>
    %dma_wait3A_42 = tpu.memref_squeeze %dma_wait3A_41 : memref<1x!tpu.dma_semaphore, #tpu.memory_space<semaphore_mem>> -> memref<!tpu.dma_semaphore, #tpu.memory_space<semaphore_mem>>
    tpu.wait_indirect_dma semaphore(%dma_wait3A_42 : memref<!tpu.dma_semaphore, #tpu.memory_space<semaphore_mem>>) src(%dma_wait3A_35 : memref<128xf32, #tpu.memory_space<vmem>>) dst(%dma_wait3A_40 : memref<655360xf32, #tpu.memory_space<vmem_shared>>)
    %dma_wait3A_43 = arith.constant 0 : i32
    %dma_wait3A_44 = arith.constant 0 : i32
    %dma_wait3A_45 = arith.constant 0 : i32
    %dma_wait3A_46 = arith.constant 0 : i32
    %dma_wait3A_47 = tpu.memref_slice %arg11[%dma_wait3A_43, %dma_wait3A_46] : memref<2x128xf32, #tpu.memory_space<vmem>> -> memref<1x128xf32, #tpu.memory_space<vmem>>
    %dma_wait3A_48 = tpu.memref_squeeze %dma_wait3A_47 : memref<1x128xf32, #tpu.memory_space<vmem>> -> memref<128xf32, #tpu.memory_space<vmem>>
    %dma_wait3A_49 = arith.constant 0 : i32
    %dma_wait3A_50 = tpu.memref_slice %arg10[%dma_wait3A_44, %dma_wait3A_49] : memref<2x128xi32, #tpu.memory_space<vmem>> -> memref<1x128xi32, #tpu.memory_space<vmem>>
    %dma_wait3A_51 = tpu.memref_squeeze %dma_wait3A_50 : memref<1x128xi32, #tpu.memory_space<vmem>> -> memref<128xi32, #tpu.memory_space<vmem>>
    %dma_wait3A_52 = arith.constant 0 : i32
    %dma_wait3A_53 = tpu.memref_slice %arg13[%dma_wait3A_52] : memref<655360xf32, #tpu.memory_space<vmem_shared>> -> memref<655360xf32, #tpu.memory_space<vmem_shared>>
    %dma_wait3A_54 = tpu.memref_slice %arg14[%dma_wait3A_45] : memref<2x!tpu.dma_semaphore, #tpu.memory_space<semaphore_mem>> -> memref<1x!tpu.dma_semaphore, #tpu.memory_space<semaphore_mem>>
    %dma_wait3A_55 = tpu.memref_squeeze %dma_wait3A_54 : memref<1x!tpu.dma_semaphore, #tpu.memory_space<semaphore_mem>> -> memref<!tpu.dma_semaphore, #tpu.memory_space<semaphore_mem>>
    tpu.wait_indirect_dma semaphore(%dma_wait3A_55 : memref<!tpu.dma_semaphore, #tpu.memory_space<semaphore_mem>>) src(%dma_wait3A_48 : memref<128xf32, #tpu.memory_space<vmem>>) dst(%dma_wait3A_53 : memref<655360xf32, #tpu.memory_space<vmem_shared>>)
    %barrier3A_56 = arith.constant 0 : index
    tpu.barrier barrier_id(%barrier3A_56)
    %mul3A_57 = arith.constant 40960 : i32
    %mul3A_58 = arith.muli %arg1, %mul3A_57 : i32
    %mul3A_59 = arith.constant 40960 : i32
    %mul3A_60 = arith.muli %arg1, %mul3A_59 : i32
    "tpu.region"() ({
      %run_scoped3A_61 = tpu.sem_alloc : memref<!tpu.dma_semaphore, #tpu.memory_space<semaphore_mem>>
      %dma_start3A = tpu.memref_slice %arg5[%arg0, %mul3A_60] : memref<2x655360xf32, #tpu.memory_space<hbm>> -> memref<1x40960xf32, #tpu.memory_space<hbm>>
      %dma_start3A_62 = tpu.memref_squeeze %dma_start3A : memref<1x40960xf32, #tpu.memory_space<hbm>> -> memref<40960xf32, #tpu.memory_space<hbm>>
      %dma_start3A_63 = tpu.memref_slice %arg13[%mul3A_58] : memref<655360xf32, #tpu.memory_space<vmem_shared>> -> memref<40960xf32, #tpu.memory_space<vmem_shared>>
      tpu.enqueue_dma source(%dma_start3A_63 : memref<40960xf32, #tpu.memory_space<vmem_shared>>) target(%dma_start3A_62 : memref<40960xf32, #tpu.memory_space<hbm>>) target_semaphore(%run_scoped3A_61 : memref<!tpu.dma_semaphore, #tpu.memory_space<semaphore_mem>>)
      %dma_wait3A_64 = tpu.memref_slice %arg5[%arg0, %mul3A_60] : memref<2x655360xf32, #tpu.memory_space<hbm>> -> memref<1x40960xf32, #tpu.memory_space<hbm>>
      %dma_wait3A_65 = tpu.memref_squeeze %dma_wait3A_64 : memref<1x40960xf32, #tpu.memory_space<hbm>> -> memref<40960xf32, #tpu.memory_space<hbm>>
      %dma_wait3A_66 = tpu.memref_slice %arg13[%mul3A_58] : memref<655360xf32, #tpu.memory_space<vmem_shared>> -> memref<40960xf32, #tpu.memory_space<vmem_shared>>
      tpu.wait_dma2 semaphore(%run_scoped3A_61 : memref<!tpu.dma_semaphore, #tpu.memory_space<semaphore_mem>>) src(%dma_wait3A_66 : memref<40960xf32, #tpu.memory_space<vmem_shared>>) dst(%dma_wait3A_65 : memref<40960xf32, #tpu.memory_space<hbm>>)
      tpu.yield
    }) : () -> ()
    return
  }
}

module attributes {stable_mosaic.version = 14 : i64} {
  func.func @_k1_body(%arg0: i32, %arg1: memref<1x1x10016xf32, #tpu.memory_space<vmem>>, %arg2: memref<10016x128xf32, #tpu.memory_space<vmem>>, %arg3: memref<1x128x128xf32, #tpu.memory_space<vmem>>, %arg4: memref<1x10016x128xf32, #tpu.memory_space<vmem>>, %arg5: memref<1x1x10016xf32, #tpu.memory_space<vmem>>) attributes {dimension_semantics = [#tpu.dimension_semantics<arbitrary>], iteration_bounds = array<i64: 2>, scalar_prefetch = 0 : i64, scratch_operands = 0 : i64, tpu.core_type = #tpu.core_type<tc>, window_params = [{transform_indices = @transform_0, window_bounds = array<i64: 1, 1, 10016>}, {pipeline_mode = #tpu.pipeline_mode<synchronous>, transform_indices = @transform_1, window_bounds = array<i64: 10016, 128>}, {transform_indices = @transform_2, window_bounds = array<i64: 1, 128, 128>}, {transform_indices = @transform_3, window_bounds = array<i64: 1, 10016, 128>}, {transform_indices = @transform_4, window_bounds = array<i64: 1, 1, 10016>}]} {
    %get3A = arith.constant 0 : index
    %get3A_0 = arith.constant 0 : index
    %get3A_1 = arith.constant 0 : index
    %get3A_2 = vector.load %arg1[%get3A, %get3A_0, %get3A_1] : memref<1x1x10016xf32, #tpu.memory_space<vmem>>, vector<1x1x10016xf32>
    %get3A_3 = vector.shape_cast %get3A_2 : vector<1x1x10016xf32> to vector<10016xf32>
    %add3A = arith.constant 1.000000e+00 : f32
    %add3A_4 = vector.broadcast %add3A : f32 to vector<10016xf32>
    %add3A_5 = arith.addf %get3A_3, %add3A_4 : vector<10016xf32>
    %rsqrt3A = math.rsqrt %add3A_5 : vector<10016xf32>
    %get3A_6 = arith.constant 0 : index
    %get3A_7 = arith.constant 0 : index
    %get3A_8 = vector.load %arg2[%get3A_6, %get3A_7] : memref<10016x128xf32, #tpu.memory_space<vmem>>, vector<10016x128xf32>
    %get3A_9 = arith.constant 0 : index
    %get3A_10 = arith.constant 0 : index
    %get3A_11 = arith.constant 0 : index
    %get3A_12 = vector.load %arg3[%get3A_9, %get3A_10, %get3A_11] : memref<1x128x128xf32, #tpu.memory_space<vmem>>, vector<1x128x128xf32>
    %get3A_13 = vector.shape_cast %get3A_12 : vector<1x128x128xf32> to vector<128x128xf32>
    %dot_general3A = arith.constant dense<0.000000e+00> : vector<10016x128xf32>
    %dot_general3A_14 = tpu.matmul %get3A_8, %get3A_13, %dot_general3A {dimension_numbers = #tpu.dot_dimension_numbers<[1], [0], [0], [1], [0, 0, 1, 1], [], []>, transpose_lhs_hint = false} : vector<10016x128xf32>, vector<128x128xf32>, vector<10016x128xf32> -> vector<10016x128xf32>
    %broadcast_in_dim3A = vector.shape_cast %rsqrt3A : vector<10016xf32> to vector<10016x1xf32>
    %mul3A = vector.broadcast %broadcast_in_dim3A : vector<10016x1xf32> to vector<10016x128xf32>
    %mul3A_15 = arith.mulf %dot_general3A_14, %mul3A : vector<10016x128xf32>
    %swap3A = arith.constant 0 : index
    %swap3A_16 = arith.constant 0 : index
    %swap3A_17 = arith.constant 0 : index
    %swap3A_18 = vector.load %arg4[%swap3A, %swap3A_16, %swap3A_17] : memref<1x10016x128xf32, #tpu.memory_space<vmem>>, vector<1x10016x128xf32>
    %swap3A_19 = vector.shape_cast %swap3A_18 : vector<1x10016x128xf32> to vector<10016x128xf32>
    %swap3A_20 = vector.shape_cast %mul3A_15 : vector<10016x128xf32> to vector<1x10016x128xf32>
    tpu.vector_store %arg4[%swap3A, %swap3A_16, %swap3A_17], %swap3A_20 {strides = array<i32>} : memref<1x10016x128xf32, #tpu.memory_space<vmem>>, vector<1x10016x128xf32>,
    %swap3A_21 = arith.constant 0 : index
    %swap3A_22 = arith.constant 0 : index
    %swap3A_23 = arith.constant 0 : index
    %swap3A_24 = vector.load %arg5[%swap3A_21, %swap3A_22, %swap3A_23] : memref<1x1x10016xf32, #tpu.memory_space<vmem>>, vector<1x1x10016xf32>
    %swap3A_25 = vector.shape_cast %swap3A_24 : vector<1x1x10016xf32> to vector<10016xf32>
    %swap3A_26 = vector.shape_cast %rsqrt3A : vector<10016xf32> to vector<1x1x10016xf32>
    tpu.vector_store %arg5[%swap3A_21, %swap3A_22, %swap3A_23], %swap3A_26 {strides = array<i32>} : memref<1x1x10016xf32, #tpu.memory_space<vmem>>, vector<1x1x10016xf32>,
    return
  }
  func.func @transform_0(%arg0: i32) -> (i32, i32, i32) {
    %c0_i32 = arith.constant 0 : i32
    %c0_i32_0 = arith.constant 0 : i32
    %c0_i32_1 = arith.constant 0 : i32
    return %arg0, %c0_i32, %c0_i32_0 : i32, i32, i32
  }
  func.func @transform_1(%arg0: i32) -> (i32, i32) {
    %c0_i32 = arith.constant 0 : i32
    %c0_i32_0 = arith.constant 0 : i32
    %c0_i32_1 = arith.constant 0 : i32
    return %c0_i32, %c0_i32_0 : i32, i32
  }
  func.func @transform_2(%arg0: i32) -> (i32, i32, i32) {
    %c0_i32 = arith.constant 0 : i32
    %c0_i32_0 = arith.constant 0 : i32
    %c0_i32_1 = arith.constant 0 : i32
    return %arg0, %c0_i32, %c0_i32_0 : i32, i32, i32
  }
  func.func @transform_3(%arg0: i32) -> (i32, i32, i32) {
    %c0_i32 = arith.constant 0 : i32
    %c0_i32_0 = arith.constant 0 : i32
    %c0_i32_1 = arith.constant 0 : i32
    return %arg0, %c0_i32, %c0_i32_0 : i32, i32, i32
  }
  func.func @transform_4(%arg0: i32) -> (i32, i32, i32) {
    %c0_i32 = arith.constant 0 : i32
    %c0_i32_0 = arith.constant 0 : i32
    %c0_i32_1 = arith.constant 0 : i32
    return %arg0, %c0_i32, %c0_i32_0 : i32, i32, i32
  }
}

module attributes {stable_mosaic.version = 14 : i64} {
  func.func @_k2_body(%arg0: i32, %arg1: memref<1x10016x128xf32, #tpu.memory_space<vmem>>, %arg2: memref<1x10016x128xf32, #tpu.memory_space<vmem>>, %arg3: memref<1x1x10016xf32, #tpu.memory_space<vmem>>, %arg4: memref<1x1x128xf32, #tpu.memory_space<vmem>>, %arg5: memref<1x128x128xf32, #tpu.memory_space<vmem>>, %arg6: memref<1x10016x128xf32, #tpu.memory_space<vmem>>) attributes {dimension_semantics = [#tpu.dimension_semantics<arbitrary>], iteration_bounds = array<i64: 2>, scalar_prefetch = 0 : i64, scratch_operands = 0 : i64, tpu.core_type = #tpu.core_type<tc>, window_params = [{transform_indices = @transform_0, window_bounds = array<i64: 1, 10016, 128>}, {transform_indices = @transform_1, window_bounds = array<i64: 1, 10016, 128>}, {transform_indices = @transform_2, window_bounds = array<i64: 1, 1, 10016>}, {transform_indices = @transform_3, window_bounds = array<i64: 1, 1, 128>}, {transform_indices = @transform_4, window_bounds = array<i64: 1, 128, 128>}, {transform_indices = @transform_5, window_bounds = array<i64: 1, 10016, 128>}]} {
    %get3A = arith.constant 0 : index
    %get3A_0 = arith.constant 0 : index
    %get3A_1 = arith.constant 0 : index
    %get3A_2 = vector.load %arg3[%get3A, %get3A_0, %get3A_1] : memref<1x1x10016xf32, #tpu.memory_space<vmem>>, vector<1x1x10016xf32>
    %get3A_3 = vector.shape_cast %get3A_2 : vector<1x1x10016xf32> to vector<10016xf32>
    %broadcast_in_dim3A = vector.shape_cast %get3A_3 : vector<10016xf32> to vector<10016x1xf32>
    %get3A_4 = arith.constant 0 : index
    %get3A_5 = arith.constant 0 : index
    %get3A_6 = arith.constant 0 : index
    %get3A_7 = vector.load %arg1[%get3A_4, %get3A_5, %get3A_6] : memref<1x10016x128xf32, #tpu.memory_space<vmem>>, vector<1x10016x128xf32>
    %get3A_8 = vector.shape_cast %get3A_7 : vector<1x10016x128xf32> to vector<10016x128xf32>
    %get3A_9 = arith.constant 0 : index
    %get3A_10 = arith.constant 0 : index
    %get3A_11 = arith.constant 0 : index
    %get3A_12 = vector.load %arg2[%get3A_9, %get3A_10, %get3A_11] : memref<1x10016x128xf32, #tpu.memory_space<vmem>>, vector<1x10016x128xf32>
    %get3A_13 = vector.shape_cast %get3A_12 : vector<1x10016x128xf32> to vector<10016x128xf32>
    %add3A = arith.addf %get3A_8, %get3A_13 : vector<10016x128xf32>
    %mul3A = vector.broadcast %broadcast_in_dim3A : vector<10016x1xf32> to vector<10016x128xf32>
    %mul3A_14 = arith.mulf %mul3A, %add3A : vector<10016x128xf32>
    %get3A_15 = arith.constant 0 : index
    %get3A_16 = arith.constant 0 : index
    %get3A_17 = arith.constant 0 : index
    %get3A_18 = vector.load %arg4[%get3A_15, %get3A_16, %get3A_17] : memref<1x1x128xf32, #tpu.memory_space<vmem>>, vector<1x1x128xf32>
    %get3A_19 = vector.shape_cast %get3A_18 : vector<1x1x128xf32> to vector<1x128xf32>
    %add3A_20 = vector.broadcast %get3A_19 : vector<1x128xf32> to vector<10016x128xf32>
    %add3A_21 = arith.addf %mul3A_14, %add3A_20 : vector<10016x128xf32>
    %max3A = arith.constant 0.000000e+00 : f32
    %max3A_22 = vector.broadcast %max3A : f32 to vector<10016x128xf32>
    %max3A_23 = arith.maximumf %add3A_21, %max3A_22 : vector<10016x128xf32>
    %get3A_24 = arith.constant 0 : index
    %get3A_25 = arith.constant 0 : index
    %get3A_26 = arith.constant 0 : index
    %get3A_27 = vector.load %arg5[%get3A_24, %get3A_25, %get3A_26] : memref<1x128x128xf32, #tpu.memory_space<vmem>>, vector<1x128x128xf32>
    %get3A_28 = vector.shape_cast %get3A_27 : vector<1x128x128xf32> to vector<128x128xf32>
    %dot_general3A = arith.constant dense<0.000000e+00> : vector<10016x128xf32>
    %dot_general3A_29 = tpu.matmul %max3A_23, %get3A_28, %dot_general3A {dimension_numbers = #tpu.dot_dimension_numbers<[1], [0], [0], [1], [0, 0, 1, 1], [], []>, transpose_lhs_hint = false} : vector<10016x128xf32>, vector<128x128xf32>, vector<10016x128xf32> -> vector<10016x128xf32>
    %broadcast_in_dim3A_30 = vector.shape_cast %get3A_3 : vector<10016xf32> to vector<10016x1xf32>
    %mul3A_31 = vector.broadcast %broadcast_in_dim3A_30 : vector<10016x1xf32> to vector<10016x128xf32>
    %mul3A_32 = arith.mulf %dot_general3A_29, %mul3A_31 : vector<10016x128xf32>
    %swap3A = arith.constant 0 : index
    %swap3A_33 = arith.constant 0 : index
    %swap3A_34 = arith.constant 0 : index
    %swap3A_35 = vector.load %arg6[%swap3A, %swap3A_33, %swap3A_34] : memref<1x10016x128xf32, #tpu.memory_space<vmem>>, vector<1x10016x128xf32>
    %swap3A_36 = vector.shape_cast %swap3A_35 : vector<1x10016x128xf32> to vector<10016x128xf32>
    %swap3A_37 = vector.shape_cast %mul3A_32 : vector<10016x128xf32> to vector<1x10016x128xf32>
    tpu.vector_store %arg6[%swap3A, %swap3A_33, %swap3A_34], %swap3A_37 {strides = array<i32>} : memref<1x10016x128xf32, #tpu.memory_space<vmem>>, vector<1x10016x128xf32>,
    return
  }
  func.func @transform_0(%arg0: i32) -> (i32, i32, i32) {
    %c0_i32 = arith.constant 0 : i32
    %c0_i32_0 = arith.constant 0 : i32
    %c0_i32_1 = arith.constant 0 : i32
    return %arg0, %c0_i32, %c0_i32_0 : i32, i32, i32
  }
  func.func @transform_1(%arg0: i32) -> (i32, i32, i32) {
    %c0_i32 = arith.constant 0 : i32
    %c0_i32_0 = arith.constant 0 : i32
    %c0_i32_1 = arith.constant 0 : i32
    return %arg0, %c0_i32, %c0_i32_0 : i32, i32, i32
  }
  func.func @transform_2(%arg0: i32) -> (i32, i32, i32) {
    %c0_i32 = arith.constant 0 : i32
    %c0_i32_0 = arith.constant 0 : i32
    %c0_i32_1 = arith.constant 0 : i32
    return %arg0, %c0_i32, %c0_i32_0 : i32, i32, i32
  }
  func.func @transform_3(%arg0: i32) -> (i32, i32, i32) {
    %c0_i32 = arith.constant 0 : i32
    %c0_i32_0 = arith.constant 0 : i32
    %c0_i32_1 = arith.constant 0 : i32
    return %arg0, %c0_i32, %c0_i32_0 : i32, i32, i32
  }
  func.func @transform_4(%arg0: i32) -> (i32, i32, i32) {
    %c0_i32 = arith.constant 0 : i32
    %c0_i32_0 = arith.constant 0 : i32
    %c0_i32_1 = arith.constant 0 : i32
    return %arg0, %c0_i32, %c0_i32_0 : i32, i32, i32
  }
  func.func @transform_5(%arg0: i32) -> (i32, i32, i32) {
    %c0_i32 = arith.constant 0 : i32
    %c0_i32_0 = arith.constant 0 : i32
    %c0_i32_1 = arith.constant 0 : i32
    return %arg0, %c0_i32, %c0_i32_0 : i32, i32, i32
  }
}

module attributes {stable_mosaic.version = 14 : i64} {
  func.func @_k3_body(%arg0: i32, %arg1: memref<1x65x10016xf32, #tpu.memory_space<vmem>>, %arg2: memref<1x10016x128xf32, #tpu.memory_space<vmem>>, %arg3: memref<1x1x10016xf32, #tpu.memory_space<vmem>>, %arg4: memref<1x1x128xf32, #tpu.memory_space<vmem>>, %arg5: memref<1x10016xi32, #tpu.memory_space<vmem>>, %arg6: memref<1x64x128xf32, #tpu.memory_space<vmem>>) attributes {dimension_semantics = [#tpu.dimension_semantics<arbitrary>], iteration_bounds = array<i64: 2>, scalar_prefetch = 0 : i64, scratch_operands = 0 : i64, tpu.core_type = #tpu.core_type<tc>, window_params = [{transform_indices = @transform_0, window_bounds = array<i64: 1, 65, 10016>}, {transform_indices = @transform_1, window_bounds = array<i64: 1, 10016, 128>}, {transform_indices = @transform_2, window_bounds = array<i64: 1, 1, 10016>}, {transform_indices = @transform_3, window_bounds = array<i64: 1, 1, 128>}, {pipeline_mode = #tpu.pipeline_mode<synchronous>, transform_indices = @transform_4, window_bounds = array<i64: 1, 10016>}, {transform_indices = @transform_5, window_bounds = array<i64: 1, 64, 128>}]} {
    %get3A = arith.constant 0 : index
    %get3A_0 = arith.constant 0 : index
    %get3A_1 = arith.constant 0 : index
    %get3A_2 = vector.load %arg3[%get3A, %get3A_0, %get3A_1] : memref<1x1x10016xf32, #tpu.memory_space<vmem>>, vector<1x1x10016xf32>
    %get3A_3 = vector.shape_cast %get3A_2 : vector<1x1x10016xf32> to vector<10016xf32>
    %get3A_4 = arith.constant 0 : index
    %get3A_5 = arith.constant 0 : index
    %get3A_6 = vector.load %arg5[%get3A_4, %get3A_5] : memref<1x10016xi32, #tpu.memory_space<vmem>>, vector<1x10016xi32>
    %get3A_7 = vector.shape_cast %get3A_6 : vector<1x10016xi32> to vector<10016xi32>
    %iota3A = tpu.iota {dimensions = array<i32: 0>} : vector<64x10016xi32>
    %broadcast_in_dim3A = vector.shape_cast %get3A_7 : vector<10016xi32> to vector<1x10016xi32>
    %eq3A = vector.broadcast %broadcast_in_dim3A : vector<1x10016xi32> to vector<64x10016xi32>
    %eq3A_8 = arith.cmpi eq, %iota3A, %eq3A : vector<64x10016xi32>
    %get3A_9 = arith.constant 0 : index
    %get3A_10 = arith.constant 0 : index
    %get3A_11 = arith.constant 0 : index
    %get3A_12 = vector.load %arg1[%get3A_9, %get3A_10, %get3A_11] : memref<1x65x10016xf32, #tpu.memory_space<vmem>>, vector<1x64x10016xf32>
    %get3A_13 = vector.shape_cast %get3A_12 : vector<1x64x10016xf32> to vector<64x10016xf32>
    %broadcast_in_dim3A_14 = vector.shape_cast %get3A_3 : vector<10016xf32> to vector<1x10016xf32>
    %jit3A = arith.constant 0.000000e+00 : f32
    %broadcast_in_dim3A_15 = vector.shape_cast %broadcast_in_dim3A_14 : vector<1x10016xf32> to vector<1x10016xf32>
    %broadcast_in_dim3A_16 = vector.broadcast %broadcast_in_dim3A_15 : vector<1x10016xf32> to vector<64x10016xf32>
    %broadcast_in_dim3A_17 = vector.broadcast %jit3A : f32 to vector<64x10016xf32>
    %select_n3A = arith.select %eq3A_8, %broadcast_in_dim3A_16, %broadcast_in_dim3A_17 : vector<64x10016xi1>, vector<64x10016xf32>
    %add3A = arith.addf %get3A_13, %select_n3A : vector<64x10016xf32>
    %jit3A_18 = arith.constant 1.000000e+00 : f32
    %jit3A_19 = arith.constant 0.000000e+00 : f32
    %broadcast_in_dim3A_20 = vector.broadcast %jit3A_18 : f32 to vector<64x10016xf32>
    %broadcast_in_dim3A_21 = vector.broadcast %jit3A_19 : f32 to vector<64x10016xf32>
    %select_n3A_22 = arith.select %eq3A_8, %broadcast_in_dim3A_20, %broadcast_in_dim3A_21 : vector<64x10016xi1>, vector<64x10016xf32>
    %reduce_sum3A = arith.constant dense<0.000000e+00> : vector<64xf32>
    %reduce_sum3A_23 = vector.multi_reduction <add>, %select_n3A_22, %reduce_sum3A [1] : vector<64x10016xf32> to vector<64xf32>
    %get3A_24 = arith.constant 0 : index
    %get3A_25 = arith.constant 0 : index
    %get3A_26 = arith.constant 0 : index
    %get3A_27 = vector.load %arg2[%get3A_24, %get3A_25, %get3A_26] : memref<1x10016x128xf32, #tpu.memory_space<vmem>>, vector<1x10016x128xf32>
    %get3A_28 = vector.shape_cast %get3A_27 : vector<1x10016x128xf32> to vector<10016x128xf32>
    %dot_general3A = arith.constant dense<0.000000e+00> : vector<64x128xf32>
    %dot_general3A_29 = tpu.matmul %add3A, %get3A_28, %dot_general3A {dimension_numbers = #tpu.dot_dimension_numbers<[1], [0], [0], [1], [0, 0, 1, 1], [], []>, transpose_lhs_hint = false} : vector<64x10016xf32>, vector<10016x128xf32>, vector<64x128xf32> -> vector<64x128xf32>
    %broadcast_in_dim3A_30 = vector.shape_cast %reduce_sum3A_23 : vector<64xf32> to vector<64x1xf32>
    %get3A_31 = arith.constant 0 : index
    %get3A_32 = arith.constant 0 : index
    %get3A_33 = arith.constant 0 : index
    %get3A_34 = vector.load %arg4[%get3A_31, %get3A_32, %get3A_33] : memref<1x1x128xf32, #tpu.memory_space<vmem>>, vector<1x1x128xf32>
    %get3A_35 = vector.shape_cast %get3A_34 : vector<1x1x128xf32> to vector<1x128xf32>
    %mul3A = vector.broadcast %broadcast_in_dim3A_30 : vector<64x1xf32> to vector<64x128xf32>
    %mul3A_36 = vector.broadcast %get3A_35 : vector<1x128xf32> to vector<64x128xf32>
    %mul3A_37 = arith.mulf %mul3A, %mul3A_36 : vector<64x128xf32>
    %add3A_38 = arith.addf %dot_general3A_29, %mul3A_37 : vector<64x128xf32>
    %swap3A = arith.constant 0 : index
    %swap3A_39 = arith.constant 0 : index
    %swap3A_40 = arith.constant 0 : index
    %swap3A_41 = vector.load %arg6[%swap3A, %swap3A_39, %swap3A_40] : memref<1x64x128xf32, #tpu.memory_space<vmem>>, vector<1x64x128xf32>
    %swap3A_42 = vector.shape_cast %swap3A_41 : vector<1x64x128xf32> to vector<64x128xf32>
    %swap3A_43 = vector.shape_cast %add3A_38 : vector<64x128xf32> to vector<1x64x128xf32>
    tpu.vector_store %arg6[%swap3A, %swap3A_39, %swap3A_40], %swap3A_43 {strides = array<i32>} : memref<1x64x128xf32, #tpu.memory_space<vmem>>, vector<1x64x128xf32>,
    return
  }
  func.func @transform_0(%arg0: i32) -> (i32, i32, i32) {
    %c0_i32 = arith.constant 0 : i32
    %c0_i32_0 = arith.constant 0 : i32
    %c0_i32_1 = arith.constant 0 : i32
    return %arg0, %c0_i32, %c0_i32_0 : i32, i32, i32
  }
  func.func @transform_1(%arg0: i32) -> (i32, i32, i32) {
    %c0_i32 = arith.constant 0 : i32
    %c0_i32_0 = arith.constant 0 : i32
    %c0_i32_1 = arith.constant 0 : i32
    return %arg0, %c0_i32, %c0_i32_0 : i32, i32, i32
  }
  func.func @transform_2(%arg0: i32) -> (i32, i32, i32) {
    %c0_i32 = arith.constant 0 : i32
    %c0_i32_0 = arith.constant 0 : i32
    %c0_i32_1 = arith.constant 0 : i32
    return %arg0, %c0_i32, %c0_i32_0 : i32, i32, i32
  }
  func.func @transform_3(%arg0: i32) -> (i32, i32, i32) {
    %c0_i32 = arith.constant 0 : i32
    %c0_i32_0 = arith.constant 0 : i32
    %c0_i32_1 = arith.constant 0 : i32
    return %arg0, %c0_i32, %c0_i32_0 : i32, i32, i32
  }
  func.func @transform_4(%arg0: i32) -> (i32, i32) {
    %c0_i32 = arith.constant 0 : i32
    %c0_i32_0 = arith.constant 0 : i32
    %c0_i32_1 = arith.constant 0 : i32
    return %c0_i32, %c0_i32_0 : i32, i32
  }
  func.func @transform_5(%arg0: i32) -> (i32, i32, i32) {
    %c0_i32 = arith.constant 0 : i32
    %c0_i32_0 = arith.constant 0 : i32
    %c0_i32_1 = arith.constant 0 : i32
    return %arg0, %c0_i32, %c0_i32_0 : i32, i32, i32
  }
}

</mosaic_0001>

<sc_bundles>
// kernel: kernel.11.cloned.1.call-start
scs
__scs_entry_jumppad:
0x0: {  	(pc) =	sbr.rel $0x88, $3  }
0x1: {  	(tag) =	ssettag $0x0;
	lr =	simm.s32 $0x1  }
0x2: {  	[smem:$0x3F96] =	sst lr;
	_ =	strace $0xD0000000  }
0x3: {  	_ = 	snop  }
0x4: {  	_ = 	snop  }
0x5: {  	_ = 	snop  }
0x6: {  	_ = 	snop  }
0x7: {  	_ = 	snop  }
__scs_overlays_trampoline_lowered:
0x8: {  	[smem:$0x3FA5] =	sst s0  }
0x9: {  	[smem:$0x3FA6] =	sst s1  }
0xa: {  	[smem:$0x3FA7] =	sst s2  }
0xb: {  	[smem:$0x3FA8] =	sst s3  }
0xc: {  	[smem:$0x3FA9] =	sst s4  }
0xd: {  	[smem:$0x3FAA] =	sst s5  }
0xe: {  	[smem:$0x3FAB] =	sst s6  }
0xf: {  	[smem:$0x3FAC] =	sst s7  }
0x10: {  	[smem:$0x3FAD] =	sst s8  }
0x11: {  	[smem:$0x3FAE] =	sst s9;
	s0 =	simm.s32 @!p0 $0x0  }
0x12: {  	s1 =	sld [smem:$0x3F94];
	s0 =	simm.s32 @p0 $0x1  }
0x13: {  	[smem:$0x3FAF] =	sst s0;
	s0 =	simm.s32 @!p1 $0x0  }
0x14: {  	s2 =	sld [smem:$0x3F93];
	s0 =	simm.s32 @p1 $0x1  }
0x15: {  	[smem:$0x3FB0] =	sst s0;
	s0 =	simm.s32 @!p2 $0x0  }
0x16: {  	s3 =	sld [smem:$0x3FDB];
	s0 =	simm.s32 @p2 $0x1  }
0x17: {  	s4 =	simm.s32 $0x1BF5;
	[smem:$0x3FB2] =	sst s0  }
0x18: {  	s0 =	sld [smem:$0x3F95];
	_ =	swait.ge [sflag:s4], $0x0  }
0x19: {  	s7 =	sld [smem:$0x3F96]  }
0x1a: {  	s8 =	sadd.s32 $0xFFFFE003, lr  }
0x1b: {  	s9 =	sadd.s32 $0xFFFFFEF7, lr;
	s5 =	simm.s32 $0xFFFFFFFF;
	p2 =	slt.u32 s8, $0xFFFFF086  }
0x1c: {  	p1 =	slt.u32 s9, $0xF7A;
	s5 =	simm.s32 @!p2 $0x0  }
0x1d: {  	s5 =	simm.s32 @p1 $0x1;
	p0 =	seq.s32 s7, s2  }
0x1e: {  	s7 =	smul.u32 @!p0 $0xF7A, s2;
	p2 =	seq.s32 @!p0 s5, $0x0  }
0x1f: {  	s9 =	smul.u32 $0xF7A, s1;
	s8 =	simm.s32 @!p0 $0x1BF5;
	p2 =	por !p2, p0  }
0x20: {  	[sflag:s8] =	ssyncset.s32 @!p0 $0xFFFFF086;
	s6 =	sadd.s32 @!p0 s3, s7;
	s7 =	simm.s32 @!p0 $0x108  }
0x21: {  	s3 =	sadd.s32 s3, s9;
	s6 =	sadd.s32 @!p0 $0x88, s6;
	s7 =	simm.s32 @p2 $0x1082  }
0x22: {  	[simem:s7], [sflag:s8] =	dma.local @!p0 [hbm:s6], $0xF7A  }
0x23: {  	s9 =	sor.u32 $0xD0000000, s2;
	s6 =	simm.s32 $0x108;
	_ =	swait.ge @!p0 [sflag:s8], $0x0  }
0x24: {  	s3 =	sadd.s32 $0x88, s3;
	s6 =	simm.s32 @!p1 $0x1082;
	[sflag:s4] =	ssyncset.s32 $0xFFFFF086  }
0x25: {  	[simem:s6], [sflag:s4] =	dma.local [hbm:s3], $0xF7A  }
0x26: {  	[smem:$0x3F96] =	sst s1;
	(tag) =	ssettag s2;
	_ =	strace s9  }
0x27: {  	s1 =	sld [smem:$0x3FA6]  }
0x28: {  	s2 =	sld [smem:$0x3FA7]  }
0x29: {  	s4 =	sld [smem:$0x3FA9]  }
0x2a: {  	p0 =	seq.s32 s5, $0x0;
	s5 =	sld [smem:$0x3FAA]  }
0x2b: {  	s6 =	sld [smem:$0x3FAB]  }
0x2c: {  	s7 =	sld [smem:$0x3FAC]  }
0x2d: {  	s3 =	simm.s32 $0x108;
	s8 =	sld [smem:$0x3FAD]  }
0x2e: {  	s3 =	simm.s32 @!p0 $0x1082;
	s9 =	sld [smem:$0x3FAE]  }
0x2f: {  	lr =	sadd.s32 s0, s3;
	s0 =	sld [smem:$0x3FA5]  }
0x30: {  	s3 =	sld [smem:$0x3FA8]  }
0x31: {  	[smem:$0x3FB1] =	sst s10  }
0x32: {  	s10 =	sld [smem:$0x3FAF];
	_ =	sdelay $0x3  }
0x33: {  	p0 =	seq.s32 s10, $0x1;
	s10 =	sld [smem:$0x3FB1];
	_ =	sdelay $0x3  }
0x34: {  	[smem:$0x3FB1] =	sst s10  }
0x35: {  	s10 =	sld [smem:$0x3FB0];
	_ =	sdelay $0x3  }
0x36: {  	p1 =	seq.s32 s10, $0x1;
	s10 =	sld [smem:$0x3FB1];
	_ =	sdelay $0x3  }
0x37: {  	[smem:$0x3FB1] =	sst s10  }
0x38: {  	s10 =	sld [smem:$0x3FB2]  }
0x39: {  	_ = 	snop;
	(pc) =	sbr.ind lr, $3  }
0x3a: {  	_ = 	snop  }
0x3b: {  	_ = 	snop  }
0x3c: {  	p2 =	seq.s32 s10, $0x1;
	s10 =	sld [smem:$0x3FB1]  }
0x3d: {  	_ =	shalt  }
0x3e: {  	_ =	shalt  }
0x3f: {  	_ =	shalt  }
0x40: {  	_ =	shalt  }
0x41: {  	_ =	shalt  }
0x42: {  	_ =	shalt  }
0x43: {  	_ =	shalt  }
0x44: {  	_ =	shalt  }
0x45: {  	_ =	shalt  }
0x46: {  	_ =	shalt  }
0x47: {  	_ =	shalt  }
0x48: {  	_ =	shalt  }
0x49: {  	_ =	shalt  }
0x4a: {  	_ =	shalt  }
0x4b: {  	_ =	shalt  }
0x4c: {  	_ =	shalt  }
0x4d: {  	_ =	shalt  }
0x4e: {  	_ =	shalt  }
0x4f: {  	_ =	shalt  }
0x50: {  	_ =	shalt  }
0x51: {  	_ =	shalt  }
0x52: {  	_ =	shalt  }
0x53: {  	_ =	shalt  }
0x54: {  	_ =	shalt  }
0x55: {  	_ =	shalt  }
0x56: {  	_ =	shalt  }
0x57: {  	_ =	shalt  }
0x58: {  	_ =	shalt  }
0x59: {  	_ =	shalt  }
0x5a: {  	_ =	shalt  }
0x5b: {  	_ =	shalt  }
0x5c: {  	_ =	shalt  }
0x5d: {  	_ =	shalt  }
0x5e: {  	_ =	shalt  }
0x5f: {  	_ =	shalt  }
0x60: {  	_ =	shalt  }
0x61: {  	_ =	shalt  }
0x62: {  	_ =	shalt  }
0x63: {  	_ =	shalt  }
0x64: {  	_ =	shalt  }
0x65: {  	_ =	shalt  }
0x66: {  	_ =	shalt  }
0x67: {  	_ =	shalt  }
0x68: {  	_ =	shalt  }
0x69: {  	_ =	shalt  }
0x6a: {  	_ =	shalt  }
0x6b: {  	_ =	shalt  }
0x6c: {  	_ =	shalt  }
0x6d: {  	_ =	shalt  }
0x6e: {  	_ =	shalt  }
0x6f: {  	_ =	shalt  }
0x70: {  	_ =	shalt  }
0x71: {  	_ =	shalt  }
0x72: {  	_ =	shalt  }
0x73: {  	_ =	shalt  }
0x74: {  	_ =	shalt  }
0x75: {  	_ =	shalt  }
0x76: {  	_ =	shalt  }
0x77: {  	_ =	shalt  }
0x78: {  	_ =	shalt  }
0x79: {  	_ =	shalt  }
0x7a: {  	_ =	shalt  }
0x7b: {  	_ =	shalt  }
0x7c: {  	_ =	shalt  }
0x7d: {  	_ =	shalt  }
0x7e: {  	_ =	shalt  }
0x7f: {  	_ =	shalt  }
0x80: {  	_ =	shalt  }
0x81: {  	_ =	shalt  }
0x82: {  	_ =	shalt  }
0x83: {  	_ =	shalt  }
0x84: {  	_ =	shalt  }
0x85: {  	_ =	shalt  }
0x86: {  	_ =	shalt  }
0x87: {  	_ =	shalt  }
.Lfunc_end0:
.L_simem_size_0:
called_computation.1_lowered:
.L_overlay_start_0:
0x88: {  	s2 =	sld [smem:$0x3FD9]  }
0x89: {  	s3 =	sld [smem:$0x3FFE];
	_ =	sdelay $0x1  }
0x8a: {  	s1 =	srdreg.scid  }
0x8b: {  	s0 =	sand.u32 $0x1, s1  }
0x8c: {  	s17 =	sshll.u32 s0, $0xA;
	s2 =	sadd.s32 s3, s2  }
0x8d: {  	s2 =	sadd.s32 s2, s17  }
0x8e: {  	[smem:$0x3FBD] =	sst s2  }
0x8f: {  	_ = 	snop  }
0x90: {  	(tm) =	ssettm $0x1  }
0x91: {  	s18 =	sld [smem:$0x3FFB];
	_ =	sdelay $0x3  }
0x92: {  	_ =	strace s18  }
0x93: {  	s2 =	sld [smem:$0x3FFC];
	_ =	sdelay $0x3  }
0x94: {  	_ =	strace s2  }
0x95: {  	s2 =	sld [smem:$0x3FFD];
	_ =	sdelay $0x3  }
0x96: {  	_ =	strace s2  }
0x97: {  	_ =	strace $0x8FFFFFFF  }
0x98: {  	s19 =	sld [smem:$0x3FDB];
	_ =	sdelay $0x1  }
0x99: {  	s20 =	simm.s32 $_scs_section_size  }
0x9a: {  	s4 =	simm.s32 $_size__tile_overlayer_lowered;
	s5 =	simm.s32 $_tile_overlayer_lowered  }
0x9b: {  	s6 =	simm.s32 $0x1BFF;
	s21 =	sshll.u32 s5, $0x1;
	s3 =	sadd.s32 s20, s19  }
0x9c: {  	s22 =	simm.s32 $0x0;
	s4 =	sshll.u32 s4, $0x1;
	s5 =	sadd.s32 s21, s3  }
0x9d: {  	[timem:s22], [sflag:s6] =	dma.local [hbm:s5], s4  }
0x9e: {  	_ =	swait.ge [sflag:s6], s4  }
0x9f: {  	s4 =	ssub.s32 $0x0, s4;
	[sflag:s6] =	ssyncset.done $0x0  }
0xa0: {  	[sflag:s6] =	ssyncadd.s32 s4;
	_ =	sdelay $0x1  }
0xa1: {  	s23 =	simm.s32 $0x1B8B  }
0xa2: {  	_ =	swait.ge [sflag:s23], $0x1  }
0xa3: {  	[sflag:s23] =	ssyncset.done $0x0  }
0xa4: {  	[sflag:s23] =	ssyncadd.s32 $0xFFFFFFFF  }
0xa5: {  	s4 =	sld [smem:$0x0]  }
0xa6: {  	s5 =	sand.u32 $0xFFFFFFFE, s1  }
0xa7: {  	p0 =	sne.s32 s1, s5  }
0xa8: {  	s5 =	sshll.u32 @p0 s5, $0xE  }
0xa9: {  	s5 =	sadd.s32 @p0 $0x11B8D, s5;
	s6 =	sshll.u32 @p0 s4, $0x11  }
0xaa: {  	s5 =	sor.u32 @p0 s6, s5  }
0xab: {  	[sflag:s5] =	ssyncadd.remote.s32 @p0 $0x1;
	_ =	sdelay $0x1  }
0xac: {  	s5 =	simm.s32 @p0 $0x1B8D  }
0xad: {  	_ =	swait.eq @p0 [sflag:s5], $0x1  }
0xae: {  	[sflag:s5] =	ssyncadd.s32 @p0 $0xFFFFFFFF  }
0xaf: {  	s6 =	sshll.u32 @!p0 s1, $0xE  }
0xb0: {  	s6 =	sor.u32 @!p0 $0x4000, s6;
	s5 =	simm.s32 @!p0 $0x1B8D  }
0xb1: {  	s4 =	sshll.u32 @!p0 s4, $0x11;
	s6 =	sadd.s32 @!p0 $0x11B8D, s6;
	_ =	swait.eq @!p0 [sflag:s5], $0x1  }
0xb2: {  	s4 =	sor.u32 @!p0 s4, s6;
	[sflag:s5] =	ssyncadd.s32 @!p0 $0xFFFFFFFF  }
0xb3: {  	s25 =	simm.s32 $0x1B8E;
	s24 =	sld [smem:$0x3FFE];
	[sflag:s4] =	ssyncadd.remote.s32 @!p0 $0x1  }
0xb4: {  	s26 =	simm.s32 $execute0_lowered;
	[smem:$0x3FD2] =	sst s25  }
0xb5: {  	s5 =	sshll.u32 s26, $0x1;
	_ =	strace $0x8000004C;
	[dreg:$0x1] =	wrdreg $0xFFFFFFFF  }
0xb6: {  	s28 =	simm.s32 $_size_execute0_lowered;
	s3 =	sadd.s32 s3, s5;
	[dreg:$0x0] =	wrdreg $0x0  }
0xb7: {  	s5 =	sshll.u32 s28, $0x1;
	[dreg:$0x2] =	wrdreg s3  }
0xb8: {  	[dreg:$0x3] =	wrdreg s5  }
0xb9: {  	[dreg:$0x4] =	wrdreg $0xC0  }
0xba: {  	_ =	task [dreg:s22], $0x5FFFF  }
0xbb: {  	[dreg:$0x1] =	wrdreg $0xFFFFFFFF  }
0xbc: {  	[dreg:$0x0] =	wrdreg $0x60  }
0xbd: {  	[dreg:$0x2] =	wrdreg s24  }
0xbe: {  	[dreg:$0x3] =	wrdreg $0xC5000  }
0xbf: {  	[dreg:$0x4] =	wrdreg $0x9  }
0xc0: {  	_ =	task.clear_ibuf [dreg:s22], $0x5FFFF;
	_ =	strace $0x9000004C  }
0xc1: {  	s29 =	simm.s32 $0x9;
	_ =	strace $0x8000004E  }
0xc2: {  	_ =	swait.ge [sflag:s29], $0x1  }
0xc3: {  	[sflag:s29] =	ssyncadd.s32 $0xFFFFFFFF  }
0xc4: {  	_ =	strace $0x9000004E  }
0xc5: {  	_ =	sfence  }
0xc6: {  	s30 =	sld [smem:$0x0];
	_ =	sdelay $0x2  }
0xc7: {  	s31 =	sshll.u32 s1, $0xD;
	s1 =	sshrl.u32 s1, $0x2  }
0xc8: {  	s4 =	sand.u32 $0x4000, s31;
	s1 =	sadd.s32 s1, s30  }
0xc9: {  	s0 =	sor.u32 s4, s0;
	s1 =	sshll.u32 s1, $0x11  }
0xca: {  	s0 =	sor.u32 s1, s0  }
0xcb: {  	s0 =	sadd.s32 $0x8F2B, s0  }
0xcc: {  	[sflag:s0] =	ssyncadd.remote.s32 $0x1  }
0xcd: {  	_ =	sfence.sel $0xFFFF  }
0xce: {  	[dreg:$0x0] =	wrdreg $0xFFFFFFFF;
	(pc) =	sbr.abs _section_cstart, $3  }
0xcf: {  	[dreg:$0x1] =	wrdreg $0xFFFFFFFF  }
0xd0: {  	_ =	task.clear_ibuf [dreg:s22], $0x2FFFF;
	_ =	strace $0x9FFFFFFF  }
0xd1: {  	(tm) =	ssettm $0x7FFFFFFF  }
tec
execute0_lowered:
.L_overlay_start_1:
0x0: {  	(tag) =	ssettag $0x1  }
0x1: {  	s0 =	rddreg [dreg:$0x0]  }
0x2: {  	s1 =	srdreg.scid;
	s9 =	stileid.u32  }
0x3: {  	s2 =	rddreg [dreg:$0x1];
	s6 =	smul.u32 $0x13900, s9  }
0x4: {  	s3 =	simm.s32 $0x0;
	s28 =	simm.s32 $0xB;
	s8 =	smul.u32 $0x9D00, s9  }
0x5: {  	s29 =	simm.s32 $0x9;
	s1 =	sand.u32 $0x1, s1;
	s9 =	smul.u32 $0x4E400, s9  }
0x6: {  	s30 =	simm.s32 $0x0;
	[smem:$0x7FF] =	sst s3;
	s4 =	smul.u32 $0x139000, s1  }
0x7: {  	s10 =	sadd.s32 $0xB4000, s0;
	s5 =	smul.u32 $0x9D000, s1;
	s1 =	ssub.s32 $0x2, s1  }
0x8: {  	_ =	strace $0x8000004D;
	s17 =	sshrl.u32 s1, $0x1;
	s19 =	sshrl.u32 s9, $0x2  }
0x9: {  	s9 =	sadd.s32 s6, s2;
	s7 =	sadd.s32 s6, s4;
	s8 =	sadd.s32 s8, s5  }
0xa: {  	s4 =	sadd.s32 $0x3DC00, s0;
	s1 =	ssub.s32 s1, s17;
	s18 =	sshrl.u32 s8, $0x3  }
0xb: {  	s17 =	simm.s32 $0x100;
	s7 =	sshrl.u32 s7, $0x3;
	s5 =	sadd.s32 s10, s18  }
0xc: {  	s26 =	sadd.s32 $0x400, s8;
	s15 =	smax.u32 s1, $0x1;
	s20 =	sadd.s32 $0x20, s5  }
0xd: {  	s0 =	sadd.s32 s7, s0;
	s21 =	sadd.s32 $0x40, s5;
	[dreg:$0x3] =	wrdreg s20  }
0xe: {  	s7 =	sadd.s32 s19, s2;
	s22 =	sadd.s32 $0x60, s5;
	[dreg:$0x4] =	wrdreg s21  }
0xf: {  	s31 =	sshrl.u32 s26, $0x3;
	s23 =	sadd.s32 $0x4000, s7;
	[dreg:$0x5] =	wrdreg s22  }
0x10: {  	s26 =	simm.s32 $0xA;
	s24 =	sadd.s32 $0x8000, s7;
	[dreg:$0x6] =	wrdreg s23  }
0x11: {  	s25 =	sadd.s32 $0xC000, s7;
	s7 =	sadd.s32 $0x10000, s7;
	[dreg:$0x7] =	wrdreg s24  }
0x12: {  	s14 =	sadd.s32 $0xDB400, s0;
	s0 =	sadd.s32 s31, s10;
	[dreg:$0x8] =	wrdreg s25  }
0x13: {  	[dreg:$0x9] =	wrdreg s7;
	s20 =	simm.s32 $0x500;
	s21 =	simm.s32 $0xC  }
0x14: {  	v0 =	vimm.f32 $0.0e+00;
	s22 =	simm.s32 $0x1;
	s23 =	simm.s32 $0x80;
	s24 =	simm.s32 $0x2  }
.LBB2_1:
0x15: {  	[tilespmem:s3], [sflag:$0x1] =	stream.linear.gather [hbm4b:s5+s3], $0x100, $0x38;
	[tilespmem:$0x1FE00] =	vst v63  }
0x16: {  	s1 =	rddreg [dreg:$0x3]  }
0x17: {  	s19 =	rddreg [dreg:$0x4]  }
0x18: {  	[tilespmem:s17], [sflag:$0x2] =	stream.linear.gather [hbm4b:s1+s3], $0x100, $0x38;
	[tilespmem:$0x1FE00] =	vst v63  }
0x19: {  	s6 =	simm.s32 $0x200;
	s25 =	rddreg [dreg:$0x5]  }
0x1a: {  	[tilespmem:s6], [sflag:$0x3] =	stream.linear.gather [hbm4b:s19+s3], $0x100, $0x38;
	[tilespmem:$0x1FE00] =	vst v63  }
0x1b: {  	s31 =	simm.s32 $0x300;
	s1 =	simm.s32 $0x0;
	s6 =	simm.s32 $0x200  }
0x1c: {  	[tilespmem:s31], [sflag:$0x4] =	stream.linear.gather [hbm4b:s25+s3], $0x100, $0x38;
	[tilespmem:$0x1FE00] =	vst v63  }
.LBB2_2:
0x1d: {  	p0 =	sne.s32 s6, $0xFE00;
	[tilespmem:s1+$0x570] =	vst v0  }
0x1e: {  	[tilespmem:s1+$0x500] =	vst v0  }
0x1f: {  	[tilespmem:s1+$0x510] =	vst v0  }
.Ltmp0:
0x20: {  	[tilespmem:s1+$0x520] =	vst v0;
	(pc) =	sbr.rel @p0 .LBB2_2-.Ltmp0, $4  }
0x21: {  	[tilespmem:s1+$0x530] =	vst v0  }
0x22: {  	[tilespmem:s1+$0x540] =	vst v0  }
0x23: {  	[tilespmem:s1+$0x550] =	vst v0  }
0x24: {  	[tilespmem:s1+$0x560] =	vst v0;
	s1 =	sshra.s32 s6, $0x2;
	s6 =	sadd.s32 $0x200, s6  }
0x25: {  	[tilespmem:s1+$0x570] =	vst v0  }
0x26: {  	[tilespmem:s1+$0x500] =	vst v0  }
0x27: {  	[tilespmem:s1+$0x510] =	vst v0  }
0x28: {  	[tilespmem:s1+$0x520] =	vst v0  }
0x29: {  	[tilespmem:s1+$0x530] =	vst v0  }
0x2a: {  	[tilespmem:s1+$0x540] =	vst v0  }
0x2b: {  	[tilespmem:s1+$0x550] =	vst v0  }
0x2c: {  	[tilespmem:s1+$0x560] =	vst v0  }
0x2d: {  	[spmem:s9] =	stream.linear.scatter [tilespmem:s20], [sflag:$0xC], $0x4000, $0x38;
	[tilespmem:$0x1FE00] =	vst v63  }
0x2e: {  	_ =	swait.ge [sflag:s21], $0x4000  }
0x2f: {  	[sflag:s21] =	ssyncset.done $0x0  }
0x30: {  	s6 =	simm.s32 $0x0;
	s13 =	rddreg [dreg:$0x6];
	[sflag:s21] =	ssyncadd.s32 $0xFFFFC000  }
0x31: {  	[spmem:s13] =	stream.linear.scatter [tilespmem:s20], [sflag:$0xC], $0x4000, $0x38;
	[tilespmem:$0x1FE00] =	vst v63  }
0x32: {  	s25 =	simm.s32 $0x4500;
	s31 =	simm.s32 $0x1;
	_ =	swait.ge [sflag:s21], $0x4000  }
0x33: {  	s1 =	sadd.s32 $0x20, s0;
	p0 =	por $0x0, $0x0;
	[sflag:s21] =	ssyncset.done $0x0  }
0x34: {  	s7 =	smul.u32 $0xAB, s6;
	s16 =	rddreg [dreg:$0x7];
	[sflag:s21] =	ssyncadd.s32 $0xFFFFC000  }
0x35: {  	[spmem:s16] =	stream.linear.scatter [tilespmem:s20], [sflag:$0xC], $0x4000, $0x38;
	[tilespmem:$0x1FE00] =	vst v63  }
0x36: {  	s8 =	simm.s32 @!p0 $0x2;
	p1 =	por @!p0 $0x1, $0x1;
	_ =	swait.ge [sflag:s21], $0x4000  }
0x37: {  	p2 =	por @!p0 $0x0, $0x0;
	s8 =	sand.u32 @!p0 $0xFF, s8;
	[sflag:s21] =	ssyncset.done $0x0  }
0x38: {  	p1 =	por p1, p0;
	s18 =	rddreg [dreg:$0x8];
	[sflag:s21] =	ssyncadd.s32 $0xFFFFC000  }
0x39: {  	[spmem:s18] =	stream.linear.scatter [tilespmem:s20], [sflag:$0xC], $0x4000, $0x38;
	[tilespmem:$0x1FE00] =	vst v63  }
0x3a: {  	p3 =	por p2, p0;
	s10 =	smul.u32 @!p0 $0xCD, s8;
	_ =	swait.ge [sflag:s21], $0x4000  }
0x3b: {  	s7 =	sshrl.u32 s7, $0x9;
	s8 =	smul.u32 @!p0 $0xAB, s8;
	[sflag:s21] =	ssyncset.done $0x0  }
0x3c: {  	s7 =	sand.u32 $0x7F, s7;
	s19 =	rddreg [dreg:$0x9];
	[sflag:s21] =	ssyncadd.s32 $0xFFFFC000  }
0x3d: {  	[spmem:s19] =	stream.linear.scatter [tilespmem:s20], [sflag:$0xC], $0x3900, $0x38;
	[tilespmem:$0x1FE00] =	vst v63  }
0x3e: {  	s7 =	smul.u32 $0x3, s7;
	s10 =	sshrl.u32 @!p0 s10, $0xA;
	_ =	swait.ge [sflag:s21], $0x3900  }
0x3f: {  	s8 =	sshrl.u32 @!p0 s8, $0x9;
	s16 =	simm.s32 @!p1 $0xFFFFFFFF;
	[sflag:s21] =	ssyncset.done $0x0  }
0x40: {  	s10 =	smul.u32 @!p0 $0x5, s10;
	s16 =	sand.u32 @!p1 $0xFF, s16;
	[sflag:s21] =	ssyncadd.s32 $0xFFFFC700  }
0x41: {  	s7 =	ssub.s32 $0x0, s7;
	s16 =	smul.u32 @!p1 $0xAB, s16;
	[bflag:$0x0] =	sbarrier.arrive $0xFFFF  }
0x42: {  	s8 =	smul.u32 @!p0 $0x3, s8;
	s7 =	sand.u32 $0xFF, s7;
	_ =	swait.ge [sflag:s22], $0x100  }
0x43: {  	s10 =	ssub.s32 @!p0 $0x2, s10;
	s16 =	sshrl.u32 @!p1 s16, $0x9;
	[sflag:s22] =	ssyncset.done $0x0  }
0x44: {  	s8 =	ssub.s32 @!p0 $0x2, s8;
	s16 =	smul.u32 @!p1 $0x3, s16;
	[sflag:s22] =	ssyncadd.s32 $0xFFFFFF00  }
0x45: {  	[tilespmem:s20], [sflag:$0x6] =	stream.indirect.gather [hbm4b:s4+s23], $0x80, s6, s23, $0xb8;
	[tilespmem:$0x1FE00] =	vst v63  }
0x46: {  	s12 =	sand.u32 @!p0 $0xFF, s10;
	s8 =	sand.u32 @!p0 $0xFF, s8;
	s6 =	smul.u32 $0xCD, s6  }
0x47: {  	s18 =	sadd.s32 $0x6, s7;
	s10 =	ssub.s32 @!p1 $0xFFFFFFFF, s16;
	s16 =	smov.u32 s0  }
0x48: {  	s19 =	sshll.u32 s7, $0xE;
	_ =	swait.ge [sflag:s24], $0x100;
	s6 =	sshrl.u32 s6, $0xA  }
0x49: {  	s7 =	sadd.s32 $0x9, s7;
	[sflag:s24] =	ssyncset.done $0x0;
	s6 =	sand.u32 $0x3F, s6  }
0x4a: {  	s10 =	sand.u32 @!p1 $0xFF, s10;
	[sflag:s24] =	ssyncadd.s32 $0xFFFFFF00;
	s6 =	smul.u32 $0x5, s6  }
0x4b: {  	[tilespmem:s25], [sflag:$0x7] =	stream.indirect.gather [hbm4b:s4+s23], $0x80, s17, s23, $0xb8;
	[tilespmem:$0x1FE00] =	vst v63  }
0x4c: {  	s11 =	sor.u32 $0x500, s19;
	s19 =	simm.s32 @!p3 $0x4;
	s6 =	ssub.s32 $0x0, s6  }
0x4d: {  	s25 =	sadd.s32 @!p1 $0x9, s10;
	_ =	swait.ge [sflag:s18], $0x4000;
	s6 =	sand.u32 $0xFF, s6  }
0x4e: {  	s10 =	smul.u32 @!p3 $0xCD, s19;
	[sflag:s18] =	ssyncset.done $0x0;
	s6 =	sshll.u32 s6, $0x8  }
0x4f: {  	[sflag:s18] =	ssyncadd.s32 $0xFFFFC000;
	s18 =	sadd.s32 @!p0 $0x1, s12;
	s6 =	sor.u32 $0x80, s6  }
0x50: {  	[spmem:s2] =	stream.indirect.scatter.add.f32 [tilespmem:s11], [sflag:s7], $0x80, s6, s23, $0xb8;
	[tilespmem:$0x1FE00] =	vst v63  }
0x51: {  	s7 =	sshll.u32 @!p0 s8, $0xE;
	s6 =	sadd.s32 @!p0 $0x6, s8;
	_ =	swait.ge @!p0 [sflag:s18], $0x100  }
0x52: {  	s8 =	sshll.u32 @!p0 s12, $0x8;
	s7 =	sor.u32 @!p0 $0x500, s7;
	[sflag:s18] =	ssyncset.done @!p0 $0x0  }
.LBB2_4:
0x53: {  	[sflag:s18] =	ssyncadd.s32 @!p0 $0xFFFFFF00;
	s10 =	sshrl.u32 @!p3 s10, $0xA;
	s18 =	smov.u32 s31  }
0x54: {  	s31 =	sadd.s32 $0x1, s31;
	s11 =	smov.u32 s16;
	s16 =	smov.u32 s1  }
0x55: {  	p2 =	sne.s32 s31, $0x9D;
	_ =	swait.ge @!p1 [sflag:s25], $0x4000;
	s10 =	sand.u32 @!p3 $0x3F, s10  }
0x56: {  	[sflag:s25] =	ssyncset.done @!p1 $0x0;
	s10 =	smul.u32 @!p3 $0x5, s10  }
0x57: {  	s12 =	simm.s32 @!p0 $0x80;
	[sflag:s25] =	ssyncadd.s32 @!p1 $0xFFFFC000;
	s25 =	simm.s32 @!p3 $0x0  }
0x58: {  	[tilespmem:s7], [sflag:s6] =	stream.indirect.gather @!p0 [hbm4b:s4+s12], $0x80, s8, s12, $0xb8;
	[tilespmem:$0x1FE00] =	vst v63  }
0x59: {  	p0 =	sgt.u32 s18, $0x9A  }
0x5a: {  	s1 =	sadd.s32 $0x20, s1;
	s6 =	ssub.s32 @!p3 s19, s10;
	p1 =	seq.s32 @!p0 s18, $0x0  }
0x5b: {  	s7 =	smul.u32 $0xAB, s18;
	s6 =	sand.u32 @!p3 $0xFF, s6;
	p1 =	por p1, p0  }
0x5c: {  	s8 =	sshll.u32 @!p3 s6, $0x8;
	s6 =	sadd.s32 @!p3 $0x1, s6;
	s12 =	sadd.s32 @!p1 $0xFFFFFFFF, s18  }
0x5d: {  	[tilespmem:s8], [sflag:s6] =	stream.linear.gather @!p3 [hbm4b:s11+s25], $0x100, $0x38;
	[tilespmem:$0x1FE00] =	vst v63  }
0x5e: {  	s6 =	sshrl.u32 s7, $0x9;
	s7 =	smul.u32 $0xCD, s18;
	s19 =	sand.u32 @!p1 $0xFF, s12  }
0x5f: {  	s8 =	sadd.s32 @!p0 $0x2, s18;
	s6 =	sand.u32 $0x7F, s6;
	s19 =	smul.u32 @!p1 $0xAB, s19  }
0x60: {  	s10 =	sand.u32 @!p0 $0xFF, s8;
	s6 =	smul.u32 $0x3, s6;
	s7 =	sshrl.u32 s7, $0xA  }
0x61: {  	p3 =	sgt.u32 @!p0 s18, $0x98;
	s11 =	smul.u32 @!p0 $0xCD, s10;
	s7 =	sand.u32 $0x3F, s7  }
0x62: {  	s10 =	smul.u32 @!p0 $0xAB, s10;
	s6 =	ssub.s32 s18, s6  }
0x63: {  	s7 =	smul.u32 $0x5, s7;
	s6 =	sand.u32 $0xFF, s6  }
0x64: {  	s19 =	sshrl.u32 @!p1 s19, $0x9;
	s25 =	sadd.s32 $0x6, s6;
	s13 =	sshll.u32 s6, $0xE  }
0x65: {  	s11 =	sshrl.u32 @!p0 s11, $0xA;
	s7 =	ssub.s32 s18, s7;
	_ =	swait.ge [sflag:s25], $0x4000  }
0x66: {  	s10 =	sshrl.u32 @!p0 s10, $0x9;
	s7 =	sand.u32 $0xFF, s7;
	[sflag:s25] =	ssyncset.done $0x0  }
0x67: {  	s11 =	smul.u32 @!p0 $0x5, s11;
	s13 =	sor.u32 $0x500, s13;
	[sflag:s25] =	ssyncadd.s32 $0xFFFFC000  }
0x68: {  	s10 =	smul.u32 @!p0 $0x3, s10;
	s7 =	sshll.u32 s7, $0x8  }
0x69: {  	p3 =	por p3, p0;
	s7 =	sor.u32 $0x80, s7;
	s25 =	smul.u32 @!p1 $0x3, s19  }
0x6a: {  	s6 =	sadd.s32 $0x9, s6;
	s11 =	ssub.s32 @!p0 s8, s11;
	s19 =	sadd.s32 @!p3 $0x4, s18  }
0x6b: {  	s8 =	ssub.s32 @!p0 s8, s10;
	s11 =	sand.u32 @!p0 $0xFF, s11;
	s12 =	ssub.s32 @!p1 s12, s25  }
.Ltmp1:
0x6c: {  	s18 =	sadd.s32 @!p0 $0x1, s11;
	s12 =	sand.u32 @!p1 $0xFF, s12;
	(pc) =	sbr.rel @p2 .LBB2_4-.Ltmp1, $4  }
0x6d: {  	s8 =	sand.u32 @!p0 $0xFF, s8;
	s10 =	smul.u32 @!p3 $0xCD, s19;
	s25 =	sadd.s32 @!p1 $0x9, s12  }
0x6e: {  	[spmem:s2] =	stream.indirect.scatter.add.f32 [tilespmem:s13], [sflag:s6], $0x80, s7, s23, $0xb8;
	[tilespmem:$0x1FE00] =	vst v63  }
0x6f: {  	s7 =	sshll.u32 @!p0 s8, $0xE;
	s6 =	sadd.s32 @!p0 $0x6, s8;
	_ =	swait.ge @!p0 [sflag:s18], $0x100  }
0x70: {  	s8 =	sshll.u32 @!p0 s11, $0x8;
	s7 =	sor.u32 @!p0 $0x500, s7;
	[sflag:s18] =	ssyncset.done @!p0 $0x0  }
0x71: {  	[sflag:s18] =	ssyncadd.s32 @!p0 $0xFFFFFF00  }
0x72: {  	s1 =	sshrl.u32 @!p3 s10, $0xA;
	_ =	swait.ge @!p1 [sflag:s25], $0x4000  }
0x73: {  	s1 =	sand.u32 @!p3 $0x3F, s1;
	[sflag:s25] =	ssyncset.done @!p1 $0x0  }
0x74: {  	s10 =	simm.s32 @!p0 $0x80;
	s1 =	smul.u32 @!p3 $0x5, s1;
	[sflag:s25] =	ssyncadd.s32 @!p1 $0xFFFFC000  }
0x75: {  	[tilespmem:s7], [sflag:s6] =	stream.indirect.gather @!p0 [hbm4b:s4+s10], $0x80, s8, s10, $0xb8;
	[tilespmem:$0x1FE00] =	vst v63  }
0x76: {  	s1 =	ssub.s32 @!p3 s19, s1  }
0x77: {  	s1 =	sand.u32 @!p3 $0xFF, s1  }
0x78: {  	s6 =	simm.s32 @!p3 $0x0;
	s7 =	sshll.u32 @!p3 s1, $0x8;
	s1 =	sadd.s32 @!p3 $0x1, s1  }
0x79: {  	[tilespmem:s7], [sflag:s1] =	stream.linear.gather @!p3 [hbm4b:s16+s6], $0x100, $0x38;
	[tilespmem:$0x1FE00] =	vst v63  }
0x7a: {  	_ =	swait.ge [sflag:s26], $0x4000  }
0x7b: {  	[sflag:s26] =	ssyncset.done $0x0  }
0x7c: {  	[sflag:s26] =	ssyncadd.s32 $0xFFFFC000  }
0x7d: {  	_ =	swait.ge [sflag:s28], $0x4000  }
0x7e: {  	[sflag:s28] =	ssyncset.done $0x0  }
0x7f: {  	[sflag:s28] =	ssyncadd.s32 $0xFFFFC000  }
0x80: {  	s31 =	sshrl.u32 s9, $0x3;
	_ =	swait.ge [sflag:s29], $0x4000  }
0x81: {  	s30 =	sadd.s32 $0x1, s30;
	s25 =	stileid.u32;
	[sflag:s29] =	ssyncset.done $0x0  }
0x82: {  	p0 =	sne.s32 s30, s15;
	s1 =	sshll.u32 s25, $0x6;
	[sflag:s29] =	ssyncadd.s32 $0xFFFFC000  }
.Ltmp2:
0x83: {  	s1 =	sor.u32 $0x1C0C, s1;
	[bflag:$0x0] =	sbarrier.arrive $0xFFFF;
	(pc) =	sbr.rel @p0 .LBB2_1-.Ltmp2, $4  }
0x84: {  	[hbm:s14], [sflag:s1] =	dma.local [spmem:s31], $0x2720  }
0x85: {  	_ =	swait.ge [sflag:s21], $0x2720  }
0x86: {  	[sflag:s21] =	ssyncset.done $0x0  }
0x87: {  	[sflag:s21] =	ssyncadd.s32 $0xFFFFD8E0  }
0x88: {  	_ =	sfence.sel $0x180000  }
0x89: {  	[bflag:$0x0] =	sbarrier.arrive $0xFFFF  }
0x8a: {  	_ =	strace $0x9000004D  }
0x8b: {  	s0 =	stileid.u32;
	[bflag:$0x2] =	sbarrier.arrive $0xFFFF  }
0x8c: {  	p0 =	sne.s32 s0, $0x0;
	s0 =	rddreg [dreg:$0x2]  }
0x8d: {  	s0 =	sadd.s32 @!p0 $0x100000, s0  }
0x8e: {  	[sflag:s0] =	ssyncadd.tile.s32 @!p0 $0x1;
	_ =	shalt  }
.Lfunc_end2:
_tile_overlayer_lowered:
.L_overlay_start_2:
0x8f: {  	(tag) =	ssettag $0x2  }
0x90: {  	s0 =	rddreg [dreg:$0x0];
	s2 =	stileid.u32  }
0x91: {  	s1 =	rddreg [dreg:$0x1];
	p0 =	sne.s32 s2, $0x0  }
0x92: {  	s3 =	rddreg [dreg:$0x2];
	[bflag:$0x3] =	sbarrier.arrive $0xFFFF;
	s2 =	simm.s32 @!p0 $0x1C0C  }
0x93: {  	[timem:s3], [sflag:s2] =	dma.local @!p0 [hbm:s0], s1  }
0x94: {  	s0 =	simm.s32 @!p0 $0xC  }
0x95: {  	_ =	swait.ge @!p0 [sflag:s0], s1  }
0x96: {  	s1 =	ssub.s32 @!p0 $0x0, s1;
	[sflag:s0] =	ssyncset.done @!p0 $0x0  }
0x97: {  	[sflag:s0] =	ssyncadd.s32 @!p0 s1  }
0x98: {  	[bflag:$0x3] =	sbarrier.arrive $0xFFFF  }
0x99: {  	_ =	shalt  }

// kernel: kernel.14.cloned.1.call-start
scs
__scs_entry_jumppad:
0x0: {  	(pc) =	sbr.rel $0x88, $3  }
0x1: {  	(tag) =	ssettag $0x0;
	lr =	simm.s32 $0x1  }
0x2: {  	[smem:$0x3F96] =	sst lr;
	_ =	strace $0xD0000000  }
0x3: {  	_ = 	snop  }
0x4: {  	_ = 	snop  }
0x5: {  	_ = 	snop  }
0x6: {  	_ = 	snop  }
0x7: {  	_ = 	snop  }
__scs_overlays_trampoline_lowered:
0x8: {  	[smem:$0x3FA5] =	sst s0  }
0x9: {  	[smem:$0x3FA6] =	sst s1  }
0xa: {  	[smem:$0x3FA7] =	sst s2  }
0xb: {  	[smem:$0x3FA8] =	sst s3  }
0xc: {  	[smem:$0x3FA9] =	sst s4  }
0xd: {  	[smem:$0x3FAA] =	sst s5  }
0xe: {  	[smem:$0x3FAB] =	sst s6  }
0xf: {  	[smem:$0x3FAC] =	sst s7  }
0x10: {  	[smem:$0x3FAD] =	sst s8  }
0x11: {  	[smem:$0x3FAE] =	sst s9;
	s0 =	simm.s32 @!p0 $0x0  }
0x12: {  	s1 =	sld [smem:$0x3F94];
	s0 =	simm.s32 @p0 $0x1  }
0x13: {  	[smem:$0x3FAF] =	sst s0;
	s0 =	simm.s32 @!p1 $0x0  }
0x14: {  	s2 =	sld [smem:$0x3F93];
	s0 =	simm.s32 @p1 $0x1  }
0x15: {  	[smem:$0x3FB0] =	sst s0;
	s0 =	simm.s32 @!p2 $0x0  }
0x16: {  	s3 =	sld [smem:$0x3FDB];
	s0 =	simm.s32 @p2 $0x1  }
0x17: {  	s4 =	simm.s32 $0x1BF5;
	[smem:$0x3FB2] =	sst s0  }
0x18: {  	s0 =	sld [smem:$0x3F95];
	_ =	swait.ge [sflag:s4], $0x0  }
0x19: {  	s7 =	sld [smem:$0x3F96]  }
0x1a: {  	s8 =	sadd.s32 $0xFFFFE003, lr  }
0x1b: {  	s9 =	sadd.s32 $0xFFFFFEF7, lr;
	s5 =	simm.s32 $0xFFFFFFFF;
	p2 =	slt.u32 s8, $0xFFFFF086  }
0x1c: {  	p1 =	slt.u32 s9, $0xF7A;
	s5 =	simm.s32 @!p2 $0x0  }
0x1d: {  	s5 =	simm.s32 @p1 $0x1;
	p0 =	seq.s32 s7, s2  }
0x1e: {  	s7 =	smul.u32 @!p0 $0xF7A, s2;
	p2 =	seq.s32 @!p0 s5, $0x0  }
0x1f: {  	s9 =	smul.u32 $0xF7A, s1;
	s8 =	simm.s32 @!p0 $0x1BF5;
	p2 =	por !p2, p0  }
0x20: {  	[sflag:s8] =	ssyncset.s32 @!p0 $0xFFFFF086;
	s6 =	sadd.s32 @!p0 s3, s7;
	s7 =	simm.s32 @!p0 $0x108  }
0x21: {  	s3 =	sadd.s32 s3, s9;
	s6 =	sadd.s32 @!p0 $0x88, s6;
	s7 =	simm.s32 @p2 $0x1082  }
0x22: {  	[simem:s7], [sflag:s8] =	dma.local @!p0 [hbm:s6], $0xF7A  }
0x23: {  	s9 =	sor.u32 $0xD0000000, s2;
	s6 =	simm.s32 $0x108;
	_ =	swait.ge @!p0 [sflag:s8], $0x0  }
0x24: {  	s3 =	sadd.s32 $0x88, s3;
	s6 =	simm.s32 @!p1 $0x1082;
	[sflag:s4] =	ssyncset.s32 $0xFFFFF086  }
0x25: {  	[simem:s6], [sflag:s4] =	dma.local [hbm:s3], $0xF7A  }
0x26: {  	[smem:$0x3F96] =	sst s1;
	(tag) =	ssettag s2;
	_ =	strace s9  }
0x27: {  	s1 =	sld [smem:$0x3FA6]  }
0x28: {  	s2 =	sld [smem:$0x3FA7]  }
0x29: {  	s4 =	sld [smem:$0x3FA9]  }
0x2a: {  	p0 =	seq.s32 s5, $0x0;
	s5 =	sld [smem:$0x3FAA]  }
0x2b: {  	s6 =	sld [smem:$0x3FAB]  }
0x2c: {  	s7 =	sld [smem:$0x3FAC]  }
0x2d: {  	s3 =	simm.s32 $0x108;
	s8 =	sld [smem:$0x3FAD]  }
0x2e: {  	s3 =	simm.s32 @!p0 $0x1082;
	s9 =	sld [smem:$0x3FAE]  }
0x2f: {  	lr =	sadd.s32 s0, s3;
	s0 =	sld [smem:$0x3FA5]  }
0x30: {  	s3 =	sld [smem:$0x3FA8]  }
0x31: {  	[smem:$0x3FB1] =	sst s10  }
0x32: {  	s10 =	sld [smem:$0x3FAF];
	_ =	sdelay $0x3  }
0x33: {  	p0 =	seq.s32 s10, $0x1;
	s10 =	sld [smem:$0x3FB1];
	_ =	sdelay $0x3  }
0x34: {  	[smem:$0x3FB1] =	sst s10  }
0x35: {  	s10 =	sld [smem:$0x3FB0];
	_ =	sdelay $0x3  }
0x36: {  	p1 =	seq.s32 s10, $0x1;
	s10 =	sld [smem:$0x3FB1];
	_ =	sdelay $0x3  }
0x37: {  	[smem:$0x3FB1] =	sst s10  }
0x38: {  	s10 =	sld [smem:$0x3FB2]  }
0x39: {  	_ = 	snop;
	(pc) =	sbr.ind lr, $3  }
0x3a: {  	_ = 	snop  }
0x3b: {  	_ = 	snop  }
0x3c: {  	p2 =	seq.s32 s10, $0x1;
	s10 =	sld [smem:$0x3FB1]  }
0x3d: {  	_ =	shalt  }
0x3e: {  	_ =	shalt  }
0x3f: {  	_ =	shalt  }
0x40: {  	_ =	shalt  }
0x41: {  	_ =	shalt  }
0x42: {  	_ =	shalt  }
0x43: {  	_ =	shalt  }
0x44: {  	_ =	shalt  }
0x45: {  	_ =	shalt  }
0x46: {  	_ =	shalt  }
0x47: {  	_ =	shalt  }
0x48: {  	_ =	shalt  }
0x49: {  	_ =	shalt  }
0x4a: {  	_ =	shalt  }
0x4b: {  	_ =	shalt  }
0x4c: {  	_ =	shalt  }
0x4d: {  	_ =	shalt  }
0x4e: {  	_ =	shalt  }
0x4f: {  	_ =	shalt  }
0x50: {  	_ =	shalt  }
0x51: {  	_ =	shalt  }
0x52: {  	_ =	shalt  }
0x53: {  	_ =	shalt  }
0x54: {  	_ =	shalt  }
0x55: {  	_ =	shalt  }
0x56: {  	_ =	shalt  }
0x57: {  	_ =	shalt  }
0x58: {  	_ =	shalt  }
0x59: {  	_ =	shalt  }
0x5a: {  	_ =	shalt  }
0x5b: {  	_ =	shalt  }
0x5c: {  	_ =	shalt  }
0x5d: {  	_ =	shalt  }
0x5e: {  	_ =	shalt  }
0x5f: {  	_ =	shalt  }
0x60: {  	_ =	shalt  }
0x61: {  	_ =	shalt  }
0x62: {  	_ =	shalt  }
0x63: {  	_ =	shalt  }
0x64: {  	_ =	shalt  }
0x65: {  	_ =	shalt  }
0x66: {  	_ =	shalt  }
0x67: {  	_ =	shalt  }
0x68: {  	_ =	shalt  }
0x69: {  	_ =	shalt  }
0x6a: {  	_ =	shalt  }
0x6b: {  	_ =	shalt  }
0x6c: {  	_ =	shalt  }
0x6d: {  	_ =	shalt  }
0x6e: {  	_ =	shalt  }
0x6f: {  	_ =	shalt  }
0x70: {  	_ =	shalt  }
0x71: {  	_ =	shalt  }
0x72: {  	_ =	shalt  }
0x73: {  	_ =	shalt  }
0x74: {  	_ =	shalt  }
0x75: {  	_ =	shalt  }
0x76: {  	_ =	shalt  }
0x77: {  	_ =	shalt  }
0x78: {  	_ =	shalt  }
0x79: {  	_ =	shalt  }
0x7a: {  	_ =	shalt  }
0x7b: {  	_ =	shalt  }
0x7c: {  	_ =	shalt  }
0x7d: {  	_ =	shalt  }
0x7e: {  	_ =	shalt  }
0x7f: {  	_ =	shalt  }
0x80: {  	_ =	shalt  }
0x81: {  	_ =	shalt  }
0x82: {  	_ =	shalt  }
0x83: {  	_ =	shalt  }
0x84: {  	_ =	shalt  }
0x85: {  	_ =	shalt  }
0x86: {  	_ =	shalt  }
0x87: {  	_ =	shalt  }
.Lfunc_end0:
.L_simem_size_0:
called_computation.2_lowered:
.L_overlay_start_0:
0x88: {  	s2 =	sld [smem:$0x3FD9]  }
0x89: {  	s3 =	sld [smem:$0x3FFE];
	_ =	sdelay $0x1  }
0x8a: {  	s1 =	srdreg.scid  }
0x8b: {  	s0 =	sand.u32 $0x1, s1  }
0x8c: {  	s17 =	sshll.u32 s0, $0xA;
	s2 =	sadd.s32 s3, s2  }
0x8d: {  	s2 =	sadd.s32 s2, s17  }
0x8e: {  	[smem:$0x3FBD] =	sst s2  }
0x8f: {  	_ = 	snop  }
0x90: {  	s2 =	sld [smem:$0x3FD0];
	(tm) =	ssettm $0x1  }
0x91: {  	s18 =	sld [smem:$0x3FFB];
	_ =	sdelay $0x3  }
0x92: {  	_ =	strace s18  }
0x93: {  	s3 =	sld [smem:$0x3FFC];
	_ =	sdelay $0x3  }
0x94: {  	_ =	strace s3  }
0x95: {  	s3 =	sld [smem:$0x3FFD];
	_ =	sdelay $0x3  }
0x96: {  	_ =	strace s3  }
0x97: {  	_ =	strace $0x8FFFFFFF  }
0x98: {  	s19 =	sld [smem:$0x3FDB];
	_ =	sdelay $0x1  }
0x99: {  	s4 =	simm.s32 $_scs_section_size  }
0x9a: {  	s5 =	simm.s32 $_size__tile_overlayer_lowered;
	s6 =	simm.s32 $_tile_overlayer_lowered  }
0x9b: {  	s22 =	simm.s32 $0x1BFF;
	s21 =	sshll.u32 s6, $0x1;
	s3 =	sadd.s32 s4, s19  }
0x9c: {  	s7 =	simm.s32 $0x0;
	s20 =	sshll.u32 s5, $0x1;
	s5 =	sadd.s32 s21, s3  }
0x9d: {  	[timem:s7], [sflag:s22] =	dma.local [hbm:s5], s20  }
0x9e: {  	_ =	swait.ge [sflag:s22], s20  }
0x9f: {  	s4 =	ssub.s32 $0x0, s20;
	[sflag:s22] =	ssyncset.done $0x0  }
0xa0: {  	[sflag:s22] =	ssyncadd.s32 s4;
	_ =	sdelay $0x1  }
0xa1: {  	s23 =	simm.s32 $0x1B8B  }
0xa2: {  	_ =	swait.ge [sflag:s23], $0x1  }
0xa3: {  	[sflag:s23] =	ssyncset.done $0x0  }
0xa4: {  	s25 =	simm.s32 $0x1B8E;
	s24 =	sld [smem:$0x3FFE];
	[sflag:s23] =	ssyncadd.s32 $0xFFFFFFFF  }
0xa5: {  	s26 =	simm.s32 $execute0_lowered;
	[smem:$0x3FD2] =	sst s25  }
0xa6: {  	s5 =	sshll.u32 s26, $0x1;
	_ =	strace $0x80000049;
	[dreg:$0x1] =	wrdreg $0xFFFFFFFF  }
0xa7: {  	s28 =	simm.s32 $_size_execute0_lowered;
	s3 =	sadd.s32 s3, s5;
	[dreg:$0x0] =	wrdreg $0x0  }
0xa8: {  	s5 =	sshll.u32 s28, $0x1;
	[dreg:$0x2] =	wrdreg s3  }
0xa9: {  	[dreg:$0x3] =	wrdreg s5  }
0xaa: {  	[dreg:$0x4] =	wrdreg $0xC0  }
0xab: {  	_ =	task [dreg:s7], $0x5FFFF  }
0xac: {  	[dreg:$0x1] =	wrdreg $0xFFFFFFFF  }
0xad: {  	[dreg:$0x0] =	wrdreg $0x60  }
0xae: {  	[dreg:$0x2] =	wrdreg s24  }
0xaf: {  	[dreg:$0x3] =	wrdreg s2  }
0xb0: {  	[dreg:$0x4] =	wrdreg $0x10D400  }
0xb1: {  	[dreg:$0x5] =	wrdreg $0xA  }
0xb2: {  	_ =	task.clear_ibuf [dreg:s7], $0x6FFFF;
	_ =	strace $0x90000049  }
0xb3: {  	s29 =	simm.s32 $0xA;
	_ =	strace $0x8000004B  }
0xb4: {  	_ =	swait.ge [sflag:s29], $0x1  }
0xb5: {  	[sflag:s29] =	ssyncadd.s32 $0xFFFFFFFF  }
0xb6: {  	_ =	strace $0x9000004B  }
0xb7: {  	_ =	sfence  }
0xb8: {  	s30 =	sld [smem:$0x0];
	_ =	sdelay $0x2  }
0xb9: {  	s31 =	sshll.u32 s1, $0xD;
	s1 =	sshrl.u32 s1, $0x2  }
0xba: {  	s3 =	sand.u32 $0x4000, s31;
	s1 =	sadd.s32 s1, s30  }
0xbb: {  	s0 =	sor.u32 s3, s0;
	s1 =	sshll.u32 s1, $0x11  }
0xbc: {  	s0 =	sor.u32 s1, s0  }
0xbd: {  	s0 =	sadd.s32 $0x8F2B, s0  }
0xbe: {  	[sflag:s0] =	ssyncadd.remote.s32 $0x1  }
0xbf: {  	_ =	sfence.sel $0xFFFF  }
0xc0: {  	[dreg:$0x0] =	wrdreg $0xFFFFFFFF;
	(pc) =	sbr.abs _section_cstart, $3  }
0xc1: {  	[dreg:$0x1] =	wrdreg $0xFFFFFFFF  }
0xc2: {  	_ =	task.clear_ibuf [dreg:s7], $0x2FFFF;
	_ =	strace $0x9FFFFFFF  }
0xc3: {  	(tm) =	ssettm $0x7FFFFFFF  }
tec
execute0_lowered:
.L_overlay_start_1:
0x0: {  	(tag) =	ssettag $0x1  }
0x1: {  	s5 =	rddreg [dreg:$0x0]  }
0x2: {  	s2 =	rddreg [dreg:$0x1]  }
0x3: {  	s3 =	rddreg [dreg:$0x2]  }
0x4: {  	s0 =	srdreg.scid;
	s1 =	rddreg [dreg:$0x3]  }
0x5: {  	s4 =	simm.s32 $0x0;
	s15 =	simm.s32 $0x3;
	s6 =	sand.u32 $0x1, s0  }
0x6: {  	s16 =	simm.s32 $0x4E80;
	s0 =	stileid.u32;
	s7 =	smul.u32 $0x9D000, s6  }
0x7: {  	s17 =	simm.s32 $0x9D00;
	s18 =	simm.s32 $0xC420;
	s8 =	smul.u32 $0x9D00, s0  }
0x8: {  	s19 =	simm.s32 $0xED40;
	s20 =	simm.s32 $0x80;
	s9 =	smul.u32 $0xA000, s0  }
0x9: {  	s21 =	simm.s32 $0x2;
	s22 =	simm.s32 $0x1;
	s31 =	smul.u32 $0xA0000, s6  }
0xa: {  	[smem:$0x7FF] =	sst s4;
	s10 =	smul.u32 $0x4E4, s6;
	s6 =	ssub.s32 $0x2, s6  }
0xb: {  	s23 =	simm.s32 $0x0;
	_ =	strace $0x8000004A;
	s11 =	sshrl.u32 s6, $0x1  }
0xc: {  	s7 =	sadd.s32 s8, s7;
	s8 =	sadd.s32 s9, s31;
	s10 =	sadd.s32 s10, s5  }
0xd: {  	s14 =	ssub.s32 s6, s11;
	s7 =	sshrl.u32 s7, $0x3;
	s8 =	sshrl.u32 s8, $0x3  }
0xe: {  	s14 =	smax.u32 s14, $0x1;
	s7 =	sadd.s32 s7, s5;
	s13 =	sadd.s32 s8, s5  }
0xf: {  	s8 =	sadd.s32 s9, s3;
	s5 =	sadd.s32 $0x16800, s7;
	s6 =	sadd.s32 $0x171D0, s7  }
0x10: {  	s7 =	sadd.s32 $0x2400, s10;
	s9 =	sadd.s32 $0x2000, s8;
	s10 =	sadd.s32 $0x4000, s8  }
0x11: {  	v0 =	vimm.f32 $0.0e+00;
	s11 =	sadd.s32 $0x6000, s8;
	s12 =	sadd.s32 $0x8000, s8;
	s13 =	sadd.s32 $0x8C000, s13  }
.LBB2_1:
0x12: {  	[tilespmem:s4], [sflag:$0x3] =	stream.linear.gather [hbm4b:s5+s4], $0x4E80, $0x38;
	[tilespmem:$0x1AD40] =	vst v63  }
0x13: {  	_ =	swait.ge [sflag:s15], $0x4E80  }
0x14: {  	[sflag:s15] =	ssyncset.done $0x0  }
0x15: {  	[sflag:s15] =	ssyncadd.s32 $0xFFFFB180  }
0x16: {  	[tilespmem:s16], [sflag:$0x3] =	stream.linear.gather [hbm4b:s6+s4], $0x4E80, $0x38;
	[tilespmem:$0x1AD40] =	vst v63  }
0x17: {  	_ =	swait.ge [sflag:s15], $0x4E80  }
0x18: {  	[sflag:s15] =	ssyncset.done $0x0  }
0x19: {  	[sflag:s15] =	ssyncadd.s32 $0xFFFFB180  }
0x1a: {  	[tilespmem:s17], [sflag:$0x3] =	stream.linear.gather [hbm4b:s7+s4], $0x2720, $0x38;
	[tilespmem:$0x1AD40] =	vst v63  }
0x1b: {  	_ =	swait.ge [sflag:s15], $0x2720  }
0x1c: {  	[sflag:s15] =	ssyncset.done $0x0  }
0x1d: {  	[sflag:s15] =	ssyncadd.s32 $0xFFFFD8E0  }
0x1e: {  	[tilespmem:s18], [sflag:$0x3] =	stream.linear.gather [hbm4b:s2+s4], $0x2720, $0x38;
	[tilespmem:$0x1AD40] =	vst v63  }
0x1f: {  	_ =	swait.ge [sflag:s15], $0x2720  }
0x20: {  	[sflag:s15] =	ssyncset.done $0x0  }
0x21: {  	s24 =	simm.s32 $0x40;
	s25 =	simm.s32 $0x0;
	[sflag:s15] =	ssyncadd.s32 $0xFFFFD8E0  }
.LBB2_2:
0x22: {  	p0 =	sne.s32 s24, $0x7FC0;
	[tilespmem:s25+$0xED40] =	vst v0;
	s25 =	smov.u32 s24;
	s24 =	sadd.s32 $0x40, s24  }
.Ltmp0:
0x23: {  	(pc) =	sbr.rel @p0 .LBB2_2-.Ltmp0, $2  }
0x24: {  	_ =	sdelay $0x2  }
0x25: {  	s25 =	sshra.s32 s25, $0x2  }
0x26: {  	[tilespmem:s25+$0xED40] =	vst v0  }
0x27: {  	[spmem:s8] =	stream.linear.scatter [tilespmem:s19], [sflag:$0x3], $0x2000, $0x38;
	[tilespmem:$0x1AD40] =	vst v63  }
0x28: {  	_ =	swait.ge [sflag:s15], $0x2000  }
0x29: {  	[sflag:s15] =	ssyncset.done $0x0  }
0x2a: {  	[sflag:s15] =	ssyncadd.s32 $0xFFFFE000  }
0x2b: {  	[spmem:s9] =	stream.linear.scatter [tilespmem:s19], [sflag:$0x3], $0x2000, $0x38;
	[tilespmem:$0x1AD40] =	vst v63  }
0x2c: {  	_ =	swait.ge [sflag:s15], $0x2000  }
0x2d: {  	[sflag:s15] =	ssyncset.done $0x0  }
0x2e: {  	[sflag:s15] =	ssyncadd.s32 $0xFFFFE000  }
0x2f: {  	[spmem:s10] =	stream.linear.scatter [tilespmem:s19], [sflag:$0x3], $0x2000, $0x38;
	[tilespmem:$0x1AD40] =	vst v63  }
0x30: {  	_ =	swait.ge [sflag:s15], $0x2000  }
0x31: {  	[sflag:s15] =	ssyncset.done $0x0  }
0x32: {  	[sflag:s15] =	ssyncadd.s32 $0xFFFFE000  }
0x33: {  	[spmem:s11] =	stream.linear.scatter [tilespmem:s19], [sflag:$0x3], $0x2000, $0x38;
	[tilespmem:$0x1AD40] =	vst v63  }
0x34: {  	_ =	swait.ge [sflag:s15], $0x2000  }
0x35: {  	[sflag:s15] =	ssyncset.done $0x0  }
0x36: {  	[sflag:s15] =	ssyncadd.s32 $0xFFFFE000  }
0x37: {  	[spmem:s12] =	stream.linear.scatter [tilespmem:s19], [sflag:$0x3], $0x2000, $0x38;
	[tilespmem:$0x1AD40] =	vst v63  }
0x38: {  	_ =	swait.ge [sflag:s15], $0x2000  }
0x39: {  	[sflag:s15] =	ssyncset.done $0x0  }
0x3a: {  	s24 =	simm.s32 $0x0;
	[sflag:s15] =	ssyncadd.s32 $0xFFFFE000  }
0x3b: {  	s25 =	simm.s32 $0x4EC0;
	s26 =	simm.s32 $0x40;
	[bflag:$0x0] =	sbarrier.arrive $0xFFFF  }
.LBB2_4:
0x3c: {  	s28 =	sand.u32 $0x1, s24;
	p0 =	slt.u32 s24, $0x2  }
0x3d: {  	s29 =	sadd.s32 @!p0 $0x1, s28  }
0x3e: {  	_ =	swait.ge @!p0 [sflag:s29], $0x80  }
0x3f: {  	[sflag:s29] =	ssyncset.done @!p0 $0x0  }
0x40: {  	[sflag:s29] =	ssyncadd.s32 @!p0 $0xFFFFFF80  }
0x41: {  	v1 =	vld [tilespmem:s26+$0xFFFFFFC0];
	_ =	sdelay $0x7  }
0x42: {  	v2 =	vld.idx.msk [tilespmem:v1+s18+$0x0], $0xffff  }
0x43: {  	v3 =	vld [tilespmem:s25+$0xFFFFFFC0]  }
0x44: {  	v1 =	vld.idx.msk [tilespmem:v1+s17+$0x0], $0xffff;
	_ =	sdelay $0x2  }
0x45: {  	v2 =	vmul.u32 $0x2720, v2  }
0x46: {  	s29 =	sshll.u32 s28, $0x7  }
0x47: {  	[tilespmem:s29+$0xEC40] =	vst v1;
	v2 =	vadd.s32 v3, v2  }
0x48: {  	[tilespmem:s29+$0xEB40] =	vst v2  }
0x49: {  	v1 =	vld [tilespmem:s26+$0xFFFFFFD0];
	_ =	sdelay $0x7  }
0x4a: {  	v2 =	vld.idx.msk [tilespmem:v1+s18+$0x0], $0xffff  }
0x4b: {  	v3 =	vld [tilespmem:s25+$0xFFFFFFD0]  }
0x4c: {  	v1 =	vld.idx.msk [tilespmem:v1+s17+$0x0], $0xffff;
	_ =	sdelay $0x2  }
0x4d: {  	v2 =	vmul.u32 $0x2720, v2;
	_ =	sdelay $0x1  }
0x4e: {  	[tilespmem:s29+$0xEC50] =	vst v1;
	v2 =	vadd.s32 v3, v2  }
0x4f: {  	[tilespmem:s29+$0xEB50] =	vst v2  }
0x50: {  	v1 =	vld [tilespmem:s26+$0xFFFFFFE0];
	_ =	sdelay $0x7  }
0x51: {  	v2 =	vld.idx.msk [tilespmem:v1+s18+$0x0], $0xffff  }
0x52: {  	v3 =	vld [tilespmem:s25+$0xFFFFFFE0]  }
0x53: {  	v1 =	vld.idx.msk [tilespmem:v1+s17+$0x0], $0xffff;
	_ =	sdelay $0x2  }
0x54: {  	v2 =	vmul.u32 $0x2720, v2;
	_ =	sdelay $0x1  }
0x55: {  	[tilespmem:s29+$0xEC60] =	vst v1;
	v2 =	vadd.s32 v3, v2  }
0x56: {  	[tilespmem:s29+$0xEB60] =	vst v2  }
0x57: {  	v1 =	vld [tilespmem:s26+$0xFFFFFFF0];
	_ =	sdelay $0x7  }
0x58: {  	v2 =	vld.idx.msk [tilespmem:v1+s18+$0x0], $0xffff  }
0x59: {  	v3 =	vld [tilespmem:s25+$0xFFFFFFF0]  }
0x5a: {  	v1 =	vld.idx.msk [tilespmem:v1+s17+$0x0], $0xffff;
	_ =	sdelay $0x2  }
0x5b: {  	v2 =	vmul.u32 $0x2720, v2;
	_ =	sdelay $0x1  }
0x5c: {  	[tilespmem:s29+$0xEC70] =	vst v1;
	v2 =	vadd.s32 v3, v2  }
0x5d: {  	[tilespmem:s29+$0xEB70] =	vst v2  }
0x5e: {  	v1 =	vld [tilespmem:s26+$0x0];
	_ =	sdelay $0x7  }
0x5f: {  	v2 =	vld.idx.msk [tilespmem:v1+s18+$0x0], $0xffff  }
0x60: {  	v3 =	vld [tilespmem:s25+$0x0]  }
0x61: {  	v1 =	vld.idx.msk [tilespmem:v1+s17+$0x0], $0xffff;
	_ =	sdelay $0x2  }
0x62: {  	v2 =	vmul.u32 $0x2720, v2;
	_ =	sdelay $0x1  }
0x63: {  	[tilespmem:s29+$0xEC80] =	vst v1;
	v2 =	vadd.s32 v3, v2  }
0x64: {  	[tilespmem:s29+$0xEB80] =	vst v2  }
0x65: {  	v1 =	vld [tilespmem:s26+$0x10];
	_ =	sdelay $0x7  }
0x66: {  	v2 =	vld.idx.msk [tilespmem:v1+s18+$0x0], $0xffff  }
0x67: {  	v3 =	vld [tilespmem:s25+$0x10]  }
0x68: {  	v1 =	vld.idx.msk [tilespmem:v1+s17+$0x0], $0xffff;
	_ =	sdelay $0x2  }
0x69: {  	v2 =	vmul.u32 $0x2720, v2;
	_ =	sdelay $0x1  }
0x6a: {  	[tilespmem:s29+$0xEC90] =	vst v1;
	v2 =	vadd.s32 v3, v2  }
0x6b: {  	[tilespmem:s29+$0xEB90] =	vst v2  }
0x6c: {  	v1 =	vld [tilespmem:s26+$0x20];
	_ =	sdelay $0x7  }
0x6d: {  	v2 =	vld.idx.msk [tilespmem:v1+s18+$0x0], $0xffff  }
0x6e: {  	v3 =	vld [tilespmem:s25+$0x20]  }
0x6f: {  	v1 =	vld.idx.msk [tilespmem:v1+s17+$0x0], $0xffff;
	_ =	sdelay $0x2  }
0x70: {  	v2 =	vmul.u32 $0x2720, v2;
	_ =	sdelay $0x1  }
0x71: {  	[tilespmem:s29+$0xECA0] =	vst v1;
	v2 =	vadd.s32 v3, v2  }
0x72: {  	[tilespmem:s29+$0xEBA0] =	vst v2  }
0x73: {  	v1 =	vld [tilespmem:s26+$0x30];
	_ =	sdelay $0x7  }
0x74: {  	v2 =	vld.idx.msk [tilespmem:v1+s18+$0x0], $0xffff  }
0x75: {  	v3 =	vld [tilespmem:s25+$0x30]  }
0x76: {  	v1 =	vld.idx.msk [tilespmem:v1+s17+$0x0], $0xffff  }
0x77: {  	s24 =	sadd.s32 $0x1, s24  }
0x78: {  	p0 =	sne.s32 s24, $0x9D  }
.Ltmp1:
0x79: {  	v2 =	vmul.u32 $0x2720, v2;
	(pc) =	sbr.rel @p0 .LBB2_4-.Ltmp1, $4  }
0x7a: {  	_ = 	snop  }
0x7b: {  	s28 =	sadd.s32 $0x1, s28;
	s30 =	sor.u32 $0xEB40, s29;
	[tilespmem:s29+$0xECB0] =	vst v1;
	v2 =	vadd.s32 v3, v2  }
0x7c: {  	s31 =	sor.u32 $0xEC40, s29;
	s25 =	sadd.s32 $0x80, s25;
	s26 =	sadd.s32 $0x80, s26;
	[tilespmem:s29+$0xEBB0] =	vst v2  }
0x7d: {  	[spmem:s3] =	stream.indirect.scatter.add.f32 [tilespmem:s31], [sflag:s28], $0x1, s30, s20, $0xb8;
	[tilespmem:$0x1AD40] =	vst v63  }
0x7e: {  	_ =	swait.ge [sflag:s21], $0x80  }
0x7f: {  	[sflag:s21] =	ssyncset.done $0x0  }
0x80: {  	[sflag:s21] =	ssyncadd.s32 $0xFFFFFF80  }
0x81: {  	_ =	swait.ge [sflag:s22], $0x80  }
0x82: {  	s24 =	sshll.u32 s0, $0x6;
	s23 =	sadd.s32 $0x1, s23;
	[sflag:s22] =	ssyncset.done $0x0  }
0x83: {  	s25 =	sshrl.u32 s8, $0x3;
	p0 =	sne.s32 s23, s14;
	[sflag:s22] =	ssyncadd.s32 $0xFFFFFF80  }
.Ltmp2:
0x84: {  	s24 =	sor.u32 $0x1C03, s24;
	[bflag:$0x0] =	sbarrier.arrive $0xFFFF;
	(pc) =	sbr.rel @p0 .LBB2_1-.Ltmp2, $4  }
0x85: {  	[hbm:s13], [sflag:s24] =	dma.local [spmem:s25], $0x1400  }
0x86: {  	_ =	swait.ge [sflag:s15], $0x1400  }
0x87: {  	[sflag:s15] =	ssyncset.done $0x0  }
0x88: {  	[sflag:s15] =	ssyncadd.s32 $0xFFFFEC00  }
0x89: {  	_ =	sfence.sel $0x180000  }
0x8a: {  	[bflag:$0x0] =	sbarrier.arrive $0xFFFF  }
0x8b: {  	p0 =	sne.s32 s0, $0x0;
	_ =	strace $0x9000004A  }
0x8c: {  	s0 =	sadd.s32 @!p0 $0x100000, s1;
	[bflag:$0x2] =	sbarrier.arrive $0xFFFF  }
0x8d: {  	[sflag:s0] =	ssyncadd.tile.s32 @!p0 $0x1;
	_ =	shalt  }
.Lfunc_end2:
_tile_overlayer_lowered:
.L_overlay_start_2:
0x8e: {  	(tag) =	ssettag $0x2  }
0x8f: {  	s0 =	rddreg [dreg:$0x0];
	s2 =	stileid.u32  }
0x90: {  	s1 =	rddreg [dreg:$0x1];
	p0 =	sne.s32 s2, $0x0  }
0x91: {  	s3 =	rddreg [dreg:$0x2];
	[bflag:$0x3] =	sbarrier.arrive $0xFFFF;
	s2 =	simm.s32 @!p0 $0x1C03  }
0x92: {  	[timem:s3], [sflag:s2] =	dma.local @!p0 [hbm:s0], s1  }
0x93: {  	s0 =	simm.s32 @!p0 $0x3  }
0x94: {  	_ =	swait.ge @!p0 [sflag:s0], s1  }
0x95: {  	s1 =	ssub.s32 @!p0 $0x0, s1;
	[sflag:s0] =	ssyncset.done @!p0 $0x0  }
0x96: {  	[sflag:s0] =	ssyncadd.s32 @!p0 s1  }
0x97: {  	[bflag:$0x3] =	sbarrier.arrive $0xFFFF  }
0x98: {  	_ =	shalt  }

// kernel: kernel.8.cloned.1.call-start
scs
__scs_entry_jumppad:
0x0: {  	(pc) =	sbr.rel $0x88, $3  }
0x1: {  	(tag) =	ssettag $0x0;
	lr =	simm.s32 $0x1  }
0x2: {  	[smem:$0x3F96] =	sst lr;
	_ =	strace $0xD0000000  }
0x3: {  	_ = 	snop  }
0x4: {  	_ = 	snop  }
0x5: {  	_ = 	snop  }
0x6: {  	_ = 	snop  }
0x7: {  	_ = 	snop  }
__scs_overlays_trampoline_lowered:
0x8: {  	[smem:$0x3FA5] =	sst s0  }
0x9: {  	[smem:$0x3FA6] =	sst s1  }
0xa: {  	[smem:$0x3FA7] =	sst s2  }
0xb: {  	[smem:$0x3FA8] =	sst s3  }
0xc: {  	[smem:$0x3FA9] =	sst s4  }
0xd: {  	[smem:$0x3FAA] =	sst s5  }
0xe: {  	[smem:$0x3FAB] =	sst s6  }
0xf: {  	[smem:$0x3FAC] =	sst s7  }
0x10: {  	[smem:$0x3FAD] =	sst s8  }
0x11: {  	[smem:$0x3FAE] =	sst s9;
	s0 =	simm.s32 @!p0 $0x0  }
0x12: {  	s1 =	sld [smem:$0x3F94];
	s0 =	simm.s32 @p0 $0x1  }
0x13: {  	[smem:$0x3FAF] =	sst s0;
	s0 =	simm.s32 @!p1 $0x0  }
0x14: {  	s2 =	sld [smem:$0x3F93];
	s0 =	simm.s32 @p1 $0x1  }
0x15: {  	[smem:$0x3FB0] =	sst s0;
	s0 =	simm.s32 @!p2 $0x0  }
0x16: {  	s3 =	sld [smem:$0x3FDB];
	s0 =	simm.s32 @p2 $0x1  }
0x17: {  	s4 =	simm.s32 $0x1BF5;
	[smem:$0x3FB2] =	sst s0  }
0x18: {  	s0 =	sld [smem:$0x3F95];
	_ =	swait.ge [sflag:s4], $0x0  }
0x19: {  	s7 =	sld [smem:$0x3F96]  }
0x1a: {  	s8 =	sadd.s32 $0xFFFFE003, lr  }
0x1b: {  	s9 =	sadd.s32 $0xFFFFFEF7, lr;
	s5 =	simm.s32 $0xFFFFFFFF;
	p2 =	slt.u32 s8, $0xFFFFF086  }
0x1c: {  	p1 =	slt.u32 s9, $0xF7A;
	s5 =	simm.s32 @!p2 $0x0  }
0x1d: {  	s5 =	simm.s32 @p1 $0x1;
	p0 =	seq.s32 s7, s2  }
0x1e: {  	s7 =	smul.u32 @!p0 $0xF7A, s2;
	p2 =	seq.s32 @!p0 s5, $0x0  }
0x1f: {  	s9 =	smul.u32 $0xF7A, s1;
	s8 =	simm.s32 @!p0 $0x1BF5;
	p2 =	por !p2, p0  }
0x20: {  	[sflag:s8] =	ssyncset.s32 @!p0 $0xFFFFF086;
	s6 =	sadd.s32 @!p0 s3, s7;
	s7 =	simm.s32 @!p0 $0x108  }
0x21: {  	s3 =	sadd.s32 s3, s9;
	s6 =	sadd.s32 @!p0 $0x88, s6;
	s7 =	simm.s32 @p2 $0x1082  }
0x22: {  	[simem:s7], [sflag:s8] =	dma.local @!p0 [hbm:s6], $0xF7A  }
0x23: {  	s9 =	sor.u32 $0xD0000000, s2;
	s6 =	simm.s32 $0x108;
	_ =	swait.ge @!p0 [sflag:s8], $0x0  }
0x24: {  	s3 =	sadd.s32 $0x88, s3;
	s6 =	simm.s32 @!p1 $0x1082;
	[sflag:s4] =	ssyncset.s32 $0xFFFFF086  }
0x25: {  	[simem:s6], [sflag:s4] =	dma.local [hbm:s3], $0xF7A  }
0x26: {  	[smem:$0x3F96] =	sst s1;
	(tag) =	ssettag s2;
	_ =	strace s9  }
0x27: {  	s1 =	sld [smem:$0x3FA6]  }
0x28: {  	s2 =	sld [smem:$0x3FA7]  }
0x29: {  	s4 =	sld [smem:$0x3FA9]  }
0x2a: {  	p0 =	seq.s32 s5, $0x0;
	s5 =	sld [smem:$0x3FAA]  }
0x2b: {  	s6 =	sld [smem:$0x3FAB]  }
0x2c: {  	s7 =	sld [smem:$0x3FAC]  }
0x2d: {  	s3 =	simm.s32 $0x108;
	s8 =	sld [smem:$0x3FAD]  }
0x2e: {  	s3 =	simm.s32 @!p0 $0x1082;
	s9 =	sld [smem:$0x3FAE]  }
0x2f: {  	lr =	sadd.s32 s0, s3;
	s0 =	sld [smem:$0x3FA5]  }
0x30: {  	s3 =	sld [smem:$0x3FA8]  }
0x31: {  	[smem:$0x3FB1] =	sst s10  }
0x32: {  	s10 =	sld [smem:$0x3FAF];
	_ =	sdelay $0x3  }
0x33: {  	p0 =	seq.s32 s10, $0x1;
	s10 =	sld [smem:$0x3FB1];
	_ =	sdelay $0x3  }
0x34: {  	[smem:$0x3FB1] =	sst s10  }
0x35: {  	s10 =	sld [smem:$0x3FB0];
	_ =	sdelay $0x3  }
0x36: {  	p1 =	seq.s32 s10, $0x1;
	s10 =	sld [smem:$0x3FB1];
	_ =	sdelay $0x3  }
0x37: {  	[smem:$0x3FB1] =	sst s10  }
0x38: {  	s10 =	sld [smem:$0x3FB2]  }
0x39: {  	_ = 	snop;
	(pc) =	sbr.ind lr, $3  }
0x3a: {  	_ = 	snop  }
0x3b: {  	_ = 	snop  }
0x3c: {  	p2 =	seq.s32 s10, $0x1;
	s10 =	sld [smem:$0x3FB1]  }
0x3d: {  	_ =	shalt  }
0x3e: {  	_ =	shalt  }
0x3f: {  	_ =	shalt  }
0x40: {  	_ =	shalt  }
0x41: {  	_ =	shalt  }
0x42: {  	_ =	shalt  }
0x43: {  	_ =	shalt  }
0x44: {  	_ =	shalt  }
0x45: {  	_ =	shalt  }
0x46: {  	_ =	shalt  }
0x47: {  	_ =	shalt  }
0x48: {  	_ =	shalt  }
0x49: {  	_ =	shalt  }
0x4a: {  	_ =	shalt  }
0x4b: {  	_ =	shalt  }
0x4c: {  	_ =	shalt  }
0x4d: {  	_ =	shalt  }
0x4e: {  	_ =	shalt  }
0x4f: {  	_ =	shalt  }
0x50: {  	_ =	shalt  }
0x51: {  	_ =	shalt  }
0x52: {  	_ =	shalt  }
0x53: {  	_ =	shalt  }
0x54: {  	_ =	shalt  }
0x55: {  	_ =	shalt  }
0x56: {  	_ =	shalt  }
0x57: {  	_ =	shalt  }
0x58: {  	_ =	shalt  }
0x59: {  	_ =	shalt  }
0x5a: {  	_ =	shalt  }
0x5b: {  	_ =	shalt  }
0x5c: {  	_ =	shalt  }
0x5d: {  	_ =	shalt  }
0x5e: {  	_ =	shalt  }
0x5f: {  	_ =	shalt  }
0x60: {  	_ =	shalt  }
0x61: {  	_ =	shalt  }
0x62: {  	_ =	shalt  }
0x63: {  	_ =	shalt  }
0x64: {  	_ =	shalt  }
0x65: {  	_ =	shalt  }
0x66: {  	_ =	shalt  }
0x67: {  	_ =	shalt  }
0x68: {  	_ =	shalt  }
0x69: {  	_ =	shalt  }
0x6a: {  	_ =	shalt  }
0x6b: {  	_ =	shalt  }
0x6c: {  	_ =	shalt  }
0x6d: {  	_ =	shalt  }
0x6e: {  	_ =	shalt  }
0x6f: {  	_ =	shalt  }
0x70: {  	_ =	shalt  }
0x71: {  	_ =	shalt  }
0x72: {  	_ =	shalt  }
0x73: {  	_ =	shalt  }
0x74: {  	_ =	shalt  }
0x75: {  	_ =	shalt  }
0x76: {  	_ =	shalt  }
0x77: {  	_ =	shalt  }
0x78: {  	_ =	shalt  }
0x79: {  	_ =	shalt  }
0x7a: {  	_ =	shalt  }
0x7b: {  	_ =	shalt  }
0x7c: {  	_ =	shalt  }
0x7d: {  	_ =	shalt  }
0x7e: {  	_ =	shalt  }
0x7f: {  	_ =	shalt  }
0x80: {  	_ =	shalt  }
0x81: {  	_ =	shalt  }
0x82: {  	_ =	shalt  }
0x83: {  	_ =	shalt  }
0x84: {  	_ =	shalt  }
0x85: {  	_ =	shalt  }
0x86: {  	_ =	shalt  }
0x87: {  	_ =	shalt  }
.Lfunc_end0:
.L_simem_size_0:
called_computation_lowered:
.L_overlay_start_0:
0x88: {  	s2 =	sld [smem:$0x3FD9]  }
0x89: {  	s3 =	sld [smem:$0x3FFE];
	_ =	sdelay $0x1  }
0x8a: {  	s1 =	srdreg.scid  }
0x8b: {  	s0 =	sand.u32 $0x1, s1  }
0x8c: {  	s16 =	sshll.u32 s0, $0xA;
	s2 =	sadd.s32 s3, s2  }
0x8d: {  	s2 =	sadd.s32 s2, s16  }
0x8e: {  	[smem:$0x3FBD] =	sst s2  }
0x8f: {  	_ = 	snop  }
0x90: {  	(tm) =	ssettm $0x1  }
0x91: {  	s17 =	sld [smem:$0x3FFB];
	_ =	sdelay $0x3  }
0x92: {  	_ =	strace s17  }
0x93: {  	s2 =	sld [smem:$0x3FFC];
	_ =	sdelay $0x3  }
0x94: {  	_ =	strace s2  }
0x95: {  	s2 =	sld [smem:$0x3FFD];
	_ =	sdelay $0x3  }
0x96: {  	_ =	strace s2  }
0x97: {  	_ =	strace $0x8FFFFFFF  }
0x98: {  	s18 =	sld [smem:$0x3FDB];
	_ =	sdelay $0x1  }
0x99: {  	s19 =	simm.s32 $_scs_section_size  }
0x9a: {  	s4 =	simm.s32 $_size__tile_overlayer_lowered;
	s5 =	simm.s32 $_tile_overlayer_lowered  }
0x9b: {  	s22 =	simm.s32 $0x1BFF;
	s21 =	sshll.u32 s5, $0x1;
	s2 =	sadd.s32 s19, s18  }
0x9c: {  	s6 =	simm.s32 $0x0;
	s20 =	sshll.u32 s4, $0x1;
	s4 =	sadd.s32 s21, s2  }
0x9d: {  	[timem:s6], [sflag:s22] =	dma.local [hbm:s4], s20  }
0x9e: {  	_ =	swait.ge [sflag:s22], s20  }
0x9f: {  	s3 =	ssub.s32 $0x0, s20;
	[sflag:s22] =	ssyncset.done $0x0  }
0xa0: {  	[sflag:s22] =	ssyncadd.s32 s3;
	_ =	sdelay $0x1  }
0xa1: {  	s23 =	simm.s32 $0x1B8B  }
0xa2: {  	_ =	swait.ge [sflag:s23], $0x1  }
0xa3: {  	[sflag:s23] =	ssyncset.done $0x0  }
0xa4: {  	s25 =	simm.s32 $0x1B8E;
	s24 =	sld [smem:$0x3FFE];
	[sflag:s23] =	ssyncadd.s32 $0xFFFFFFFF  }
0xa5: {  	s26 =	simm.s32 $execute0_lowered;
	[smem:$0x3FD2] =	sst s25  }
0xa6: {  	s4 =	sshll.u32 s26, $0x1;
	_ =	strace $0x80000046;
	[dreg:$0x1] =	wrdreg $0xFFFFFFFF  }
0xa7: {  	s28 =	simm.s32 $_size_execute0_lowered;
	s2 =	sadd.s32 s2, s4;
	[dreg:$0x0] =	wrdreg $0x0  }
0xa8: {  	s4 =	sshll.u32 s28, $0x1;
	[dreg:$0x2] =	wrdreg s2  }
0xa9: {  	[dreg:$0x3] =	wrdreg s4  }
0xaa: {  	[dreg:$0x4] =	wrdreg $0xC0  }
0xab: {  	_ =	task [dreg:s6], $0x5FFFF  }
0xac: {  	[dreg:$0x1] =	wrdreg $0xFFFFFFFF  }
0xad: {  	[dreg:$0x0] =	wrdreg $0x60  }
0xae: {  	[dreg:$0x2] =	wrdreg s24  }
0xaf: {  	[dreg:$0x3] =	wrdreg $0xA1000  }
0xb0: {  	[dreg:$0x4] =	wrdreg $0x9  }
0xb1: {  	_ =	task.clear_ibuf [dreg:s6], $0x5FFFF;
	_ =	strace $0x90000046  }
0xb2: {  	s29 =	simm.s32 $0x9;
	_ =	strace $0x80000048  }
0xb3: {  	_ =	swait.ge [sflag:s29], $0x1  }
0xb4: {  	[sflag:s29] =	ssyncadd.s32 $0xFFFFFFFF  }
0xb5: {  	_ =	strace $0x90000048  }
0xb6: {  	_ =	sfence  }
0xb7: {  	s30 =	sld [smem:$0x0];
	_ =	sdelay $0x2  }
0xb8: {  	s31 =	sshll.u32 s1, $0xD;
	s1 =	sshrl.u32 s1, $0x2  }
0xb9: {  	s3 =	sand.u32 $0x4000, s31;
	s1 =	sadd.s32 s1, s30  }
0xba: {  	s0 =	sor.u32 s3, s0;
	s1 =	sshll.u32 s1, $0x11  }
0xbb: {  	s0 =	sor.u32 s1, s0  }
0xbc: {  	s0 =	sadd.s32 $0x8F2B, s0  }
0xbd: {  	[sflag:s0] =	ssyncadd.remote.s32 $0x1  }
0xbe: {  	_ =	sfence.sel $0xFFFF  }
0xbf: {  	[dreg:$0x0] =	wrdreg $0xFFFFFFFF;
	(pc) =	sbr.abs _section_cstart, $3  }
0xc0: {  	[dreg:$0x1] =	wrdreg $0xFFFFFFFF  }
0xc1: {  	_ =	task.clear_ibuf [dreg:s6], $0x2FFFF;
	_ =	strace $0x9FFFFFFF  }
0xc2: {  	(tm) =	ssettm $0x7FFFFFFF  }
0xc3: {  	_ =	shalt  }
tec
execute0_lowered:
.L_overlay_start_1:
0x0: {  	(tag) =	ssettag $0x1  }
0x1: {  	s0 =	srdreg.scid  }
0x2: {  	s7 =	stileid.u32;
	s2 =	rddreg [dreg:$0x0]  }
0x3: {  	s5 =	rddreg [dreg:$0x1];
	s3 =	smul.u32 $0x4E80, s7  }
0x4: {  	s8 =	simm.s32 $0x0;
	s23 =	simm.s32 $0x1;
	s4 =	smul.u32 $0x280, s7  }
0x5: {  	s24 =	simm.s32 $0x4E80;
	s0 =	sand.u32 $0x1, s0;
	s28 =	smul.u32 $0xA000, s7  }
0x6: {  	s30 =	simm.s32 $0x9700;
	s31 =	simm.s32 $0x9980;
	s1 =	smul.u32 $0x4E800, s0  }
0x7: {  	[smem:$0x7FF] =	sst s8;
	s6 =	smul.u32 $0x2800, s0;
	s0 =	ssub.s32 $0x2, s0  }
0x8: {  	_ =	strace $0x80000047;
	s29 =	sshrl.u32 s0, $0x1;
	s1 =	sadd.s32 s3, s1  }
0x9: {  	s26 =	sadd.s32 s4, s6;
	s0 =	ssub.s32 s0, s29;
	s6 =	sshrl.u32 s28, $0x2  }
0xa: {  	s1 =	sshrl.u32 s1, $0x3;
	s3 =	sshrl.u32 s26, $0x3;
	s22 =	smax.u32 s0, $0x1  }
0xb: {  	s0 =	simm.s32 $0x9E80;
	s1 =	sadd.s32 s1, s2;
	s2 =	sadd.s32 s3, s2  }
0xc: {  	s3 =	sadd.s32 s4, s5;
	s5 =	sadd.s32 s6, s5;
	s4 =	sadd.s32 $0x2400, s1  }
0xd: {  	s6 =	sadd.s32 $0x2800, s3;
	s7 =	sadd.s32 $0x5000, s3;
	s8 =	sadd.s32 $0x7800, s3  }
0xe: {  	s9 =	sadd.s32 $0xA000, s3;
	s10 =	sadd.s32 $0xC800, s3;
	s11 =	sadd.s32 $0xF000, s3  }
0xf: {  	s12 =	sadd.s32 $0x11800, s3;
	s13 =	sadd.s32 $0x14000, s3;
	s14 =	sadd.s32 $0x16800, s3  }
0x10: {  	s15 =	sadd.s32 $0x19000, s3;
	s16 =	sadd.s32 $0x1B800, s3;
	s17 =	sadd.s32 $0x1E000, s3  }
0x11: {  	s18 =	sadd.s32 $0x20800, s3;
	s19 =	sadd.s32 $0x23000, s3;
	s20 =	sadd.s32 $0x25800, s3  }
0x12: {  	v0 =	vimm.f32 $0.0e+00;
	v1 =	vimm.f32 $1.000000000e+00;
	s21 =	sadd.s32 $0x15E00, s2;
	s1 =	simm.s32 $0x9C00;
	s2 =	simm.s32 $0x0  }
.LBB2_1:
0x13: {  	s25 =	simm.s32 $0x40;
	s26 =	simm.s32 $0x0  }
.LBB2_2:
0x14: {  	p0 =	sne.s32 s25, $0x9FC0;
	[tilespmem:s26+$0x4E80] =	vst v0;
	s26 =	smov.u32 s25;
	s25 =	sadd.s32 $0x40, s25  }
.Ltmp0:
0x15: {  	(pc) =	sbr.rel @p0 .LBB2_2-.Ltmp0, $2  }
0x16: {  	_ =	sdelay $0x2  }
0x17: {  	s26 =	sshra.s32 s26, $0x2  }
0x18: {  	[tilespmem:s26+$0x4E80] =	vst v0;
	s25 =	simm.s32 $0x0  }
0x19: {  	[tilespmem:s25], [sflag:$0x1] =	stream.linear.gather [hbm4b:s4+s25], $0x4E80, $0x38;
	[tilespmem:$0xC900] =	vst v63  }
0x1a: {  	_ =	swait.ge [sflag:s23], $0x4E80  }
0x1b: {  	[sflag:s23] =	ssyncset.done $0x0  }
0x1c: {  	s26 =	simm.s32 $0x0;
	s25 =	simm.s32 $0x40;
	[sflag:s23] =	ssyncadd.s32 $0xFFFFB180  }
.LBB2_4:
0x1d: {  	p0 =	sne.s32 s25, $0x139C0;
	v2 =	vld [tilespmem:s26+$0x0];
	_ =	sdelay $0x3  }
.Ltmp1:
0x1e: {  	(pc) =	sbr.rel @p0 .LBB2_4-.Ltmp1, $2  }
0x1f: {  	_ =	sdelay $0x2  }
0x20: {  	s26 =	sshra.s32 s25, $0x2;
	s25 =	sadd.s32 $0x40, s25;
	[tilespmem:v2+s24+$0x0] =	vst.idx.add.f32.msk $0xffff, v1  }
0x21: {  	v2 =	vld [tilespmem:s26+$0x0];
	_ =	sdelay $0x7  }
0x22: {  	[tilespmem:v2+s24+$0x0] =	vst.idx.add.f32.msk $0xffff, v1  }
0x23: {  	[spmem:s5] =	stream.linear.scatter [tilespmem:s24], [sflag:$0x1], $0x2800, $0x38;
	[tilespmem:$0xC900] =	vst v63  }
0x24: {  	_ =	swait.ge [sflag:s23], $0x2800  }
0x25: {  	[sflag:s23] =	ssyncset.done $0x0  }
0x26: {  	[sflag:s23] =	ssyncadd.s32 $0xFFFFD800  }
0x27: {  	s25 =	simm.s32 $0x7680;
	[bflag:$0x0] =	sbarrier.arrive $0xFFFF  }
0x28: {  	[tilespmem:s25], [sflag:$0x1] =	stream.linear.gather [spmem:s3], $0x280, $0x38;
	[tilespmem:$0xC900] =	vst v63  }
0x29: {  	_ =	swait.ge [sflag:s23], $0x280  }
0x2a: {  	[sflag:s23] =	ssyncset.done $0x0  }
0x2b: {  	s26 =	simm.s32 $0x7900;
	[sflag:s23] =	ssyncadd.s32 $0xFFFFFD80  }
0x2c: {  	[tilespmem:s26], [sflag:$0x1] =	stream.linear.gather [spmem:s6], $0x280, $0x38;
	[tilespmem:$0xC900] =	vst v63  }
0x2d: {  	_ =	swait.ge [sflag:s23], $0x280  }
0x2e: {  	[sflag:s23] =	ssyncset.done $0x0  }
0x2f: {  	s26 =	simm.s32 $0x7B80;
	[sflag:s23] =	ssyncadd.s32 $0xFFFFFD80  }
0x30: {  	[tilespmem:s26], [sflag:$0x1] =	stream.linear.gather [spmem:s7], $0x280, $0x38;
	[tilespmem:$0xC900] =	vst v63  }
0x31: {  	_ =	swait.ge [sflag:s23], $0x280  }
0x32: {  	[sflag:s23] =	ssyncset.done $0x0  }
0x33: {  	s26 =	simm.s32 $0x7E00;
	[sflag:s23] =	ssyncadd.s32 $0xFFFFFD80  }
0x34: {  	[tilespmem:s26], [sflag:$0x1] =	stream.linear.gather [spmem:s8], $0x280, $0x38;
	[tilespmem:$0xC900] =	vst v63  }
0x35: {  	_ =	swait.ge [sflag:s23], $0x280  }
0x36: {  	[sflag:s23] =	ssyncset.done $0x0  }
0x37: {  	s26 =	simm.s32 $0x8080;
	[sflag:s23] =	ssyncadd.s32 $0xFFFFFD80  }
0x38: {  	[tilespmem:s26], [sflag:$0x1] =	stream.linear.gather [spmem:s9], $0x280, $0x38;
	[tilespmem:$0xC900] =	vst v63  }
0x39: {  	_ =	swait.ge [sflag:s23], $0x280  }
0x3a: {  	[sflag:s23] =	ssyncset.done $0x0  }
0x3b: {  	s26 =	simm.s32 $0x8300;
	[sflag:s23] =	ssyncadd.s32 $0xFFFFFD80  }
0x3c: {  	[tilespmem:s26], [sflag:$0x1] =	stream.linear.gather [spmem:s10], $0x280, $0x38;
	[tilespmem:$0xC900] =	vst v63  }
0x3d: {  	_ =	swait.ge [sflag:s23], $0x280  }
0x3e: {  	[sflag:s23] =	ssyncset.done $0x0  }
0x3f: {  	s26 =	simm.s32 $0x8580;
	[sflag:s23] =	ssyncadd.s32 $0xFFFFFD80  }
0x40: {  	[tilespmem:s26], [sflag:$0x1] =	stream.linear.gather [spmem:s11], $0x280, $0x38;
	[tilespmem:$0xC900] =	vst v63  }
0x41: {  	_ =	swait.ge [sflag:s23], $0x280  }
0x42: {  	[sflag:s23] =	ssyncset.done $0x0  }
0x43: {  	s26 =	simm.s32 $0x8800;
	[sflag:s23] =	ssyncadd.s32 $0xFFFFFD80  }
0x44: {  	[tilespmem:s26], [sflag:$0x1] =	stream.linear.gather [spmem:s12], $0x280, $0x38;
	[tilespmem:$0xC900] =	vst v63  }
0x45: {  	_ =	swait.ge [sflag:s23], $0x280  }
0x46: {  	[sflag:s23] =	ssyncset.done $0x0  }
0x47: {  	s26 =	simm.s32 $0x8A80;
	[sflag:s23] =	ssyncadd.s32 $0xFFFFFD80  }
0x48: {  	[tilespmem:s26], [sflag:$0x1] =	stream.linear.gather [spmem:s13], $0x280, $0x38;
	[tilespmem:$0xC900] =	vst v63  }
0x49: {  	_ =	swait.ge [sflag:s23], $0x280  }
0x4a: {  	[sflag:s23] =	ssyncset.done $0x0  }
0x4b: {  	s26 =	simm.s32 $0x8D00;
	[sflag:s23] =	ssyncadd.s32 $0xFFFFFD80  }
0x4c: {  	[tilespmem:s26], [sflag:$0x1] =	stream.linear.gather [spmem:s14], $0x280, $0x38;
	[tilespmem:$0xC900] =	vst v63  }
0x4d: {  	_ =	swait.ge [sflag:s23], $0x280  }
0x4e: {  	[sflag:s23] =	ssyncset.done $0x0  }
0x4f: {  	s26 =	simm.s32 $0x8F80;
	[sflag:s23] =	ssyncadd.s32 $0xFFFFFD80  }
0x50: {  	[tilespmem:s26], [sflag:$0x1] =	stream.linear.gather [spmem:s15], $0x280, $0x38;
	[tilespmem:$0xC900] =	vst v63  }
0x51: {  	_ =	swait.ge [sflag:s23], $0x280  }
0x52: {  	[sflag:s23] =	ssyncset.done $0x0  }
0x53: {  	s26 =	simm.s32 $0x9200;
	[sflag:s23] =	ssyncadd.s32 $0xFFFFFD80  }
0x54: {  	[tilespmem:s26], [sflag:$0x1] =	stream.linear.gather [spmem:s16], $0x280, $0x38;
	[tilespmem:$0xC900] =	vst v63  }
0x55: {  	_ =	swait.ge [sflag:s23], $0x280  }
0x56: {  	[sflag:s23] =	ssyncset.done $0x0  }
0x57: {  	s26 =	simm.s32 $0x9480;
	[sflag:s23] =	ssyncadd.s32 $0xFFFFFD80  }
0x58: {  	[tilespmem:s26], [sflag:$0x1] =	stream.linear.gather [spmem:s17], $0x280, $0x38;
	[tilespmem:$0xC900] =	vst v63  }
0x59: {  	_ =	swait.ge [sflag:s23], $0x280  }
0x5a: {  	[sflag:s23] =	ssyncset.done $0x0  }
0x5b: {  	[sflag:s23] =	ssyncadd.s32 $0xFFFFFD80  }
0x5c: {  	[tilespmem:s30], [sflag:$0x1] =	stream.linear.gather [spmem:s18], $0x280, $0x38;
	[tilespmem:$0xC900] =	vst v63  }
0x5d: {  	_ =	swait.ge [sflag:s23], $0x280  }
0x5e: {  	[sflag:s23] =	ssyncset.done $0x0  }
0x5f: {  	[sflag:s23] =	ssyncadd.s32 $0xFFFFFD80  }
0x60: {  	[tilespmem:s31], [sflag:$0x1] =	stream.linear.gather [spmem:s19], $0x280, $0x38;
	[tilespmem:$0xC900] =	vst v63  }
0x61: {  	_ =	swait.ge [sflag:s23], $0x280  }
0x62: {  	[sflag:s23] =	ssyncset.done $0x0  }
0x63: {  	[sflag:s23] =	ssyncadd.s32 $0xFFFFFD80  }
0x64: {  	[tilespmem:s1], [sflag:$0x1] =	stream.linear.gather [spmem:s20], $0x280, $0x38;
	[tilespmem:$0xC900] =	vst v63  }
0x65: {  	_ =	swait.ge [sflag:s23], $0x280  }
0x66: {  	[sflag:s23] =	ssyncset.done $0x0  }
0x67: {  	s26 =	simm.s32 $0x0;
	[sflag:s23] =	ssyncadd.s32 $0xFFFFFD80  }
0x68: {  	v2 =	vld [tilespmem:s26+$0x7680]  }
0x69: {  	v3 =	vld [tilespmem:s26+$0x7900];
	_ =	sdelay $0x1  }
0x6a: {  	v4 =	vld [tilespmem:s26+$0x7B80];
	_ =	sdelay $0x1  }
0x6b: {  	v5 =	vld [tilespmem:s26+$0x7E00]  }
0x6c: {  	v2 =	vadd.f32 v3, v2  }
0x6d: {  	v3 =	vld [tilespmem:s26+$0x8080]  }
0x6e: {  	v2 =	vadd.f32 v4, v2  }
0x6f: {  	v4 =	vld [tilespmem:s26+$0x8300]  }
0x70: {  	v2 =	vadd.f32 v5, v2  }
0x71: {  	v5 =	vld [tilespmem:s26+$0x8580]  }
0x72: {  	v2 =	vadd.f32 v3, v2  }
0x73: {  	v3 =	vld [tilespmem:s26+$0x8800]  }
0x74: {  	s25 =	simm.s32 $0x10;
	v6 =	vld [tilespmem:s26+$0x8A80];
	v2 =	vadd.f32 v4, v2  }
0x75: {  	v7 =	vld [tilespmem:s25+$0x7680]  }
0x76: {  	v4 =	vld [tilespmem:s26+$0x8D00];
	v2 =	vadd.f32 v5, v2  }
0x77: {  	v5 =	vld [tilespmem:s25+$0x7900]  }
0x78: {  	v8 =	vld [tilespmem:s25+$0x7B80];
	v2 =	vadd.f32 v3, v2  }
0x79: {  	v3 =	vld [tilespmem:s26+$0x8F80]  }
0x7a: {  	v9 =	vld [tilespmem:s25+$0x7E00];
	v2 =	vadd.f32 v6, v2  }
0x7b: {  	v6 =	vld [tilespmem:s26+$0x9200]  }
0x7c: {  	v5 =	vadd.f32 v5, v7;
	v7 =	vld [tilespmem:s25+$0x8080];
	v2 =	vadd.f32 v4, v2  }
0x7d: {  	v4 =	vld [tilespmem:s26+$0x9480]  }
0x7e: {  	v5 =	vadd.f32 v8, v5;
	v8 =	vld [tilespmem:s25+$0x8300];
	v2 =	vadd.f32 v3, v2  }
0x7f: {  	v3 =	vld [tilespmem:s26+$0x9700]  }
0x80: {  	v10 =	vld [tilespmem:s25+$0x8580];
	v5 =	vadd.f32 v9, v5;
	v2 =	vadd.f32 v6, v2  }
0x81: {  	v9 =	vld [tilespmem:s26+$0x9980]  }
0x82: {  	v6 =	vadd.f32 v7, v5;
	v5 =	vld [tilespmem:s25+$0x8800];
	v7 =	vadd.f32 v4, v2  }
0x83: {  	v4 =	vld [tilespmem:s26+$0x9C00]  }
0x84: {  	v2 =	vld [tilespmem:s25+$0x8D00];
	v8 =	vadd.f32 v8, v6;
	v11 =	vadd.f32 v3, v7  }
0x85: {  	s28 =	simm.s32 $0x20;
	v6 =	vld [tilespmem:s25+$0x8A80]  }
0x86: {  	s29 =	simm.s32 $0xC0;
	v3 =	vld [tilespmem:s28+$0x7680];
	v7 =	vadd.f32 v10, v8;
	v8 =	vadd.f32 v9, v11  }
.LBB2_6:
0x87: {  	p0 =	sne.s32 s29, $0x9C0;
	v9 =	vld [tilespmem:s28+$0x7900]  }
0x88: {  	v5 =	vadd.f32 v5, v7;
	v7 =	vld [tilespmem:s25+$0x8F80];
	v4 =	vadd.f32 v4, v8  }
0x89: {  	v8 =	vld [tilespmem:s28+$0x7B80]  }
0x8a: {  	v5 =	vadd.f32 v6, v5;
	v6 =	vld [tilespmem:s25+$0x9200];
	[tilespmem:s26+$0x9E80] =	vst v4;
	s26 =	smov.u32 s25;
	s25 =	smov.u32 s28  }
0x8b: {  	v4 =	vld [tilespmem:s25+$0x7E00]  }
0x8c: {  	v3 =	vadd.f32 v9, v3;
	v2 =	vadd.f32 v2, v5;
	v5 =	vld [tilespmem:s26+$0x9480]  }
0x8d: {  	v9 =	vld [tilespmem:s25+$0x8080]  }
0x8e: {  	v3 =	vadd.f32 v8, v3;
	v2 =	vadd.f32 v7, v2;
	v7 =	vld [tilespmem:s26+$0x9700]  }
0x8f: {  	v8 =	vld [tilespmem:s25+$0x8300]  }
0x90: {  	v3 =	vadd.f32 v4, v3;
	v2 =	vadd.f32 v6, v2;
	v10 =	vld [tilespmem:s26+$0x9980]  }
0x91: {  	v11 =	vld [tilespmem:s25+$0x8580]  }
.Ltmp2:
0x92: {  	v3 =	vadd.f32 v9, v3;
	v6 =	vadd.f32 v5, v2;
	v4 =	vld [tilespmem:s26+$0x9C00];
	(pc) =	sbr.rel @p0 .LBB2_6-.Ltmp2, $4  }
0x93: {  	v5 =	vld [tilespmem:s25+$0x8800]  }
0x94: {  	v8 =	vadd.f32 v8, v3;
	v2 =	vld [tilespmem:s25+$0x8D00];
	v9 =	vadd.f32 v7, v6  }
0x95: {  	s28 =	sshra.s32 s29, $0x2;
	v6 =	vld [tilespmem:s25+$0x8A80]  }
0x96: {  	s29 =	sadd.s32 $0x40, s29;
	v3 =	vld [tilespmem:s28+$0x7680];
	v7 =	vadd.f32 v11, v8;
	v8 =	vadd.f32 v10, v9  }
0x97: {  	v9 =	vld [tilespmem:s28+$0x7900]  }
0x98: {  	v10 =	vld [tilespmem:s25+$0x8F80];
	v4 =	vadd.f32 v4, v8  }
0x99: {  	v49 =	vld [tilespmem:s28+$0x7B80]  }
0x9a: {  	v11 =	vld [tilespmem:s25+$0x9200];
	v5 =	vadd.f32 v5, v7;
	[tilespmem:s26+$0x9E80] =	vst v4  }
0x9b: {  	v4 =	vld [tilespmem:s28+$0x7E00]  }
0x9c: {  	v5 =	vadd.f32 v6, v5;
	v3 =	vadd.f32 v9, v3  }
0x9d: {  	v50 =	vld [tilespmem:s28+$0x8080]  }
0x9e: {  	v51 =	vld [tilespmem:s25+$0x9480];
	v2 =	vadd.f32 v2, v5;
	v3 =	vadd.f32 v49, v3  }
0x9f: {  	v52 =	vld [tilespmem:s28+$0x8300]  }
0xa0: {  	v53 =	vld [tilespmem:s25+$0x9700];
	v2 =	vadd.f32 v10, v2;
	v3 =	vadd.f32 v4, v3  }
0xa1: {  	v54 =	vld [tilespmem:s28+$0x8580]  }
0xa2: {  	v55 =	vld [tilespmem:s25+$0x9980];
	v2 =	vadd.f32 v11, v2;
	v3 =	vadd.f32 v50, v3  }
0xa3: {  	v56 =	vld [tilespmem:s28+$0x8800]  }
0xa4: {  	v57 =	vld [tilespmem:s25+$0x9C00];
	v2 =	vadd.f32 v51, v2;
	v3 =	vadd.f32 v52, v3  }
0xa5: {  	v58 =	vld [tilespmem:s28+$0x8A80]  }
0xa6: {  	v2 =	vadd.f32 v53, v2;
	v3 =	vadd.f32 v54, v3  }
0xa7: {  	v59 =	vld [tilespmem:s28+$0x8D00]  }
0xa8: {  	v2 =	vadd.f32 v55, v2;
	v3 =	vadd.f32 v56, v3  }
0xa9: {  	v60 =	vld [tilespmem:s28+$0x8F80]  }
0xaa: {  	v2 =	vadd.f32 v57, v2;
	v3 =	vadd.f32 v58, v3  }
0xab: {  	v61 =	vld [tilespmem:s28+$0x9200]  }
0xac: {  	[tilespmem:s25+$0x9E80] =	vst v2;
	v2 =	vadd.f32 v59, v3  }
0xad: {  	v3 =	vld [tilespmem:s28+$0x9480]  }
0xae: {  	v2 =	vadd.f32 v60, v2  }
0xaf: {  	v62 =	vld [tilespmem:s28+$0x9700]  }
0xb0: {  	v2 =	vadd.f32 v61, v2  }
0xb1: {  	v63 =	vld [tilespmem:s28+$0x9980]  }
0xb2: {  	v2 =	vadd.f32 v3, v2  }
0xb3: {  	v3 =	vld [tilespmem:s28+$0x9C00]  }
0xb4: {  	v2 =	vadd.f32 v62, v2;
	_ =	sdelay $0x1  }
0xb5: {  	v2 =	vadd.f32 v63, v2;
	_ =	sdelay $0x1  }
0xb6: {  	s2 =	sadd.s32 $0x1, s2;
	v2 =	vadd.f32 v3, v2  }
0xb7: {  	p0 =	sne.s32 s2, s22  }
.Ltmp3:
0xb8: {  	s29 =	simm.s32 $0x0;
	[tilespmem:s28+$0x9E80] =	vst v2;
	(pc) =	sbr.rel @p0 .LBB2_1-.Ltmp3, $4  }
0xb9: {  	[hbm4b:s21+s29] =	stream.linear.scatter [tilespmem:s0], [sflag:$0x1], $0x280, $0x38;
	[tilespmem:$0xC900] =	vst v63  }
0xba: {  	_ =	swait.ge [sflag:s23], $0x280  }
0xbb: {  	[sflag:s23] =	ssyncset.done $0x0  }
0xbc: {  	[sflag:s23] =	ssyncadd.s32 $0xFFFFFD80  }
0xbd: {  	_ =	sfence.sel $0x180000  }
0xbe: {  	[bflag:$0x0] =	sbarrier.arrive $0xFFFF  }
0xbf: {  	_ =	strace $0x90000047  }
0xc0: {  	s0 =	stileid.u32;
	[bflag:$0x2] =	sbarrier.arrive $0xFFFF  }
0xc1: {  	p0 =	sne.s32 s0, $0x0;
	s0 =	rddreg [dreg:$0x2]  }
0xc2: {  	s0 =	sadd.s32 @!p0 $0x100000, s0  }
0xc3: {  	[sflag:s0] =	ssyncadd.tile.s32 @!p0 $0x1;
	_ =	shalt  }
.Lfunc_end2:
_tile_overlayer_lowered:
.L_overlay_start_2:
0xc4: {  	(tag) =	ssettag $0x2  }
0xc5: {  	s0 =	rddreg [dreg:$0x0];
	s2 =	stileid.u32  }
0xc6: {  	s1 =	rddreg [dreg:$0x1];
	p0 =	sne.s32 s2, $0x0  }
0xc7: {  	s3 =	rddreg [dreg:$0x2];
	[bflag:$0x3] =	sbarrier.arrive $0xFFFF;
	s2 =	simm.s32 @!p0 $0x1C01  }
0xc8: {  	[timem:s3], [sflag:s2] =	dma.local @!p0 [hbm:s0], s1  }
0xc9: {  	s0 =	simm.s32 @!p0 $0x1  }
0xca: {  	_ =	swait.ge @!p0 [sflag:s0], s1  }
0xcb: {  	s1 =	ssub.s32 @!p0 $0x0, s1;
	[sflag:s0] =	ssyncset.done @!p0 $0x0  }
0xcc: {  	[sflag:s0] =	ssyncadd.s32 @!p0 s1  }
0xcd: {  	[bflag:$0x3] =	sbarrier.arrive $0xFFFF  }
0xce: {  	_ =	shalt  }

</sc_bundles>
